<compile_context>
chip_gen: v7x
topology: tpu7x:2x2x1
jax: 0.10.2.dev20260603
libtpu: 0.0.44.dev20260713+nightly
codegen_flags: <defaults>
</compile_context>

<pallas_src>
import functools

import jax
import jax.numpy as jnp
from jax import lax
from jax.experimental import pallas as pl
from jax.experimental.pallas import tpu as pltpu
from jax.experimental.pallas import tpu_sc as plsc

EPS = 1e-06

NC = 2
NS = 16
NW = NC * NS

CHUNK = 125
G = 64
OUT = 3


def _sc_mesh():
    return plsc.VectorSubcoreMesh(core_axis_name="c", subcore_axis_name="s",
                                  num_cores=NC, num_subcores=NS)


_ROW_CHUNKS = [(k * 120, 120) for k in range(5)] + [(600, 32)]


def _sc_agg_kernel(npad, d, num_chunks):
    rows_per_tile = npad // NS
    half = num_chunks // 2

    out_type = [jax.ShapeDtypeStruct((NC, npad, d), jnp.float32)]
    scratch = [
        pltpu.VMEM((half, CHUNK), jnp.int32),
        pltpu.VMEM((num_chunks, CHUNK), jnp.int32),
        pltpu.VMEM((CHUNK, d), jnp.float32),
        pltpu.VMEM_SHARED((npad, d), jnp.float32),
    ]

    def body(t_hbm, src_hbm, dst_hbm, out_hbm, src_v, dst_v, rows_v, acc_sh):
        zero16 = jnp.zeros((16,), jnp.float32)
        cid = lax.axis_index("c")
        sid = lax.axis_index("s")
        wid = cid * NS + sid

        pltpu.sync_copy(dst_hbm.at[wid], dst_v)

        def fill_zrow(i, c):
            for k in range(d // 16):
                rows_v[i, pl.ds(k * 16, 16)] = zero16
            return c
        lax.fori_loop(0, CHUNK, fill_zrow, 0)

        base = sid * rows_per_tile
        for off, ln in _ROW_CHUNKS:
            pltpu.sync_copy(rows_v.at[pl.ds(0, ln)],
                            acc_sh.at[pl.ds(base + off, ln)])
        plsc.subcore_barrier()

        def chunk_step(j, joff):
            pltpu.sync_copy(t_hbm.at[src_v.at[j]], rows_v)
            pltpu.sync_copy(rows_v, acc_sh.at[dst_v.at[j + joff]], add=True)
            return joff
        for phase in range(2):
            pltpu.sync_copy(src_hbm.at[wid, pl.ds(phase * half, half)], src_v)
            lax.fori_loop(0, half, chunk_step, phase * half)
        plsc.subcore_barrier()

        for off, ln in _ROW_CHUNKS:
            sl = pl.ds(base + off, ln)
            pltpu.sync_copy(acc_sh.at[sl], rows_v.at[pl.ds(0, ln)])
            pltpu.sync_copy(rows_v.at[pl.ds(0, ln)], out_hbm.at[cid].at[sl])

    return pl.kernel(body, out_type=out_type, mesh=_sc_mesh(),
                     scratch_types=scratch)


def _sc_count_kernel(npad, epw):
    groups = epw // 16
    out_type = [jax.ShapeDtypeStruct((NW, 1, npad), jnp.float32)]
    scratch = [
        pltpu.VMEM((groups, 16), jnp.int32),
        pltpu.VMEM((npad,), jnp.float32),
    ]

    def body(dst_hbm, cntout_hbm, dst_v, hist_v):
        zero16 = jnp.zeros((16,), jnp.float32)
        one16 = jnp.ones((16,), jnp.float32)
        cid = lax.axis_index("c")
        sid = lax.axis_index("s")
        wid = cid * NS + sid

        pltpu.sync_copy(dst_hbm.at[wid], dst_v)

        def zero_hist(k, c):
            hist_v[pl.ds(k * 16, 16)] = zero16
            return c
        lax.fori_loop(0, npad // 16, zero_hist, 0)

        def count_step(i, c):
            dvec = dst_v[i, :]
            plsc.addupdate_scatter(hist_v, [dvec], one16)
            return c
        lax.fori_loop(0, groups, count_step, 0)

        pltpu.sync_copy(hist_v, cntout_hbm.at[wid, 0])

    return pl.kernel(
        body, out_type=out_type, mesh=_sc_mesh(), scratch_types=scratch,
        compiler_params=pltpu.CompilerParams(needs_layout_passes=False))


def _lin_sp_body(x_ref, wt_ref, b_ref, o_ref):
    h = jnp.dot(x_ref[...], wt_ref[...],
                preferred_element_type=jnp.float32) + b_ref[...]
    o_ref[...] = h + EPS * jnp.sign(h)


def _mid_body(acc_ref, cnt_ref, wt_ref, b_ref, o_ref):
    a = acc_ref[0] + acc_ref[1]
    c = jnp.sum(cnt_ref[...], axis=1, keepdims=True)
    pooled = a / jnp.maximum(c, 1.0)
    m = pooled + EPS * jnp.sign(pooled)
    r = jnp.maximum(m, 0.0)
    h = jnp.dot(r, wt_ref[...], preferred_element_type=jnp.float32) + b_ref[...]
    o_ref[...] = h + EPS * jnp.sign(h)


def _final_body(acc_ref, cnt_ref, batch_ref, wt_ref, b_ref, o_ref,
                gsum_s, gcnt_s, *, nblocks, rowb):
    i = pl.program_id(0)

    @pl.when(i == 0)
    def _init():
        gsum_s[...] = jnp.zeros_like(gsum_s)
        gcnt_s[...] = jnp.zeros_like(gcnt_s)

    a = acc_ref[0] + acc_ref[1]
    c = jnp.sum(cnt_ref[...], axis=1, keepdims=True)
    pooled = a / jnp.maximum(c, 1.0)
    h = pooled + EPS * jnp.sign(pooled)

    bvals = jnp.broadcast_to(batch_ref[0], (G, rowb))
    gids = lax.broadcasted_iota(jnp.int32, (G, rowb), 0)
    onehot = (gids == bvals).astype(jnp.float32)
    gsum_s[...] += jnp.dot(onehot, h, preferred_element_type=jnp.float32)
    gcnt_s[...] += jnp.broadcast_to(
        jnp.sum(onehot, axis=1, keepdims=True), gcnt_s.shape)

    @pl.when(i == nblocks - 1)
    def _finish():
        graph = gsum_s[...] / jnp.maximum(gcnt_s[...], 1.0)
        o_ref[...] = jnp.dot(graph, wt_ref[...],
                             preferred_element_type=jnp.float32) + b_ref[...]


def kernel(x, edge_index, batch, W1, b1, W2, b2, W_out, b_out):
    n, d = x.shape
    e = edge_index.shape[1]
    rpt = 632
    npad = NS * rpt
    nblocks = 16
    rowb = rpt
    lin_rowb = n // 10
    num_chunks = e // (NW * CHUNK)
    assert e % (NW * CHUNK) == 0 and n % 10 == 0 and npad >= n

    src3 = edge_index[0].reshape(NW, num_chunks, CHUNK)
    dst3 = edge_index[1].reshape(NW, num_chunks, CHUNK)
    batch3 = jnp.pad(batch, (0, npad - n), constant_values=G).reshape(
        nblocks, 1, rowb)
    w1t = W1.T
    w2t = W2.T
    b1r = b1.reshape(1, d)
    b2r = b2.reshape(1, d)
    wot = jnp.pad(W_out.T, ((0, 0), (0, d - OUT)))
    bor = jnp.pad(b_out, (0, d - OUT)).reshape(1, d)

    lin1 = pl.pallas_call(
        _lin_sp_body,
        grid=(10,),
        in_specs=[pl.BlockSpec((lin_rowb, d), lambda i: (i, 0)),
                  pl.BlockSpec((d, d), lambda i: (0, 0)),
                  pl.BlockSpec((1, d), lambda i: (0, 0))],
        out_specs=pl.BlockSpec((lin_rowb, d), lambda i: (i, 0)),
        out_shape=jax.ShapeDtypeStruct((n, d), jnp.float32),
    )
    t1 = lin1(x, w1t, b1r)

    epw = e // NW
    dstc = edge_index[1].reshape(NW, epw // 16, 16)
    count_k = _sc_count_kernel(npad, epw)
    (cnt_raw,) = count_k(dstc)
    cnt1 = cnt_raw.reshape(NW, npad).T
    agg1 = _sc_agg_kernel(npad, d, num_chunks)
    (acc1,) = agg1(t1, src3, dst3)

    mid = pl.pallas_call(
        _mid_body,
        grid=(nblocks,),
        in_specs=[pl.BlockSpec((NC, rowb, d), lambda i: (0, i, 0)),
                  pl.BlockSpec((rowb, NW), lambda i: (i, 0)),
                  pl.BlockSpec((d, d), lambda i: (0, 0)),
                  pl.BlockSpec((1, d), lambda i: (0, 0))],
        out_specs=pl.BlockSpec((rowb, d), lambda i: (i, 0)),
        out_shape=jax.ShapeDtypeStruct((npad, d), jnp.float32),
    )
    t2 = mid(acc1, cnt1, w2t, b2r)

    agg2 = _sc_agg_kernel(npad, d, num_chunks)
    (acc2,) = agg2(t2, src3, dst3)

    final = pl.pallas_call(
        functools.partial(_final_body, nblocks=nblocks, rowb=rowb),
        grid=(nblocks,),
        in_specs=[pl.BlockSpec((NC, rowb, d), lambda i: (0, i, 0)),
                  pl.BlockSpec((rowb, NW), lambda i: (i, 0)),
                  pl.BlockSpec((1, 1, rowb), lambda i: (i, 0, 0)),
                  pl.BlockSpec((d, d), lambda i: (0, 0)),
                  pl.BlockSpec((1, d), lambda i: (0, 0))],
        out_specs=pl.BlockSpec((G, d), lambda i: (0, 0)),
        out_shape=jax.ShapeDtypeStruct((G, d), jnp.float32),
        scratch_shapes=[pltpu.VMEM((G, d), jnp.float32),
                        pltpu.VMEM((G, d), jnp.float32)],
    )
    logits_pad = final(acc2, cnt1, batch3, wot, bor)
    return logits_pad[:, :OUT]

# --- scband reference (transcript-rebuilt; emitter-appended) ---
"""Pipeline reference for scband-gnnmodel-66623532696338 (READ-ONLY COPY).

The authoritative reference and input builder live on the scoring server;
editing this copy changes nothing except your own understanding.
"""

import jax, jax.numpy as jnp
import numpy as np

N = 10000   # num nodes
E = 320000  # num edges
D = 128     # feature dim (in_dim = hidden dims)
G = 64      # num graphs in batch
OUT = 3     # out_dim
P = 1.0     # conv_p (signed power-mean parameter)
EPS = 1e-06


def signed_pow(v, p):
    return jnp.sign(v) * (jnp.abs(v) + EPS) ** p


def setup_inputs(seed: int = 0) -> dict:
    key = jax.random.key(seed)
    ks = jax.random.split(key, 10)
    x = jax.random.normal(ks[0], (N, D), dtype=jnp.float32)
    edge_index = jax.random.randint(ks[1], (2, E), 0, N, dtype=jnp.int32)
    batch = jnp.sort(jax.random.randint(ks[2], (N,), 0, G, dtype=jnp.int32))
    s = 1.0 / np.sqrt(D)
    W1 = jax.random.normal(ks[3], (D, D), dtype=jnp.float32) * s
    b1 = jax.random.normal(ks[4], (D,), dtype=jnp.float32) * 0.01
    W2 = jax.random.normal(ks[5], (D, D), dtype=jnp.float32) * s
    b2 = jax.random.normal(ks[6], (D,), dtype=jnp.float32) * 0.01
    # lin_out weight: orthogonal-init fallback (out_dim=3, hidden=128 has no equiangular frame)
    Wraw = jax.random.normal(ks[7], (D, OUT), dtype=jnp.float32)
    Q, _ = jnp.linalg.qr(Wraw)
    W_out = Q.T  # [OUT, D], rows orthonormal
    b_out = jax.random.normal(ks[8], (OUT,), dtype=jnp.float32) * 0.01
    return {"x": x, "edge_index": edge_index, "batch": batch,
            "W1": W1, "b1": b1, "W2": W2, "b2": b2,
            "W_out": W_out, "b_out": b_out}


def spm_conv(x, W, b, src, dst):
    # SignedPowerMeanConv: lin -> message gather x_j -> signed power-mean scatter aggregation
    h = x @ W.T + b
    msgs = h[src]                              # gather per-edge source features
    t = signed_pow(msgs, P)
    summed = jax.ops.segment_sum(t, dst, num_segments=N)
    cnt = jax.ops.segment_sum(jnp.ones((dst.shape[0],), h.dtype), dst, num_segments=N)
    cnt = jnp.maximum(cnt, 1.0)                # scatter_mean with clamp(min=1)
    pooled = summed / cnt[:, None]
    return signed_pow(pooled, 1.0 / P)


def reference(x, edge_index, batch, W1, b1, W2, b2, W_out, b_out):
    src = edge_index[0]
    dst = edge_index[1]
    h = spm_conv(x, W1, b1, src, dst)
    h = jax.nn.relu(h)                         # relu between conv layers (not after last)
    h = spm_conv(h, W2, b2, src, dst)
    # global_mean_pool over batch vector
    gsum = jax.ops.segment_sum(h, batch, num_segments=G)
    gcnt = jnp.maximum(jax.ops.segment_sum(jnp.ones((N,), h.dtype), batch, num_segments=G), 1.0)
    graph_repr = gsum / gcnt[:, None]
    logits = graph_repr @ W_out.T + b_out
    return logits

if __name__ == "__main__":
    import jax
    _d = setup_inputs()
    print(jax.jit(kernel)(*tuple(_d.values())))

</pallas_src>

<mosaic_0001>
#map = affine_map<(d0, d1) -> (0, 0)>
#map1 = affine_map<(d0, d1) -> (0, 0, 0)>
module attributes {stable_mosaic.version = 14 : i64} {
  func.func @body(%arg0: i32, %arg1: i32, %arg2: memref<10112x128xf32, #tpu.memory_space<hbm>>, %arg3: memref<32x80x125xi32, #tpu.memory_space<hbm>>, %arg4: memref<32x80x125xi32, #tpu.memory_space<hbm>>, %arg5: memref<2x10112x128xf32, #tpu.memory_space<hbm>>, %arg6: memref<40x125xi32, #tpu.memory_space<vmem>>, %arg7: memref<80x125xi32, #tpu.memory_space<vmem>>, %arg8: memref<125x128xf32, #tpu.memory_space<vmem>>, %arg9: memref<10112x128xf32, #tpu.memory_space<vmem_shared>>) attributes {dimension_semantics = [#tpu.dimension_semantics<core_parallel>, #tpu.dimension_semantics<subcore_parallel>], iteration_bounds = array<i64: 2, 16>, scalar_prefetch = 0 : i64, scratch_operands = 4 : i64, tpu.core_type = #tpu.core_type<sc_vector_subcore>, window_params = [{transform_indices = #map}, {transform_indices = #map1}, {transform_indices = #map1}, {transform_indices = #map1}]} {
    %broadcast_in_dim3A = arith.constant 0.000000e+00 : f32
    %broadcast_in_dim3A_0 = vector.broadcast %broadcast_in_dim3A : f32 to vector<16xf32>
    %mul3A = arith.constant 16 : i32
    %mul3A_1 = arith.muli %arg0, %mul3A : i32
    %add3A = arith.addi %mul3A_1, %arg1 : i32
    "tpu.region"() ({
      %run_scoped3A = tpu.sem_alloc : memref<!tpu.dma_semaphore, #tpu.memory_space<semaphore_mem>>
      %dma_start3A = arith.constant 0 : i32
      %dma_start3A_46 = arith.constant 0 : i32
      %dma_start3A_47 = tpu.memref_slice %arg4[%add3A, %dma_start3A, %dma_start3A_46] : memref<32x80x125xi32, #tpu.memory_space<hbm>> -> memref<1x80x125xi32, #tpu.memory_space<hbm>>
      %dma_start3A_48 = tpu.memref_squeeze %dma_start3A_47 : memref<1x80x125xi32, #tpu.memory_space<hbm>> -> memref<80x125xi32, #tpu.memory_space<hbm>>
      %dma_start3A_49 = arith.constant 0 : i32
      %dma_start3A_50 = arith.constant 0 : i32
      %dma_start3A_51 = tpu.memref_slice %arg4[%add3A, %dma_start3A_49, %dma_start3A_50] : memref<32x80x125xi32, #tpu.memory_space<hbm>> -> memref<1x80x125xi32, #tpu.memory_space<hbm>>
      %dma_start3A_52 = tpu.memref_squeeze %dma_start3A_51 : memref<1x80x125xi32, #tpu.memory_space<hbm>> -> memref<80x125xi32, #tpu.memory_space<hbm>>
      tpu.enqueue_dma source(%dma_start3A_52 : memref<80x125xi32, #tpu.memory_space<hbm>>) target(%arg7 : memref<80x125xi32, #tpu.memory_space<vmem>>) target_semaphore(%run_scoped3A : memref<!tpu.dma_semaphore, #tpu.memory_space<semaphore_mem>>)
      %dma_wait3A = arith.constant 0 : i32
      %dma_wait3A_53 = arith.constant 0 : i32
      %dma_wait3A_54 = tpu.memref_slice %arg4[%add3A, %dma_wait3A, %dma_wait3A_53] : memref<32x80x125xi32, #tpu.memory_space<hbm>> -> memref<1x80x125xi32, #tpu.memory_space<hbm>>
      %dma_wait3A_55 = tpu.memref_squeeze %dma_wait3A_54 : memref<1x80x125xi32, #tpu.memory_space<hbm>> -> memref<80x125xi32, #tpu.memory_space<hbm>>
      %dma_wait3A_56 = arith.constant 0 : i32
      %dma_wait3A_57 = arith.constant 0 : i32
      %dma_wait3A_58 = tpu.memref_slice %arg4[%add3A, %dma_wait3A_56, %dma_wait3A_57] : memref<32x80x125xi32, #tpu.memory_space<hbm>> -> memref<1x80x125xi32, #tpu.memory_space<hbm>>
      %dma_wait3A_59 = tpu.memref_squeeze %dma_wait3A_58 : memref<1x80x125xi32, #tpu.memory_space<hbm>> -> memref<80x125xi32, #tpu.memory_space<hbm>>
      tpu.wait_dma2 semaphore(%run_scoped3A : memref<!tpu.dma_semaphore, #tpu.memory_space<semaphore_mem>>) src(%dma_wait3A_59 : memref<80x125xi32, #tpu.memory_space<hbm>>) dst(%arg7 : memref<80x125xi32, #tpu.memory_space<vmem>>)
      tpu.yield
    }) : () -> ()
    %scan3A = arith.constant 0 : i32
    %scan3A_2 = arith.constant 0 : i32
    %scan3A_3 = arith.constant 125 : i32
    %scan3A_4 = arith.addi %scan3A_2, %scan3A_3 : i32
    %scan3A_5 = arith.constant 1 : i32
    scf.for %scan3A_46 = %scan3A_2 to %scan3A_4 step %scan3A_5  : i32 {
      %swap3A = arith.index_cast %scan3A_46 : i32 to index
      %swap3A_47 = arith.constant 0 : index
      %swap3A_48 = tpu.vector_load %arg8[%swap3A, %swap3A_47] {strides = array<i32>} : memref<125x128xf32, #tpu.memory_space<vmem>>, vector<1x16xf32>,
      %swap3A_49 = vector.shape_cast %swap3A_48 : vector<1x16xf32> to vector<16xf32>
      %swap3A_50 = vector.shape_cast %broadcast_in_dim3A_0 : vector<16xf32> to vector<1x16xf32>
      tpu.vector_store %arg8[%swap3A, %swap3A_47], %swap3A_50 {strides = array<i32>} : memref<125x128xf32, #tpu.memory_space<vmem>>, vector<1x16xf32>,
      %swap3A_51 = arith.index_cast %scan3A_46 : i32 to index
      %swap3A_52 = arith.constant 16 : index
      %swap3A_53 = tpu.vector_load %arg8[%swap3A_51, %swap3A_52] {strides = array<i32>} : memref<125x128xf32, #tpu.memory_space<vmem>>, vector<1x16xf32>,
      %swap3A_54 = vector.shape_cast %swap3A_53 : vector<1x16xf32> to vector<16xf32>
      %swap3A_55 = vector.shape_cast %broadcast_in_dim3A_0 : vector<16xf32> to vector<1x16xf32>
      tpu.vector_store %arg8[%swap3A_51, %swap3A_52], %swap3A_55 {strides = array<i32>} : memref<125x128xf32, #tpu.memory_space<vmem>>, vector<1x16xf32>,
      %swap3A_56 = arith.index_cast %scan3A_46 : i32 to index
      %swap3A_57 = arith.constant 32 : index
      %swap3A_58 = tpu.vector_load %arg8[%swap3A_56, %swap3A_57] {strides = array<i32>} : memref<125x128xf32, #tpu.memory_space<vmem>>, vector<1x16xf32>,
      %swap3A_59 = vector.shape_cast %swap3A_58 : vector<1x16xf32> to vector<16xf32>
      %swap3A_60 = vector.shape_cast %broadcast_in_dim3A_0 : vector<16xf32> to vector<1x16xf32>
      tpu.vector_store %arg8[%swap3A_56, %swap3A_57], %swap3A_60 {strides = array<i32>} : memref<125x128xf32, #tpu.memory_space<vmem>>, vector<1x16xf32>,
      %swap3A_61 = arith.index_cast %scan3A_46 : i32 to index
      %swap3A_62 = arith.constant 48 : index
      %swap3A_63 = tpu.vector_load %arg8[%swap3A_61, %swap3A_62] {strides = array<i32>} : memref<125x128xf32, #tpu.memory_space<vmem>>, vector<1x16xf32>,
      %swap3A_64 = vector.shape_cast %swap3A_63 : vector<1x16xf32> to vector<16xf32>
      %swap3A_65 = vector.shape_cast %broadcast_in_dim3A_0 : vector<16xf32> to vector<1x16xf32>
      tpu.vector_store %arg8[%swap3A_61, %swap3A_62], %swap3A_65 {strides = array<i32>} : memref<125x128xf32, #tpu.memory_space<vmem>>, vector<1x16xf32>,
      %swap3A_66 = arith.index_cast %scan3A_46 : i32 to index
      %swap3A_67 = arith.constant 64 : index
      %swap3A_68 = tpu.vector_load %arg8[%swap3A_66, %swap3A_67] {strides = array<i32>} : memref<125x128xf32, #tpu.memory_space<vmem>>, vector<1x16xf32>,
      %swap3A_69 = vector.shape_cast %swap3A_68 : vector<1x16xf32> to vector<16xf32>
      %swap3A_70 = vector.shape_cast %broadcast_in_dim3A_0 : vector<16xf32> to vector<1x16xf32>
      tpu.vector_store %arg8[%swap3A_66, %swap3A_67], %swap3A_70 {strides = array<i32>} : memref<125x128xf32, #tpu.memory_space<vmem>>, vector<1x16xf32>,
      %swap3A_71 = arith.index_cast %scan3A_46 : i32 to index
      %swap3A_72 = arith.constant 80 : index
      %swap3A_73 = tpu.vector_load %arg8[%swap3A_71, %swap3A_72] {strides = array<i32>} : memref<125x128xf32, #tpu.memory_space<vmem>>, vector<1x16xf32>,
      %swap3A_74 = vector.shape_cast %swap3A_73 : vector<1x16xf32> to vector<16xf32>
      %swap3A_75 = vector.shape_cast %broadcast_in_dim3A_0 : vector<16xf32> to vector<1x16xf32>
      tpu.vector_store %arg8[%swap3A_71, %swap3A_72], %swap3A_75 {strides = array<i32>} : memref<125x128xf32, #tpu.memory_space<vmem>>, vector<1x16xf32>,
      %swap3A_76 = arith.index_cast %scan3A_46 : i32 to index
      %swap3A_77 = arith.constant 96 : index
      %swap3A_78 = tpu.vector_load %arg8[%swap3A_76, %swap3A_77] {strides = array<i32>} : memref<125x128xf32, #tpu.memory_space<vmem>>, vector<1x16xf32>,
      %swap3A_79 = vector.shape_cast %swap3A_78 : vector<1x16xf32> to vector<16xf32>
      %swap3A_80 = vector.shape_cast %broadcast_in_dim3A_0 : vector<16xf32> to vector<1x16xf32>
      tpu.vector_store %arg8[%swap3A_76, %swap3A_77], %swap3A_80 {strides = array<i32>} : memref<125x128xf32, #tpu.memory_space<vmem>>, vector<1x16xf32>,
      %swap3A_81 = arith.index_cast %scan3A_46 : i32 to index
      %swap3A_82 = arith.constant 112 : index
      %swap3A_83 = tpu.vector_load %arg8[%swap3A_81, %swap3A_82] {strides = array<i32>} : memref<125x128xf32, #tpu.memory_space<vmem>>, vector<1x16xf32>,
      %swap3A_84 = vector.shape_cast %swap3A_83 : vector<1x16xf32> to vector<16xf32>
      %swap3A_85 = vector.shape_cast %broadcast_in_dim3A_0 : vector<16xf32> to vector<1x16xf32>
      tpu.vector_store %arg8[%swap3A_81, %swap3A_82], %swap3A_85 {strides = array<i32>} : memref<125x128xf32, #tpu.memory_space<vmem>>, vector<1x16xf32>,
    }
    %scan3A_6 = arith.constant 125 : i32
    %mul3A_7 = arith.constant 632 : i32
    %mul3A_8 = arith.muli %arg1, %mul3A_7 : i32
    %add3A_9 = arith.constant 0 : i32
    %add3A_10 = arith.addi %mul3A_8, %add3A_9 : i32
    "tpu.region"() ({
      %run_scoped3A = tpu.sem_alloc : memref<!tpu.dma_semaphore, #tpu.memory_space<semaphore_mem>>
      %dma_start3A = arith.constant 0 : i32
      %dma_start3A_46 = arith.constant 0 : i32
      %dma_start3A_47 = tpu.memref_slice %arg8[%dma_start3A, %dma_start3A_46] : memref<125x128xf32, #tpu.memory_space<vmem>> -> memref<120x128xf32, #tpu.memory_space<vmem>>
      %dma_start3A_48 = arith.constant 0 : i32
      %dma_start3A_49 = tpu.memref_slice %arg9[%add3A_10, %dma_start3A_48] : memref<10112x128xf32, #tpu.memory_space<vmem_shared>> -> memref<120x128xf32, #tpu.memory_space<vmem_shared>>
      %dma_start3A_50 = arith.constant 0 : i32
      %dma_start3A_51 = tpu.memref_slice %arg9[%add3A_10, %dma_start3A_50] : memref<10112x128xf32, #tpu.memory_space<vmem_shared>> -> memref<120x128xf32, #tpu.memory_space<vmem_shared>>
      %dma_start3A_52 = arith.constant 0 : i32
      %dma_start3A_53 = arith.constant 0 : i32
      %dma_start3A_54 = tpu.memref_slice %arg8[%dma_start3A_52, %dma_start3A_53] : memref<125x128xf32, #tpu.memory_space<vmem>> -> memref<120x128xf32, #tpu.memory_space<vmem>>
      tpu.enqueue_dma source(%dma_start3A_54 : memref<120x128xf32, #tpu.memory_space<vmem>>) target(%dma_start3A_51 : memref<120x128xf32, #tpu.memory_space<vmem_shared>>) target_semaphore(%run_scoped3A : memref<!tpu.dma_semaphore, #tpu.memory_space<semaphore_mem>>)
      %dma_wait3A = arith.constant 0 : i32
      %dma_wait3A_55 = arith.constant 0 : i32
      %dma_wait3A_56 = tpu.memref_slice %arg8[%dma_wait3A, %dma_wait3A_55] : memref<125x128xf32, #tpu.memory_space<vmem>> -> memref<120x128xf32, #tpu.memory_space<vmem>>
      %dma_wait3A_57 = arith.constant 0 : i32
      %dma_wait3A_58 = tpu.memref_slice %arg9[%add3A_10, %dma_wait3A_57] : memref<10112x128xf32, #tpu.memory_space<vmem_shared>> -> memref<120x128xf32, #tpu.memory_space<vmem_shared>>
      %dma_wait3A_59 = arith.constant 0 : i32
      %dma_wait3A_60 = tpu.memref_slice %arg9[%add3A_10, %dma_wait3A_59] : memref<10112x128xf32, #tpu.memory_space<vmem_shared>> -> memref<120x128xf32, #tpu.memory_space<vmem_shared>>
      %dma_wait3A_61 = arith.constant 0 : i32
      %dma_wait3A_62 = arith.constant 0 : i32
      %dma_wait3A_63 = tpu.memref_slice %arg8[%dma_wait3A_61, %dma_wait3A_62] : memref<125x128xf32, #tpu.memory_space<vmem>> -> memref<120x128xf32, #tpu.memory_space<vmem>>
      tpu.wait_dma2 semaphore(%run_scoped3A : memref<!tpu.dma_semaphore, #tpu.memory_space<semaphore_mem>>) src(%dma_wait3A_63 : memref<120x128xf32, #tpu.memory_space<vmem>>) dst(%dma_wait3A_60 : memref<120x128xf32, #tpu.memory_space<vmem_shared>>)
      tpu.yield
    }) : () -> ()
    %add3A_11 = arith.constant 120 : i32
    %add3A_12 = arith.addi %mul3A_8, %add3A_11 : i32
    "tpu.region"() ({
      %run_scoped3A = tpu.sem_alloc : memref<!tpu.dma_semaphore, #tpu.memory_space<semaphore_mem>>
      %dma_start3A = arith.constant 0 : i32
      %dma_start3A_46 = arith.constant 0 : i32
      %dma_start3A_47 = tpu.memref_slice %arg8[%dma_start3A, %dma_start3A_46] : memref<125x128xf32, #tpu.memory_space<vmem>> -> memref<120x128xf32, #tpu.memory_space<vmem>>
      %dma_start3A_48 = arith.constant 0 : i32
      %dma_start3A_49 = tpu.memref_slice %arg9[%add3A_12, %dma_start3A_48] : memref<10112x128xf32, #tpu.memory_space<vmem_shared>> -> memref<120x128xf32, #tpu.memory_space<vmem_shared>>
      %dma_start3A_50 = arith.constant 0 : i32
      %dma_start3A_51 = tpu.memref_slice %arg9[%add3A_12, %dma_start3A_50] : memref<10112x128xf32, #tpu.memory_space<vmem_shared>> -> memref<120x128xf32, #tpu.memory_space<vmem_shared>>
      %dma_start3A_52 = arith.constant 0 : i32
      %dma_start3A_53 = arith.constant 0 : i32
      %dma_start3A_54 = tpu.memref_slice %arg8[%dma_start3A_52, %dma_start3A_53] : memref<125x128xf32, #tpu.memory_space<vmem>> -> memref<120x128xf32, #tpu.memory_space<vmem>>
      tpu.enqueue_dma source(%dma_start3A_54 : memref<120x128xf32, #tpu.memory_space<vmem>>) target(%dma_start3A_51 : memref<120x128xf32, #tpu.memory_space<vmem_shared>>) target_semaphore(%run_scoped3A : memref<!tpu.dma_semaphore, #tpu.memory_space<semaphore_mem>>)
      %dma_wait3A = arith.constant 0 : i32
      %dma_wait3A_55 = arith.constant 0 : i32
      %dma_wait3A_56 = tpu.memref_slice %arg8[%dma_wait3A, %dma_wait3A_55] : memref<125x128xf32, #tpu.memory_space<vmem>> -> memref<120x128xf32, #tpu.memory_space<vmem>>
      %dma_wait3A_57 = arith.constant 0 : i32
      %dma_wait3A_58 = tpu.memref_slice %arg9[%add3A_12, %dma_wait3A_57] : memref<10112x128xf32, #tpu.memory_space<vmem_shared>> -> memref<120x128xf32, #tpu.memory_space<vmem_shared>>
      %dma_wait3A_59 = arith.constant 0 : i32
      %dma_wait3A_60 = tpu.memref_slice %arg9[%add3A_12, %dma_wait3A_59] : memref<10112x128xf32, #tpu.memory_space<vmem_shared>> -> memref<120x128xf32, #tpu.memory_space<vmem_shared>>
      %dma_wait3A_61 = arith.constant 0 : i32
      %dma_wait3A_62 = arith.constant 0 : i32
      %dma_wait3A_63 = tpu.memref_slice %arg8[%dma_wait3A_61, %dma_wait3A_62] : memref<125x128xf32, #tpu.memory_space<vmem>> -> memref<120x128xf32, #tpu.memory_space<vmem>>
      tpu.wait_dma2 semaphore(%run_scoped3A : memref<!tpu.dma_semaphore, #tpu.memory_space<semaphore_mem>>) src(%dma_wait3A_63 : memref<120x128xf32, #tpu.memory_space<vmem>>) dst(%dma_wait3A_60 : memref<120x128xf32, #tpu.memory_space<vmem_shared>>)
      tpu.yield
    }) : () -> ()
    %add3A_13 = arith.constant 240 : i32
    %add3A_14 = arith.addi %mul3A_8, %add3A_13 : i32
    "tpu.region"() ({
      %run_scoped3A = tpu.sem_alloc : memref<!tpu.dma_semaphore, #tpu.memory_space<semaphore_mem>>
      %dma_start3A = arith.constant 0 : i32
      %dma_start3A_46 = arith.constant 0 : i32
      %dma_start3A_47 = tpu.memref_slice %arg8[%dma_start3A, %dma_start3A_46] : memref<125x128xf32, #tpu.memory_space<vmem>> -> memref<120x128xf32, #tpu.memory_space<vmem>>
      %dma_start3A_48 = arith.constant 0 : i32
      %dma_start3A_49 = tpu.memref_slice %arg9[%add3A_14, %dma_start3A_48] : memref<10112x128xf32, #tpu.memory_space<vmem_shared>> -> memref<120x128xf32, #tpu.memory_space<vmem_shared>>
      %dma_start3A_50 = arith.constant 0 : i32
      %dma_start3A_51 = tpu.memref_slice %arg9[%add3A_14, %dma_start3A_50] : memref<10112x128xf32, #tpu.memory_space<vmem_shared>> -> memref<120x128xf32, #tpu.memory_space<vmem_shared>>
      %dma_start3A_52 = arith.constant 0 : i32
      %dma_start3A_53 = arith.constant 0 : i32
      %dma_start3A_54 = tpu.memref_slice %arg8[%dma_start3A_52, %dma_start3A_53] : memref<125x128xf32, #tpu.memory_space<vmem>> -> memref<120x128xf32, #tpu.memory_space<vmem>>
      tpu.enqueue_dma source(%dma_start3A_54 : memref<120x128xf32, #tpu.memory_space<vmem>>) target(%dma_start3A_51 : memref<120x128xf32, #tpu.memory_space<vmem_shared>>) target_semaphore(%run_scoped3A : memref<!tpu.dma_semaphore, #tpu.memory_space<semaphore_mem>>)
      %dma_wait3A = arith.constant 0 : i32
      %dma_wait3A_55 = arith.constant 0 : i32
      %dma_wait3A_56 = tpu.memref_slice %arg8[%dma_wait3A, %dma_wait3A_55] : memref<125x128xf32, #tpu.memory_space<vmem>> -> memref<120x128xf32, #tpu.memory_space<vmem>>
      %dma_wait3A_57 = arith.constant 0 : i32
      %dma_wait3A_58 = tpu.memref_slice %arg9[%add3A_14, %dma_wait3A_57] : memref<10112x128xf32, #tpu.memory_space<vmem_shared>> -> memref<120x128xf32, #tpu.memory_space<vmem_shared>>
      %dma_wait3A_59 = arith.constant 0 : i32
      %dma_wait3A_60 = tpu.memref_slice %arg9[%add3A_14, %dma_wait3A_59] : memref<10112x128xf32, #tpu.memory_space<vmem_shared>> -> memref<120x128xf32, #tpu.memory_space<vmem_shared>>
      %dma_wait3A_61 = arith.constant 0 : i32
      %dma_wait3A_62 = arith.constant 0 : i32
      %dma_wait3A_63 = tpu.memref_slice %arg8[%dma_wait3A_61, %dma_wait3A_62] : memref<125x128xf32, #tpu.memory_space<vmem>> -> memref<120x128xf32, #tpu.memory_space<vmem>>
      tpu.wait_dma2 semaphore(%run_scoped3A : memref<!tpu.dma_semaphore, #tpu.memory_space<semaphore_mem>>) src(%dma_wait3A_63 : memref<120x128xf32, #tpu.memory_space<vmem>>) dst(%dma_wait3A_60 : memref<120x128xf32, #tpu.memory_space<vmem_shared>>)
      tpu.yield
    }) : () -> ()
    %add3A_15 = arith.constant 360 : i32
    %add3A_16 = arith.addi %mul3A_8, %add3A_15 : i32
    "tpu.region"() ({
      %run_scoped3A = tpu.sem_alloc : memref<!tpu.dma_semaphore, #tpu.memory_space<semaphore_mem>>
      %dma_start3A = arith.constant 0 : i32
      %dma_start3A_46 = arith.constant 0 : i32
      %dma_start3A_47 = tpu.memref_slice %arg8[%dma_start3A, %dma_start3A_46] : memref<125x128xf32, #tpu.memory_space<vmem>> -> memref<120x128xf32, #tpu.memory_space<vmem>>
      %dma_start3A_48 = arith.constant 0 : i32
      %dma_start3A_49 = tpu.memref_slice %arg9[%add3A_16, %dma_start3A_48] : memref<10112x128xf32, #tpu.memory_space<vmem_shared>> -> memref<120x128xf32, #tpu.memory_space<vmem_shared>>
      %dma_start3A_50 = arith.constant 0 : i32
      %dma_start3A_51 = tpu.memref_slice %arg9[%add3A_16, %dma_start3A_50] : memref<10112x128xf32, #tpu.memory_space<vmem_shared>> -> memref<120x128xf32, #tpu.memory_space<vmem_shared>>
      %dma_start3A_52 = arith.constant 0 : i32
      %dma_start3A_53 = arith.constant 0 : i32
      %dma_start3A_54 = tpu.memref_slice %arg8[%dma_start3A_52, %dma_start3A_53] : memref<125x128xf32, #tpu.memory_space<vmem>> -> memref<120x128xf32, #tpu.memory_space<vmem>>
      tpu.enqueue_dma source(%dma_start3A_54 : memref<120x128xf32, #tpu.memory_space<vmem>>) target(%dma_start3A_51 : memref<120x128xf32, #tpu.memory_space<vmem_shared>>) target_semaphore(%run_scoped3A : memref<!tpu.dma_semaphore, #tpu.memory_space<semaphore_mem>>)
      %dma_wait3A = arith.constant 0 : i32
      %dma_wait3A_55 = arith.constant 0 : i32
      %dma_wait3A_56 = tpu.memref_slice %arg8[%dma_wait3A, %dma_wait3A_55] : memref<125x128xf32, #tpu.memory_space<vmem>> -> memref<120x128xf32, #tpu.memory_space<vmem>>
      %dma_wait3A_57 = arith.constant 0 : i32
      %dma_wait3A_58 = tpu.memref_slice %arg9[%add3A_16, %dma_wait3A_57] : memref<10112x128xf32, #tpu.memory_space<vmem_shared>> -> memref<120x128xf32, #tpu.memory_space<vmem_shared>>
      %dma_wait3A_59 = arith.constant 0 : i32
      %dma_wait3A_60 = tpu.memref_slice %arg9[%add3A_16, %dma_wait3A_59] : memref<10112x128xf32, #tpu.memory_space<vmem_shared>> -> memref<120x128xf32, #tpu.memory_space<vmem_shared>>
      %dma_wait3A_61 = arith.constant 0 : i32
      %dma_wait3A_62 = arith.constant 0 : i32
      %dma_wait3A_63 = tpu.memref_slice %arg8[%dma_wait3A_61, %dma_wait3A_62] : memref<125x128xf32, #tpu.memory_space<vmem>> -> memref<120x128xf32, #tpu.memory_space<vmem>>
      tpu.wait_dma2 semaphore(%run_scoped3A : memref<!tpu.dma_semaphore, #tpu.memory_space<semaphore_mem>>) src(%dma_wait3A_63 : memref<120x128xf32, #tpu.memory_space<vmem>>) dst(%dma_wait3A_60 : memref<120x128xf32, #tpu.memory_space<vmem_shared>>)
      tpu.yield
    }) : () -> ()
    %add3A_17 = arith.constant 480 : i32
    %add3A_18 = arith.addi %mul3A_8, %add3A_17 : i32
    "tpu.region"() ({
      %run_scoped3A = tpu.sem_alloc : memref<!tpu.dma_semaphore, #tpu.memory_space<semaphore_mem>>
      %dma_start3A = arith.constant 0 : i32
      %dma_start3A_46 = arith.constant 0 : i32
      %dma_start3A_47 = tpu.memref_slice %arg8[%dma_start3A, %dma_start3A_46] : memref<125x128xf32, #tpu.memory_space<vmem>> -> memref<120x128xf32, #tpu.memory_space<vmem>>
      %dma_start3A_48 = arith.constant 0 : i32
      %dma_start3A_49 = tpu.memref_slice %arg9[%add3A_18, %dma_start3A_48] : memref<10112x128xf32, #tpu.memory_space<vmem_shared>> -> memref<120x128xf32, #tpu.memory_space<vmem_shared>>
      %dma_start3A_50 = arith.constant 0 : i32
      %dma_start3A_51 = tpu.memref_slice %arg9[%add3A_18, %dma_start3A_50] : memref<10112x128xf32, #tpu.memory_space<vmem_shared>> -> memref<120x128xf32, #tpu.memory_space<vmem_shared>>
      %dma_start3A_52 = arith.constant 0 : i32
      %dma_start3A_53 = arith.constant 0 : i32
      %dma_start3A_54 = tpu.memref_slice %arg8[%dma_start3A_52, %dma_start3A_53] : memref<125x128xf32, #tpu.memory_space<vmem>> -> memref<120x128xf32, #tpu.memory_space<vmem>>
      tpu.enqueue_dma source(%dma_start3A_54 : memref<120x128xf32, #tpu.memory_space<vmem>>) target(%dma_start3A_51 : memref<120x128xf32, #tpu.memory_space<vmem_shared>>) target_semaphore(%run_scoped3A : memref<!tpu.dma_semaphore, #tpu.memory_space<semaphore_mem>>)
      %dma_wait3A = arith.constant 0 : i32
      %dma_wait3A_55 = arith.constant 0 : i32
      %dma_wait3A_56 = tpu.memref_slice %arg8[%dma_wait3A, %dma_wait3A_55] : memref<125x128xf32, #tpu.memory_space<vmem>> -> memref<120x128xf32, #tpu.memory_space<vmem>>
      %dma_wait3A_57 = arith.constant 0 : i32
      %dma_wait3A_58 = tpu.memref_slice %arg9[%add3A_18, %dma_wait3A_57] : memref<10112x128xf32, #tpu.memory_space<vmem_shared>> -> memref<120x128xf32, #tpu.memory_space<vmem_shared>>
      %dma_wait3A_59 = arith.constant 0 : i32
      %dma_wait3A_60 = tpu.memref_slice %arg9[%add3A_18, %dma_wait3A_59] : memref<10112x128xf32, #tpu.memory_space<vmem_shared>> -> memref<120x128xf32, #tpu.memory_space<vmem_shared>>
      %dma_wait3A_61 = arith.constant 0 : i32
      %dma_wait3A_62 = arith.constant 0 : i32
      %dma_wait3A_63 = tpu.memref_slice %arg8[%dma_wait3A_61, %dma_wait3A_62] : memref<125x128xf32, #tpu.memory_space<vmem>> -> memref<120x128xf32, #tpu.memory_space<vmem>>
      tpu.wait_dma2 semaphore(%run_scoped3A : memref<!tpu.dma_semaphore, #tpu.memory_space<semaphore_mem>>) src(%dma_wait3A_63 : memref<120x128xf32, #tpu.memory_space<vmem>>) dst(%dma_wait3A_60 : memref<120x128xf32, #tpu.memory_space<vmem_shared>>)
      tpu.yield
    }) : () -> ()
    %add3A_19 = arith.constant 600 : i32
    %add3A_20 = arith.addi %mul3A_8, %add3A_19 : i32
    "tpu.region"() ({
      %run_scoped3A = tpu.sem_alloc : memref<!tpu.dma_semaphore, #tpu.memory_space<semaphore_mem>>
      %dma_start3A = arith.constant 0 : i32
      %dma_start3A_46 = arith.constant 0 : i32
      %dma_start3A_47 = tpu.memref_slice %arg8[%dma_start3A, %dma_start3A_46] : memref<125x128xf32, #tpu.memory_space<vmem>> -> memref<32x128xf32, #tpu.memory_space<vmem>>
      %dma_start3A_48 = arith.constant 0 : i32
      %dma_start3A_49 = tpu.memref_slice %arg9[%add3A_20, %dma_start3A_48] : memref<10112x128xf32, #tpu.memory_space<vmem_shared>> -> memref<32x128xf32, #tpu.memory_space<vmem_shared>>
      %dma_start3A_50 = arith.constant 0 : i32
      %dma_start3A_51 = tpu.memref_slice %arg9[%add3A_20, %dma_start3A_50] : memref<10112x128xf32, #tpu.memory_space<vmem_shared>> -> memref<32x128xf32, #tpu.memory_space<vmem_shared>>
      %dma_start3A_52 = arith.constant 0 : i32
      %dma_start3A_53 = arith.constant 0 : i32
      %dma_start3A_54 = tpu.memref_slice %arg8[%dma_start3A_52, %dma_start3A_53] : memref<125x128xf32, #tpu.memory_space<vmem>> -> memref<32x128xf32, #tpu.memory_space<vmem>>
      tpu.enqueue_dma source(%dma_start3A_54 : memref<32x128xf32, #tpu.memory_space<vmem>>) target(%dma_start3A_51 : memref<32x128xf32, #tpu.memory_space<vmem_shared>>) target_semaphore(%run_scoped3A : memref<!tpu.dma_semaphore, #tpu.memory_space<semaphore_mem>>)
      %dma_wait3A = arith.constant 0 : i32
      %dma_wait3A_55 = arith.constant 0 : i32
      %dma_wait3A_56 = tpu.memref_slice %arg8[%dma_wait3A, %dma_wait3A_55] : memref<125x128xf32, #tpu.memory_space<vmem>> -> memref<32x128xf32, #tpu.memory_space<vmem>>
      %dma_wait3A_57 = arith.constant 0 : i32
      %dma_wait3A_58 = tpu.memref_slice %arg9[%add3A_20, %dma_wait3A_57] : memref<10112x128xf32, #tpu.memory_space<vmem_shared>> -> memref<32x128xf32, #tpu.memory_space<vmem_shared>>
      %dma_wait3A_59 = arith.constant 0 : i32
      %dma_wait3A_60 = tpu.memref_slice %arg9[%add3A_20, %dma_wait3A_59] : memref<10112x128xf32, #tpu.memory_space<vmem_shared>> -> memref<32x128xf32, #tpu.memory_space<vmem_shared>>
      %dma_wait3A_61 = arith.constant 0 : i32
      %dma_wait3A_62 = arith.constant 0 : i32
      %dma_wait3A_63 = tpu.memref_slice %arg8[%dma_wait3A_61, %dma_wait3A_62] : memref<125x128xf32, #tpu.memory_space<vmem>> -> memref<32x128xf32, #tpu.memory_space<vmem>>
      tpu.wait_dma2 semaphore(%run_scoped3A : memref<!tpu.dma_semaphore, #tpu.memory_space<semaphore_mem>>) src(%dma_wait3A_63 : memref<32x128xf32, #tpu.memory_space<vmem>>) dst(%dma_wait3A_60 : memref<32x128xf32, #tpu.memory_space<vmem_shared>>)
      tpu.yield
    }) : () -> ()
    %barrier3A = arith.constant 0 : index
    tpu.barrier barrier_id(%barrier3A)
    "tpu.region"() ({
      %run_scoped3A = tpu.sem_alloc : memref<!tpu.dma_semaphore, #tpu.memory_space<semaphore_mem>>
      %dma_start3A = arith.constant 0 : i32
      %dma_start3A_46 = arith.constant 0 : i32
      %dma_start3A_47 = tpu.memref_slice %arg3[%add3A, %dma_start3A, %dma_start3A_46] : memref<32x80x125xi32, #tpu.memory_space<hbm>> -> memref<1x40x125xi32, #tpu.memory_space<hbm>>
      %dma_start3A_48 = tpu.memref_squeeze %dma_start3A_47 : memref<1x40x125xi32, #tpu.memory_space<hbm>> -> memref<40x125xi32, #tpu.memory_space<hbm>>
      %dma_start3A_49 = arith.constant 0 : i32
      %dma_start3A_50 = arith.constant 0 : i32
      %dma_start3A_51 = tpu.memref_slice %arg3[%add3A, %dma_start3A_49, %dma_start3A_50] : memref<32x80x125xi32, #tpu.memory_space<hbm>> -> memref<1x40x125xi32, #tpu.memory_space<hbm>>
      %dma_start3A_52 = tpu.memref_squeeze %dma_start3A_51 : memref<1x40x125xi32, #tpu.memory_space<hbm>> -> memref<40x125xi32, #tpu.memory_space<hbm>>
      tpu.enqueue_dma source(%dma_start3A_52 : memref<40x125xi32, #tpu.memory_space<hbm>>) target(%arg6 : memref<40x125xi32, #tpu.memory_space<vmem>>) target_semaphore(%run_scoped3A : memref<!tpu.dma_semaphore, #tpu.memory_space<semaphore_mem>>)
      %dma_wait3A = arith.constant 0 : i32
      %dma_wait3A_53 = arith.constant 0 : i32
      %dma_wait3A_54 = tpu.memref_slice %arg3[%add3A, %dma_wait3A, %dma_wait3A_53] : memref<32x80x125xi32, #tpu.memory_space<hbm>> -> memref<1x40x125xi32, #tpu.memory_space<hbm>>
      %dma_wait3A_55 = tpu.memref_squeeze %dma_wait3A_54 : memref<1x40x125xi32, #tpu.memory_space<hbm>> -> memref<40x125xi32, #tpu.memory_space<hbm>>
      %dma_wait3A_56 = arith.constant 0 : i32
      %dma_wait3A_57 = arith.constant 0 : i32
      %dma_wait3A_58 = tpu.memref_slice %arg3[%add3A, %dma_wait3A_56, %dma_wait3A_57] : memref<32x80x125xi32, #tpu.memory_space<hbm>> -> memref<1x40x125xi32, #tpu.memory_space<hbm>>
      %dma_wait3A_59 = tpu.memref_squeeze %dma_wait3A_58 : memref<1x40x125xi32, #tpu.memory_space<hbm>> -> memref<40x125xi32, #tpu.memory_space<hbm>>
      tpu.wait_dma2 semaphore(%run_scoped3A : memref<!tpu.dma_semaphore, #tpu.memory_space<semaphore_mem>>) src(%dma_wait3A_59 : memref<40x125xi32, #tpu.memory_space<hbm>>) dst(%arg6 : memref<40x125xi32, #tpu.memory_space<vmem>>)
      tpu.yield
    }) : () -> ()
    %scan3A_21 = arith.constant 0 : i32
    %scan3A_22 = arith.constant 0 : i32
    %scan3A_23 = arith.constant 40 : i32
    %scan3A_24 = arith.addi %scan3A_22, %scan3A_23 : i32
    %scan3A_25 = arith.constant 1 : i32
    scf.for %scan3A_46 = %scan3A_22 to %scan3A_24 step %scan3A_25  : i32 {
      "tpu.region"() ({
        %run_scoped3A = tpu.sem_alloc : memref<!tpu.dma_semaphore, #tpu.memory_space<semaphore_mem>>
        %dma_start3A = arith.constant 0 : i32
        %dma_start3A_48 = tpu.memref_slice %arg6[%scan3A_46, %dma_start3A] : memref<40x125xi32, #tpu.memory_space<vmem>> -> memref<1x125xi32, #tpu.memory_space<vmem>>
        %dma_start3A_49 = tpu.memref_squeeze %dma_start3A_48 : memref<1x125xi32, #tpu.memory_space<vmem>> -> memref<125xi32, #tpu.memory_space<vmem>>
        %dma_start3A_50 = arith.constant 0 : i32
        %dma_start3A_51 = arith.constant 0 : i32
        %dma_start3A_52 = tpu.memref_slice %arg2[%dma_start3A_50, %dma_start3A_51] : memref<10112x128xf32, #tpu.memory_space<hbm>> -> memref<10112x128xf32, #tpu.memory_space<hbm>>
        tpu.enqueue_indirect_dma source(%dma_start3A_52 : memref<10112x128xf32, #tpu.memory_space<hbm>>) target(%arg8 : memref<125x128xf32, #tpu.memory_space<vmem>>) offsets(%dma_start3A_49 : memref<125xi32, #tpu.memory_space<vmem>>) semaphore(%run_scoped3A : memref<!tpu.dma_semaphore, #tpu.memory_space<semaphore_mem>>)
        %dma_wait3A = arith.constant 0 : i32
        %dma_wait3A_53 = tpu.memref_slice %arg6[%scan3A_46, %dma_wait3A] : memref<40x125xi32, #tpu.memory_space<vmem>> -> memref<1x125xi32, #tpu.memory_space<vmem>>
        %dma_wait3A_54 = tpu.memref_squeeze %dma_wait3A_53 : memref<1x125xi32, #tpu.memory_space<vmem>> -> memref<125xi32, #tpu.memory_space<vmem>>
        %dma_wait3A_55 = arith.constant 0 : i32
        %dma_wait3A_56 = arith.constant 0 : i32
        %dma_wait3A_57 = tpu.memref_slice %arg2[%dma_wait3A_55, %dma_wait3A_56] : memref<10112x128xf32, #tpu.memory_space<hbm>> -> memref<10112x128xf32, #tpu.memory_space<hbm>>
        tpu.wait_indirect_dma semaphore(%run_scoped3A : memref<!tpu.dma_semaphore, #tpu.memory_space<semaphore_mem>>) src(%dma_wait3A_57 : memref<10112x128xf32, #tpu.memory_space<hbm>>) dst(%arg8 : memref<125x128xf32, #tpu.memory_space<vmem>>)
        tpu.yield
      }) : () -> ()
      %add3A_47 = arith.addi %scan3A_46, %scan3A_21 : i32
      "tpu.region"() ({
        %run_scoped3A = tpu.sem_alloc : memref<!tpu.dma_semaphore, #tpu.memory_space<semaphore_mem>>
        %dma_start3A = arith.constant 0 : i32
        %dma_start3A_48 = tpu.memref_slice %arg7[%add3A_47, %dma_start3A] : memref<80x125xi32, #tpu.memory_space<vmem>> -> memref<1x125xi32, #tpu.memory_space<vmem>>
        %dma_start3A_49 = tpu.memref_squeeze %dma_start3A_48 : memref<1x125xi32, #tpu.memory_space<vmem>> -> memref<125xi32, #tpu.memory_space<vmem>>
        %dma_start3A_50 = arith.constant 0 : i32
        %dma_start3A_51 = arith.constant 0 : i32
        %dma_start3A_52 = tpu.memref_slice %arg9[%dma_start3A_50, %dma_start3A_51] : memref<10112x128xf32, #tpu.memory_space<vmem_shared>> -> memref<10112x128xf32, #tpu.memory_space<vmem_shared>>
        tpu.enqueue_indirect_dma source(%arg8 : memref<125x128xf32, #tpu.memory_space<vmem>>) target(%dma_start3A_52 : memref<10112x128xf32, #tpu.memory_space<vmem_shared>>) offsets(%dma_start3A_49 : memref<125xi32, #tpu.memory_space<vmem>>) semaphore(%run_scoped3A : memref<!tpu.dma_semaphore, #tpu.memory_space<semaphore_mem>>) {add = true}
        %dma_wait3A = arith.constant 0 : i32
        %dma_wait3A_53 = tpu.memref_slice %arg7[%add3A_47, %dma_wait3A] : memref<80x125xi32, #tpu.memory_space<vmem>> -> memref<1x125xi32, #tpu.memory_space<vmem>>
        %dma_wait3A_54 = tpu.memref_squeeze %dma_wait3A_53 : memref<1x125xi32, #tpu.memory_space<vmem>> -> memref<125xi32, #tpu.memory_space<vmem>>
        %dma_wait3A_55 = arith.constant 0 : i32
        %dma_wait3A_56 = arith.constant 0 : i32
        %dma_wait3A_57 = tpu.memref_slice %arg9[%dma_wait3A_55, %dma_wait3A_56] : memref<10112x128xf32, #tpu.memory_space<vmem_shared>> -> memref<10112x128xf32, #tpu.memory_space<vmem_shared>>
        tpu.wait_indirect_dma semaphore(%run_scoped3A : memref<!tpu.dma_semaphore, #tpu.memory_space<semaphore_mem>>) src(%arg8 : memref<125x128xf32, #tpu.memory_space<vmem>>) dst(%dma_wait3A_57 : memref<10112x128xf32, #tpu.memory_space<vmem_shared>>)
        tpu.yield
      }) : () -> ()
    }
    %scan3A_26 = arith.constant 40 : i32
    "tpu.region"() ({
      %run_scoped3A = tpu.sem_alloc : memref<!tpu.dma_semaphore, #tpu.memory_space<semaphore_mem>>
      %dma_start3A = arith.constant 40 : i32
      %dma_start3A_46 = arith.constant 0 : i32
      %dma_start3A_47 = tpu.memref_slice %arg3[%add3A, %dma_start3A, %dma_start3A_46] : memref<32x80x125xi32, #tpu.memory_space<hbm>> -> memref<1x40x125xi32, #tpu.memory_space<hbm>>
      %dma_start3A_48 = tpu.memref_squeeze %dma_start3A_47 : memref<1x40x125xi32, #tpu.memory_space<hbm>> -> memref<40x125xi32, #tpu.memory_space<hbm>>
      %dma_start3A_49 = arith.constant 40 : i32
      %dma_start3A_50 = arith.constant 0 : i32
      %dma_start3A_51 = tpu.memref_slice %arg3[%add3A, %dma_start3A_49, %dma_start3A_50] : memref<32x80x125xi32, #tpu.memory_space<hbm>> -> memref<1x40x125xi32, #tpu.memory_space<hbm>>
      %dma_start3A_52 = tpu.memref_squeeze %dma_start3A_51 : memref<1x40x125xi32, #tpu.memory_space<hbm>> -> memref<40x125xi32, #tpu.memory_space<hbm>>
      tpu.enqueue_dma source(%dma_start3A_52 : memref<40x125xi32, #tpu.memory_space<hbm>>) target(%arg6 : memref<40x125xi32, #tpu.memory_space<vmem>>) target_semaphore(%run_scoped3A : memref<!tpu.dma_semaphore, #tpu.memory_space<semaphore_mem>>)
      %dma_wait3A = arith.constant 40 : i32
      %dma_wait3A_53 = arith.constant 0 : i32
      %dma_wait3A_54 = tpu.memref_slice %arg3[%add3A, %dma_wait3A, %dma_wait3A_53] : memref<32x80x125xi32, #tpu.memory_space<hbm>> -> memref<1x40x125xi32, #tpu.memory_space<hbm>>
      %dma_wait3A_55 = tpu.memref_squeeze %dma_wait3A_54 : memref<1x40x125xi32, #tpu.memory_space<hbm>> -> memref<40x125xi32, #tpu.memory_space<hbm>>
      %dma_wait3A_56 = arith.constant 40 : i32
      %dma_wait3A_57 = arith.constant 0 : i32
      %dma_wait3A_58 = tpu.memref_slice %arg3[%add3A, %dma_wait3A_56, %dma_wait3A_57] : memref<32x80x125xi32, #tpu.memory_space<hbm>> -> memref<1x40x125xi32, #tpu.memory_space<hbm>>
      %dma_wait3A_59 = tpu.memref_squeeze %dma_wait3A_58 : memref<1x40x125xi32, #tpu.memory_space<hbm>> -> memref<40x125xi32, #tpu.memory_space<hbm>>
      tpu.wait_dma2 semaphore(%run_scoped3A : memref<!tpu.dma_semaphore, #tpu.memory_space<semaphore_mem>>) src(%dma_wait3A_59 : memref<40x125xi32, #tpu.memory_space<hbm>>) dst(%arg6 : memref<40x125xi32, #tpu.memory_space<vmem>>)
      tpu.yield
    }) : () -> ()
    %scan3A_27 = arith.constant 40 : i32
    %scan3A_28 = arith.constant 0 : i32
    %scan3A_29 = arith.constant 40 : i32
    %scan3A_30 = arith.addi %scan3A_28, %scan3A_29 : i32
    %scan3A_31 = arith.constant 1 : i32
    scf.for %scan3A_46 = %scan3A_28 to %scan3A_30 step %scan3A_31  : i32 {
      "tpu.region"() ({
        %run_scoped3A = tpu.sem_alloc : memref<!tpu.dma_semaphore, #tpu.memory_space<semaphore_mem>>
        %dma_start3A = arith.constant 0 : i32
        %dma_start3A_48 = tpu.memref_slice %arg6[%scan3A_46, %dma_start3A] : memref<40x125xi32, #tpu.memory_space<vmem>> -> memref<1x125xi32, #tpu.memory_space<vmem>>
        %dma_start3A_49 = tpu.memref_squeeze %dma_start3A_48 : memref<1x125xi32, #tpu.memory_space<vmem>> -> memref<125xi32, #tpu.memory_space<vmem>>
        %dma_start3A_50 = arith.constant 0 : i32
        %dma_start3A_51 = arith.constant 0 : i32
        %dma_start3A_52 = tpu.memref_slice %arg2[%dma_start3A_50, %dma_start3A_51] : memref<10112x128xf32, #tpu.memory_space<hbm>> -> memref<10112x128xf32, #tpu.memory_space<hbm>>
        tpu.enqueue_indirect_dma source(%dma_start3A_52 : memref<10112x128xf32, #tpu.memory_space<hbm>>) target(%arg8 : memref<125x128xf32, #tpu.memory_space<vmem>>) offsets(%dma_start3A_49 : memref<125xi32, #tpu.memory_space<vmem>>) semaphore(%run_scoped3A : memref<!tpu.dma_semaphore, #tpu.memory_space<semaphore_mem>>)
        %dma_wait3A = arith.constant 0 : i32
        %dma_wait3A_53 = tpu.memref_slice %arg6[%scan3A_46, %dma_wait3A] : memref<40x125xi32, #tpu.memory_space<vmem>> -> memref<1x125xi32, #tpu.memory_space<vmem>>
        %dma_wait3A_54 = tpu.memref_squeeze %dma_wait3A_53 : memref<1x125xi32, #tpu.memory_space<vmem>> -> memref<125xi32, #tpu.memory_space<vmem>>
        %dma_wait3A_55 = arith.constant 0 : i32
        %dma_wait3A_56 = arith.constant 0 : i32
        %dma_wait3A_57 = tpu.memref_slice %arg2[%dma_wait3A_55, %dma_wait3A_56] : memref<10112x128xf32, #tpu.memory_space<hbm>> -> memref<10112x128xf32, #tpu.memory_space<hbm>>
        tpu.wait_indirect_dma semaphore(%run_scoped3A : memref<!tpu.dma_semaphore, #tpu.memory_space<semaphore_mem>>) src(%dma_wait3A_57 : memref<10112x128xf32, #tpu.memory_space<hbm>>) dst(%arg8 : memref<125x128xf32, #tpu.memory_space<vmem>>)
        tpu.yield
      }) : () -> ()
      %add3A_47 = arith.addi %scan3A_46, %scan3A_27 : i32
      "tpu.region"() ({
        %run_scoped3A = tpu.sem_alloc : memref<!tpu.dma_semaphore, #tpu.memory_space<semaphore_mem>>
        %dma_start3A = arith.constant 0 : i32
        %dma_start3A_48 = tpu.memref_slice %arg7[%add3A_47, %dma_start3A] : memref<80x125xi32, #tpu.memory_space<vmem>> -> memref<1x125xi32, #tpu.memory_space<vmem>>
        %dma_start3A_49 = tpu.memref_squeeze %dma_start3A_48 : memref<1x125xi32, #tpu.memory_space<vmem>> -> memref<125xi32, #tpu.memory_space<vmem>>
        %dma_start3A_50 = arith.constant 0 : i32
        %dma_start3A_51 = arith.constant 0 : i32
        %dma_start3A_52 = tpu.memref_slice %arg9[%dma_start3A_50, %dma_start3A_51] : memref<10112x128xf32, #tpu.memory_space<vmem_shared>> -> memref<10112x128xf32, #tpu.memory_space<vmem_shared>>
        tpu.enqueue_indirect_dma source(%arg8 : memref<125x128xf32, #tpu.memory_space<vmem>>) target(%dma_start3A_52 : memref<10112x128xf32, #tpu.memory_space<vmem_shared>>) offsets(%dma_start3A_49 : memref<125xi32, #tpu.memory_space<vmem>>) semaphore(%run_scoped3A : memref<!tpu.dma_semaphore, #tpu.memory_space<semaphore_mem>>) {add = true}
        %dma_wait3A = arith.constant 0 : i32
        %dma_wait3A_53 = tpu.memref_slice %arg7[%add3A_47, %dma_wait3A] : memref<80x125xi32, #tpu.memory_space<vmem>> -> memref<1x125xi32, #tpu.memory_space<vmem>>
        %dma_wait3A_54 = tpu.memref_squeeze %dma_wait3A_53 : memref<1x125xi32, #tpu.memory_space<vmem>> -> memref<125xi32, #tpu.memory_space<vmem>>
        %dma_wait3A_55 = arith.constant 0 : i32
        %dma_wait3A_56 = arith.constant 0 : i32
        %dma_wait3A_57 = tpu.memref_slice %arg9[%dma_wait3A_55, %dma_wait3A_56] : memref<10112x128xf32, #tpu.memory_space<vmem_shared>> -> memref<10112x128xf32, #tpu.memory_space<vmem_shared>>
        tpu.wait_indirect_dma semaphore(%run_scoped3A : memref<!tpu.dma_semaphore, #tpu.memory_space<semaphore_mem>>) src(%arg8 : memref<125x128xf32, #tpu.memory_space<vmem>>) dst(%dma_wait3A_57 : memref<10112x128xf32, #tpu.memory_space<vmem_shared>>)
        tpu.yield
      }) : () -> ()
    }
    %scan3A_32 = arith.constant 40 : i32
    %barrier3A_33 = arith.constant 0 : index
    tpu.barrier barrier_id(%barrier3A_33)
    %add3A_34 = arith.constant 0 : i32
    %add3A_35 = arith.addi %mul3A_8, %add3A_34 : i32
    "tpu.region"() ({
      %run_scoped3A = tpu.sem_alloc : memref<!tpu.dma_semaphore, #tpu.memory_space<semaphore_mem>>
      %dma_start3A = arith.constant 0 : i32
      %dma_start3A_46 = arith.constant 0 : i32
      %dma_start3A_47 = tpu.memref_slice %arg8[%dma_start3A, %dma_start3A_46] : memref<125x128xf32, #tpu.memory_space<vmem>> -> memref<120x128xf32, #tpu.memory_space<vmem>>
      %dma_start3A_48 = arith.constant 0 : i32
      %dma_start3A_49 = tpu.memref_slice %arg9[%add3A_35, %dma_start3A_48] : memref<10112x128xf32, #tpu.memory_space<vmem_shared>> -> memref<120x128xf32, #tpu.memory_space<vmem_shared>>
      %dma_start3A_50 = arith.constant 0 : i32
      %dma_start3A_51 = arith.constant 0 : i32
      %dma_start3A_52 = tpu.memref_slice %arg8[%dma_start3A_50, %dma_start3A_51] : memref<125x128xf32, #tpu.memory_space<vmem>> -> memref<120x128xf32, #tpu.memory_space<vmem>>
      %dma_start3A_53 = arith.constant 0 : i32
      %dma_start3A_54 = tpu.memref_slice %arg9[%add3A_35, %dma_start3A_53] : memref<10112x128xf32, #tpu.memory_space<vmem_shared>> -> memref<120x128xf32, #tpu.memory_space<vmem_shared>>
      tpu.enqueue_dma source(%dma_start3A_54 : memref<120x128xf32, #tpu.memory_space<vmem_shared>>) target(%dma_start3A_52 : memref<120x128xf32, #tpu.memory_space<vmem>>) target_semaphore(%run_scoped3A : memref<!tpu.dma_semaphore, #tpu.memory_space<semaphore_mem>>)
      %dma_wait3A = arith.constant 0 : i32
      %dma_wait3A_55 = arith.constant 0 : i32
      %dma_wait3A_56 = tpu.memref_slice %arg8[%dma_wait3A, %dma_wait3A_55] : memref<125x128xf32, #tpu.memory_space<vmem>> -> memref<120x128xf32, #tpu.memory_space<vmem>>
      %dma_wait3A_57 = arith.constant 0 : i32
      %dma_wait3A_58 = tpu.memref_slice %arg9[%add3A_35, %dma_wait3A_57] : memref<10112x128xf32, #tpu.memory_space<vmem_shared>> -> memref<120x128xf32, #tpu.memory_space<vmem_shared>>
      %dma_wait3A_59 = arith.constant 0 : i32
      %dma_wait3A_60 = arith.constant 0 : i32
      %dma_wait3A_61 = tpu.memref_slice %arg8[%dma_wait3A_59, %dma_wait3A_60] : memref<125x128xf32, #tpu.memory_space<vmem>> -> memref<120x128xf32, #tpu.memory_space<vmem>>
      %dma_wait3A_62 = arith.constant 0 : i32
      %dma_wait3A_63 = tpu.memref_slice %arg9[%add3A_35, %dma_wait3A_62] : memref<10112x128xf32, #tpu.memory_space<vmem_shared>> -> memref<120x128xf32, #tpu.memory_space<vmem_shared>>
      tpu.wait_dma2 semaphore(%run_scoped3A : memref<!tpu.dma_semaphore, #tpu.memory_space<semaphore_mem>>) src(%dma_wait3A_63 : memref<120x128xf32, #tpu.memory_space<vmem_shared>>) dst(%dma_wait3A_61 : memref<120x128xf32, #tpu.memory_space<vmem>>)
      tpu.yield
    }) : () -> ()
    "tpu.region"() ({
      %run_scoped3A = tpu.sem_alloc : memref<!tpu.dma_semaphore, #tpu.memory_space<semaphore_mem>>
      %dma_start3A = arith.constant 0 : i32
      %dma_start3A_46 = arith.constant 0 : i32
      %dma_start3A_47 = tpu.memref_slice %arg8[%dma_start3A, %dma_start3A_46] : memref<125x128xf32, #tpu.memory_space<vmem>> -> memref<120x128xf32, #tpu.memory_space<vmem>>
      %dma_start3A_48 = arith.constant 0 : i32
      %dma_start3A_49 = arith.constant 0 : i32
      %dma_start3A_50 = tpu.memref_slice %arg5[%arg0, %dma_start3A_48, %dma_start3A_49] : memref<2x10112x128xf32, #tpu.memory_space<hbm>> -> memref<1x10112x128xf32, #tpu.memory_space<hbm>>
      %dma_start3A_51 = tpu.memref_squeeze %dma_start3A_50 : memref<1x10112x128xf32, #tpu.memory_space<hbm>> -> memref<10112x128xf32, #tpu.memory_space<hbm>>
      %dma_start3A_52 = arith.constant 0 : i32
      %dma_start3A_53 = tpu.memref_slice %dma_start3A_51[%add3A_35, %dma_start3A_52] : memref<10112x128xf32, #tpu.memory_space<hbm>> -> memref<120x128xf32, #tpu.memory_space<hbm>>
      %dma_start3A_54 = arith.constant 0 : i32
      %dma_start3A_55 = arith.constant 0 : i32
      %dma_start3A_56 = tpu.memref_slice %arg5[%arg0, %dma_start3A_54, %dma_start3A_55] : memref<2x10112x128xf32, #tpu.memory_space<hbm>> -> memref<1x10112x128xf32, #tpu.memory_space<hbm>>
      %dma_start3A_57 = tpu.memref_squeeze %dma_start3A_56 : memref<1x10112x128xf32, #tpu.memory_space<hbm>> -> memref<10112x128xf32, #tpu.memory_space<hbm>>
      %dma_start3A_58 = arith.constant 0 : i32
      %dma_start3A_59 = tpu.memref_slice %dma_start3A_57[%add3A_35, %dma_start3A_58] : memref<10112x128xf32, #tpu.memory_space<hbm>> -> memref<120x128xf32, #tpu.memory_space<hbm>>
      %dma_start3A_60 = arith.constant 0 : i32
      %dma_start3A_61 = arith.constant 0 : i32
      %dma_start3A_62 = tpu.memref_slice %arg8[%dma_start3A_60, %dma_start3A_61] : memref<125x128xf32, #tpu.memory_space<vmem>> -> memref<120x128xf32, #tpu.memory_space<vmem>>
      tpu.enqueue_dma source(%dma_start3A_62 : memref<120x128xf32, #tpu.memory_space<vmem>>) target(%dma_start3A_59 : memref<120x128xf32, #tpu.memory_space<hbm>>) target_semaphore(%run_scoped3A : memref<!tpu.dma_semaphore, #tpu.memory_space<semaphore_mem>>)
      %dma_wait3A = arith.constant 0 : i32
      %dma_wait3A_63 = arith.constant 0 : i32
      %dma_wait3A_64 = tpu.memref_slice %arg8[%dma_wait3A, %dma_wait3A_63] : memref<125x128xf32, #tpu.memory_space<vmem>> -> memref<120x128xf32, #tpu.memory_space<vmem>>
      %dma_wait3A_65 = arith.constant 0 : i32
      %dma_wait3A_66 = arith.constant 0 : i32
      %dma_wait3A_67 = tpu.memref_slice %arg5[%arg0, %dma_wait3A_65, %dma_wait3A_66] : memref<2x10112x128xf32, #tpu.memory_space<hbm>> -> memref<1x10112x128xf32, #tpu.memory_space<hbm>>
      %dma_wait3A_68 = tpu.memref_squeeze %dma_wait3A_67 : memref<1x10112x128xf32, #tpu.memory_space<hbm>> -> memref<10112x128xf32, #tpu.memory_space<hbm>>
      %dma_wait3A_69 = arith.constant 0 : i32
      %dma_wait3A_70 = tpu.memref_slice %dma_wait3A_68[%add3A_35, %dma_wait3A_69] : memref<10112x128xf32, #tpu.memory_space<hbm>> -> memref<120x128xf32, #tpu.memory_space<hbm>>
      %dma_wait3A_71 = arith.constant 0 : i32
      %dma_wait3A_72 = arith.constant 0 : i32
      %dma_wait3A_73 = tpu.memref_slice %arg5[%arg0, %dma_wait3A_71, %dma_wait3A_72] : memref<2x10112x128xf32, #tpu.memory_space<hbm>> -> memref<1x10112x128xf32, #tpu.memory_space<hbm>>
      %dma_wait3A_74 = tpu.memref_squeeze %dma_wait3A_73 : memref<1x10112x128xf32, #tpu.memory_space<hbm>> -> memref<10112x128xf32, #tpu.memory_space<hbm>>
      %dma_wait3A_75 = arith.constant 0 : i32
      %dma_wait3A_76 = tpu.memref_slice %dma_wait3A_74[%add3A_35, %dma_wait3A_75] : memref<10112x128xf32, #tpu.memory_space<hbm>> -> memref<120x128xf32, #tpu.memory_space<hbm>>
      %dma_wait3A_77 = arith.constant 0 : i32
      %dma_wait3A_78 = arith.constant 0 : i32
      %dma_wait3A_79 = tpu.memref_slice %arg8[%dma_wait3A_77, %dma_wait3A_78] : memref<125x128xf32, #tpu.memory_space<vmem>> -> memref<120x128xf32, #tpu.memory_space<vmem>>
      tpu.wait_dma2 semaphore(%run_scoped3A : memref<!tpu.dma_semaphore, #tpu.memory_space<semaphore_mem>>) src(%dma_wait3A_79 : memref<120x128xf32, #tpu.memory_space<vmem>>) dst(%dma_wait3A_76 : memref<120x128xf32, #tpu.memory_space<hbm>>)
      tpu.yield
    }) : () -> ()
    %add3A_36 = arith.constant 120 : i32
    %add3A_37 = arith.addi %mul3A_8, %add3A_36 : i32
    "tpu.region"() ({
      %run_scoped3A = tpu.sem_alloc : memref<!tpu.dma_semaphore, #tpu.memory_space<semaphore_mem>>
      %dma_start3A = arith.constant 0 : i32
      %dma_start3A_46 = arith.constant 0 : i32
      %dma_start3A_47 = tpu.memref_slice %arg8[%dma_start3A, %dma_start3A_46] : memref<125x128xf32, #tpu.memory_space<vmem>> -> memref<120x128xf32, #tpu.memory_space<vmem>>
      %dma_start3A_48 = arith.constant 0 : i32
      %dma_start3A_49 = tpu.memref_slice %arg9[%add3A_37, %dma_start3A_48] : memref<10112x128xf32, #tpu.memory_space<vmem_shared>> -> memref<120x128xf32, #tpu.memory_space<vmem_shared>>
      %dma_start3A_50 = arith.constant 0 : i32
      %dma_start3A_51 = arith.constant 0 : i32
      %dma_start3A_52 = tpu.memref_slice %arg8[%dma_start3A_50, %dma_start3A_51] : memref<125x128xf32, #tpu.memory_space<vmem>> -> memref<120x128xf32, #tpu.memory_space<vmem>>
      %dma_start3A_53 = arith.constant 0 : i32
      %dma_start3A_54 = tpu.memref_slice %arg9[%add3A_37, %dma_start3A_53] : memref<10112x128xf32, #tpu.memory_space<vmem_shared>> -> memref<120x128xf32, #tpu.memory_space<vmem_shared>>
      tpu.enqueue_dma source(%dma_start3A_54 : memref<120x128xf32, #tpu.memory_space<vmem_shared>>) target(%dma_start3A_52 : memref<120x128xf32, #tpu.memory_space<vmem>>) target_semaphore(%run_scoped3A : memref<!tpu.dma_semaphore, #tpu.memory_space<semaphore_mem>>)
      %dma_wait3A = arith.constant 0 : i32
      %dma_wait3A_55 = arith.constant 0 : i32
      %dma_wait3A_56 = tpu.memref_slice %arg8[%dma_wait3A, %dma_wait3A_55] : memref<125x128xf32, #tpu.memory_space<vmem>> -> memref<120x128xf32, #tpu.memory_space<vmem>>
      %dma_wait3A_57 = arith.constant 0 : i32
      %dma_wait3A_58 = tpu.memref_slice %arg9[%add3A_37, %dma_wait3A_57] : memref<10112x128xf32, #tpu.memory_space<vmem_shared>> -> memref<120x128xf32, #tpu.memory_space<vmem_shared>>
      %dma_wait3A_59 = arith.constant 0 : i32
      %dma_wait3A_60 = arith.constant 0 : i32
      %dma_wait3A_61 = tpu.memref_slice %arg8[%dma_wait3A_59, %dma_wait3A_60] : memref<125x128xf32, #tpu.memory_space<vmem>> -> memref<120x128xf32, #tpu.memory_space<vmem>>
      %dma_wait3A_62 = arith.constant 0 : i32
      %dma_wait3A_63 = tpu.memref_slice %arg9[%add3A_37, %dma_wait3A_62] : memref<10112x128xf32, #tpu.memory_space<vmem_shared>> -> memref<120x128xf32, #tpu.memory_space<vmem_shared>>
      tpu.wait_dma2 semaphore(%run_scoped3A : memref<!tpu.dma_semaphore, #tpu.memory_space<semaphore_mem>>) src(%dma_wait3A_63 : memref<120x128xf32, #tpu.memory_space<vmem_shared>>) dst(%dma_wait3A_61 : memref<120x128xf32, #tpu.memory_space<vmem>>)
      tpu.yield
    }) : () -> ()
    "tpu.region"() ({
      %run_scoped3A = tpu.sem_alloc : memref<!tpu.dma_semaphore, #tpu.memory_space<semaphore_mem>>
      %dma_start3A = arith.constant 0 : i32
      %dma_start3A_46 = arith.constant 0 : i32
      %dma_start3A_47 = tpu.memref_slice %arg8[%dma_start3A, %dma_start3A_46] : memref<125x128xf32, #tpu.memory_space<vmem>> -> memref<120x128xf32, #tpu.memory_space<vmem>>
      %dma_start3A_48 = arith.constant 0 : i32
      %dma_start3A_49 = arith.constant 0 : i32
      %dma_start3A_50 = tpu.memref_slice %arg5[%arg0, %dma_start3A_48, %dma_start3A_49] : memref<2x10112x128xf32, #tpu.memory_space<hbm>> -> memref<1x10112x128xf32, #tpu.memory_space<hbm>>
      %dma_start3A_51 = tpu.memref_squeeze %dma_start3A_50 : memref<1x10112x128xf32, #tpu.memory_space<hbm>> -> memref<10112x128xf32, #tpu.memory_space<hbm>>
      %dma_start3A_52 = arith.constant 0 : i32
      %dma_start3A_53 = tpu.memref_slice %dma_start3A_51[%add3A_37, %dma_start3A_52] : memref<10112x128xf32, #tpu.memory_space<hbm>> -> memref<120x128xf32, #tpu.memory_space<hbm>>
      %dma_start3A_54 = arith.constant 0 : i32
      %dma_start3A_55 = arith.constant 0 : i32
      %dma_start3A_56 = tpu.memref_slice %arg5[%arg0, %dma_start3A_54, %dma_start3A_55] : memref<2x10112x128xf32, #tpu.memory_space<hbm>> -> memref<1x10112x128xf32, #tpu.memory_space<hbm>>
      %dma_start3A_57 = tpu.memref_squeeze %dma_start3A_56 : memref<1x10112x128xf32, #tpu.memory_space<hbm>> -> memref<10112x128xf32, #tpu.memory_space<hbm>>
      %dma_start3A_58 = arith.constant 0 : i32
      %dma_start3A_59 = tpu.memref_slice %dma_start3A_57[%add3A_37, %dma_start3A_58] : memref<10112x128xf32, #tpu.memory_space<hbm>> -> memref<120x128xf32, #tpu.memory_space<hbm>>
      %dma_start3A_60 = arith.constant 0 : i32
      %dma_start3A_61 = arith.constant 0 : i32
      %dma_start3A_62 = tpu.memref_slice %arg8[%dma_start3A_60, %dma_start3A_61] : memref<125x128xf32, #tpu.memory_space<vmem>> -> memref<120x128xf32, #tpu.memory_space<vmem>>
      tpu.enqueue_dma source(%dma_start3A_62 : memref<120x128xf32, #tpu.memory_space<vmem>>) target(%dma_start3A_59 : memref<120x128xf32, #tpu.memory_space<hbm>>) target_semaphore(%run_scoped3A : memref<!tpu.dma_semaphore, #tpu.memory_space<semaphore_mem>>)
      %dma_wait3A = arith.constant 0 : i32
      %dma_wait3A_63 = arith.constant 0 : i32
      %dma_wait3A_64 = tpu.memref_slice %arg8[%dma_wait3A, %dma_wait3A_63] : memref<125x128xf32, #tpu.memory_space<vmem>> -> memref<120x128xf32, #tpu.memory_space<vmem>>
      %dma_wait3A_65 = arith.constant 0 : i32
      %dma_wait3A_66 = arith.constant 0 : i32
      %dma_wait3A_67 = tpu.memref_slice %arg5[%arg0, %dma_wait3A_65, %dma_wait3A_66] : memref<2x10112x128xf32, #tpu.memory_space<hbm>> -> memref<1x10112x128xf32, #tpu.memory_space<hbm>>
      %dma_wait3A_68 = tpu.memref_squeeze %dma_wait3A_67 : memref<1x10112x128xf32, #tpu.memory_space<hbm>> -> memref<10112x128xf32, #tpu.memory_space<hbm>>
      %dma_wait3A_69 = arith.constant 0 : i32
      %dma_wait3A_70 = tpu.memref_slice %dma_wait3A_68[%add3A_37, %dma_wait3A_69] : memref<10112x128xf32, #tpu.memory_space<hbm>> -> memref<120x128xf32, #tpu.memory_space<hbm>>
      %dma_wait3A_71 = arith.constant 0 : i32
      %dma_wait3A_72 = arith.constant 0 : i32
      %dma_wait3A_73 = tpu.memref_slice %arg5[%arg0, %dma_wait3A_71, %dma_wait3A_72] : memref<2x10112x128xf32, #tpu.memory_space<hbm>> -> memref<1x10112x128xf32, #tpu.memory_space<hbm>>
      %dma_wait3A_74 = tpu.memref_squeeze %dma_wait3A_73 : memref<1x10112x128xf32, #tpu.memory_space<hbm>> -> memref<10112x128xf32, #tpu.memory_space<hbm>>
      %dma_wait3A_75 = arith.constant 0 : i32
      %dma_wait3A_76 = tpu.memref_slice %dma_wait3A_74[%add3A_37, %dma_wait3A_75] : memref<10112x128xf32, #tpu.memory_space<hbm>> -> memref<120x128xf32, #tpu.memory_space<hbm>>
      %dma_wait3A_77 = arith.constant 0 : i32
      %dma_wait3A_78 = arith.constant 0 : i32
      %dma_wait3A_79 = tpu.memref_slice %arg8[%dma_wait3A_77, %dma_wait3A_78] : memref<125x128xf32, #tpu.memory_space<vmem>> -> memref<120x128xf32, #tpu.memory_space<vmem>>
      tpu.wait_dma2 semaphore(%run_scoped3A : memref<!tpu.dma_semaphore, #tpu.memory_space<semaphore_mem>>) src(%dma_wait3A_79 : memref<120x128xf32, #tpu.memory_space<vmem>>) dst(%dma_wait3A_76 : memref<120x128xf32, #tpu.memory_space<hbm>>)
      tpu.yield
    }) : () -> ()
    %add3A_38 = arith.constant 240 : i32
    %add3A_39 = arith.addi %mul3A_8, %add3A_38 : i32
    "tpu.region"() ({
      %run_scoped3A = tpu.sem_alloc : memref<!tpu.dma_semaphore, #tpu.memory_space<semaphore_mem>>
      %dma_start3A = arith.constant 0 : i32
      %dma_start3A_46 = arith.constant 0 : i32
      %dma_start3A_47 = tpu.memref_slice %arg8[%dma_start3A, %dma_start3A_46] : memref<125x128xf32, #tpu.memory_space<vmem>> -> memref<120x128xf32, #tpu.memory_space<vmem>>
      %dma_start3A_48 = arith.constant 0 : i32
      %dma_start3A_49 = tpu.memref_slice %arg9[%add3A_39, %dma_start3A_48] : memref<10112x128xf32, #tpu.memory_space<vmem_shared>> -> memref<120x128xf32, #tpu.memory_space<vmem_shared>>
      %dma_start3A_50 = arith.constant 0 : i32
      %dma_start3A_51 = arith.constant 0 : i32
      %dma_start3A_52 = tpu.memref_slice %arg8[%dma_start3A_50, %dma_start3A_51] : memref<125x128xf32, #tpu.memory_space<vmem>> -> memref<120x128xf32, #tpu.memory_space<vmem>>
      %dma_start3A_53 = arith.constant 0 : i32
      %dma_start3A_54 = tpu.memref_slice %arg9[%add3A_39, %dma_start3A_53] : memref<10112x128xf32, #tpu.memory_space<vmem_shared>> -> memref<120x128xf32, #tpu.memory_space<vmem_shared>>
      tpu.enqueue_dma source(%dma_start3A_54 : memref<120x128xf32, #tpu.memory_space<vmem_shared>>) target(%dma_start3A_52 : memref<120x128xf32, #tpu.memory_space<vmem>>) target_semaphore(%run_scoped3A : memref<!tpu.dma_semaphore, #tpu.memory_space<semaphore_mem>>)
      %dma_wait3A = arith.constant 0 : i32
      %dma_wait3A_55 = arith.constant 0 : i32
      %dma_wait3A_56 = tpu.memref_slice %arg8[%dma_wait3A, %dma_wait3A_55] : memref<125x128xf32, #tpu.memory_space<vmem>> -> memref<120x128xf32, #tpu.memory_space<vmem>>
      %dma_wait3A_57 = arith.constant 0 : i32
      %dma_wait3A_58 = tpu.memref_slice %arg9[%add3A_39, %dma_wait3A_57] : memref<10112x128xf32, #tpu.memory_space<vmem_shared>> -> memref<120x128xf32, #tpu.memory_space<vmem_shared>>
      %dma_wait3A_59 = arith.constant 0 : i32
      %dma_wait3A_60 = arith.constant 0 : i32
      %dma_wait3A_61 = tpu.memref_slice %arg8[%dma_wait3A_59, %dma_wait3A_60] : memref<125x128xf32, #tpu.memory_space<vmem>> -> memref<120x128xf32, #tpu.memory_space<vmem>>
      %dma_wait3A_62 = arith.constant 0 : i32
      %dma_wait3A_63 = tpu.memref_slice %arg9[%add3A_39, %dma_wait3A_62] : memref<10112x128xf32, #tpu.memory_space<vmem_shared>> -> memref<120x128xf32, #tpu.memory_space<vmem_shared>>
      tpu.wait_dma2 semaphore(%run_scoped3A : memref<!tpu.dma_semaphore, #tpu.memory_space<semaphore_mem>>) src(%dma_wait3A_63 : memref<120x128xf32, #tpu.memory_space<vmem_shared>>) dst(%dma_wait3A_61 : memref<120x128xf32, #tpu.memory_space<vmem>>)
      tpu.yield
    }) : () -> ()
    "tpu.region"() ({
      %run_scoped3A = tpu.sem_alloc : memref<!tpu.dma_semaphore, #tpu.memory_space<semaphore_mem>>
      %dma_start3A = arith.constant 0 : i32
      %dma_start3A_46 = arith.constant 0 : i32
      %dma_start3A_47 = tpu.memref_slice %arg8[%dma_start3A, %dma_start3A_46] : memref<125x128xf32, #tpu.memory_space<vmem>> -> memref<120x128xf32, #tpu.memory_space<vmem>>
      %dma_start3A_48 = arith.constant 0 : i32
      %dma_start3A_49 = arith.constant 0 : i32
      %dma_start3A_50 = tpu.memref_slice %arg5[%arg0, %dma_start3A_48, %dma_start3A_49] : memref<2x10112x128xf32, #tpu.memory_space<hbm>> -> memref<1x10112x128xf32, #tpu.memory_space<hbm>>
      %dma_start3A_51 = tpu.memref_squeeze %dma_start3A_50 : memref<1x10112x128xf32, #tpu.memory_space<hbm>> -> memref<10112x128xf32, #tpu.memory_space<hbm>>
      %dma_start3A_52 = arith.constant 0 : i32
      %dma_start3A_53 = tpu.memref_slice %dma_start3A_51[%add3A_39, %dma_start3A_52] : memref<10112x128xf32, #tpu.memory_space<hbm>> -> memref<120x128xf32, #tpu.memory_space<hbm>>
      %dma_start3A_54 = arith.constant 0 : i32
      %dma_start3A_55 = arith.constant 0 : i32
      %dma_start3A_56 = tpu.memref_slice %arg5[%arg0, %dma_start3A_54, %dma_start3A_55] : memref<2x10112x128xf32, #tpu.memory_space<hbm>> -> memref<1x10112x128xf32, #tpu.memory_space<hbm>>
      %dma_start3A_57 = tpu.memref_squeeze %dma_start3A_56 : memref<1x10112x128xf32, #tpu.memory_space<hbm>> -> memref<10112x128xf32, #tpu.memory_space<hbm>>
      %dma_start3A_58 = arith.constant 0 : i32
      %dma_start3A_59 = tpu.memref_slice %dma_start3A_57[%add3A_39, %dma_start3A_58] : memref<10112x128xf32, #tpu.memory_space<hbm>> -> memref<120x128xf32, #tpu.memory_space<hbm>>
      %dma_start3A_60 = arith.constant 0 : i32
      %dma_start3A_61 = arith.constant 0 : i32
      %dma_start3A_62 = tpu.memref_slice %arg8[%dma_start3A_60, %dma_start3A_61] : memref<125x128xf32, #tpu.memory_space<vmem>> -> memref<120x128xf32, #tpu.memory_space<vmem>>
      tpu.enqueue_dma source(%dma_start3A_62 : memref<120x128xf32, #tpu.memory_space<vmem>>) target(%dma_start3A_59 : memref<120x128xf32, #tpu.memory_space<hbm>>) target_semaphore(%run_scoped3A : memref<!tpu.dma_semaphore, #tpu.memory_space<semaphore_mem>>)
      %dma_wait3A = arith.constant 0 : i32
      %dma_wait3A_63 = arith.constant 0 : i32
      %dma_wait3A_64 = tpu.memref_slice %arg8[%dma_wait3A, %dma_wait3A_63] : memref<125x128xf32, #tpu.memory_space<vmem>> -> memref<120x128xf32, #tpu.memory_space<vmem>>
      %dma_wait3A_65 = arith.constant 0 : i32
      %dma_wait3A_66 = arith.constant 0 : i32
      %dma_wait3A_67 = tpu.memref_slice %arg5[%arg0, %dma_wait3A_65, %dma_wait3A_66] : memref<2x10112x128xf32, #tpu.memory_space<hbm>> -> memref<1x10112x128xf32, #tpu.memory_space<hbm>>
      %dma_wait3A_68 = tpu.memref_squeeze %dma_wait3A_67 : memref<1x10112x128xf32, #tpu.memory_space<hbm>> -> memref<10112x128xf32, #tpu.memory_space<hbm>>
      %dma_wait3A_69 = arith.constant 0 : i32
      %dma_wait3A_70 = tpu.memref_slice %dma_wait3A_68[%add3A_39, %dma_wait3A_69] : memref<10112x128xf32, #tpu.memory_space<hbm>> -> memref<120x128xf32, #tpu.memory_space<hbm>>
      %dma_wait3A_71 = arith.constant 0 : i32
      %dma_wait3A_72 = arith.constant 0 : i32
      %dma_wait3A_73 = tpu.memref_slice %arg5[%arg0, %dma_wait3A_71, %dma_wait3A_72] : memref<2x10112x128xf32, #tpu.memory_space<hbm>> -> memref<1x10112x128xf32, #tpu.memory_space<hbm>>
      %dma_wait3A_74 = tpu.memref_squeeze %dma_wait3A_73 : memref<1x10112x128xf32, #tpu.memory_space<hbm>> -> memref<10112x128xf32, #tpu.memory_space<hbm>>
      %dma_wait3A_75 = arith.constant 0 : i32
      %dma_wait3A_76 = tpu.memref_slice %dma_wait3A_74[%add3A_39, %dma_wait3A_75] : memref<10112x128xf32, #tpu.memory_space<hbm>> -> memref<120x128xf32, #tpu.memory_space<hbm>>
      %dma_wait3A_77 = arith.constant 0 : i32
      %dma_wait3A_78 = arith.constant 0 : i32
      %dma_wait3A_79 = tpu.memref_slice %arg8[%dma_wait3A_77, %dma_wait3A_78] : memref<125x128xf32, #tpu.memory_space<vmem>> -> memref<120x128xf32, #tpu.memory_space<vmem>>
      tpu.wait_dma2 semaphore(%run_scoped3A : memref<!tpu.dma_semaphore, #tpu.memory_space<semaphore_mem>>) src(%dma_wait3A_79 : memref<120x128xf32, #tpu.memory_space<vmem>>) dst(%dma_wait3A_76 : memref<120x128xf32, #tpu.memory_space<hbm>>)
      tpu.yield
    }) : () -> ()
    %add3A_40 = arith.constant 360 : i32
    %add3A_41 = arith.addi %mul3A_8, %add3A_40 : i32
    "tpu.region"() ({
      %run_scoped3A = tpu.sem_alloc : memref<!tpu.dma_semaphore, #tpu.memory_space<semaphore_mem>>
      %dma_start3A = arith.constant 0 : i32
      %dma_start3A_46 = arith.constant 0 : i32
      %dma_start3A_47 = tpu.memref_slice %arg8[%dma_start3A, %dma_start3A_46] : memref<125x128xf32, #tpu.memory_space<vmem>> -> memref<120x128xf32, #tpu.memory_space<vmem>>
      %dma_start3A_48 = arith.constant 0 : i32
      %dma_start3A_49 = tpu.memref_slice %arg9[%add3A_41, %dma_start3A_48] : memref<10112x128xf32, #tpu.memory_space<vmem_shared>> -> memref<120x128xf32, #tpu.memory_space<vmem_shared>>
      %dma_start3A_50 = arith.constant 0 : i32
      %dma_start3A_51 = arith.constant 0 : i32
      %dma_start3A_52 = tpu.memref_slice %arg8[%dma_start3A_50, %dma_start3A_51] : memref<125x128xf32, #tpu.memory_space<vmem>> -> memref<120x128xf32, #tpu.memory_space<vmem>>
      %dma_start3A_53 = arith.constant 0 : i32
      %dma_start3A_54 = tpu.memref_slice %arg9[%add3A_41, %dma_start3A_53] : memref<10112x128xf32, #tpu.memory_space<vmem_shared>> -> memref<120x128xf32, #tpu.memory_space<vmem_shared>>
      tpu.enqueue_dma source(%dma_start3A_54 : memref<120x128xf32, #tpu.memory_space<vmem_shared>>) target(%dma_start3A_52 : memref<120x128xf32, #tpu.memory_space<vmem>>) target_semaphore(%run_scoped3A : memref<!tpu.dma_semaphore, #tpu.memory_space<semaphore_mem>>)
      %dma_wait3A = arith.constant 0 : i32
      %dma_wait3A_55 = arith.constant 0 : i32
      %dma_wait3A_56 = tpu.memref_slice %arg8[%dma_wait3A, %dma_wait3A_55] : memref<125x128xf32, #tpu.memory_space<vmem>> -> memref<120x128xf32, #tpu.memory_space<vmem>>
      %dma_wait3A_57 = arith.constant 0 : i32
      %dma_wait3A_58 = tpu.memref_slice %arg9[%add3A_41, %dma_wait3A_57] : memref<10112x128xf32, #tpu.memory_space<vmem_shared>> -> memref<120x128xf32, #tpu.memory_space<vmem_shared>>
      %dma_wait3A_59 = arith.constant 0 : i32
      %dma_wait3A_60 = arith.constant 0 : i32
      %dma_wait3A_61 = tpu.memref_slice %arg8[%dma_wait3A_59, %dma_wait3A_60] : memref<125x128xf32, #tpu.memory_space<vmem>> -> memref<120x128xf32, #tpu.memory_space<vmem>>
      %dma_wait3A_62 = arith.constant 0 : i32
      %dma_wait3A_63 = tpu.memref_slice %arg9[%add3A_41, %dma_wait3A_62] : memref<10112x128xf32, #tpu.memory_space<vmem_shared>> -> memref<120x128xf32, #tpu.memory_space<vmem_shared>>
      tpu.wait_dma2 semaphore(%run_scoped3A : memref<!tpu.dma_semaphore, #tpu.memory_space<semaphore_mem>>) src(%dma_wait3A_63 : memref<120x128xf32, #tpu.memory_space<vmem_shared>>) dst(%dma_wait3A_61 : memref<120x128xf32, #tpu.memory_space<vmem>>)
      tpu.yield
    }) : () -> ()
    "tpu.region"() ({
      %run_scoped3A = tpu.sem_alloc : memref<!tpu.dma_semaphore, #tpu.memory_space<semaphore_mem>>
      %dma_start3A = arith.constant 0 : i32
      %dma_start3A_46 = arith.constant 0 : i32
      %dma_start3A_47 = tpu.memref_slice %arg8[%dma_start3A, %dma_start3A_46] : memref<125x128xf32, #tpu.memory_space<vmem>> -> memref<120x128xf32, #tpu.memory_space<vmem>>
      %dma_start3A_48 = arith.constant 0 : i32
      %dma_start3A_49 = arith.constant 0 : i32
      %dma_start3A_50 = tpu.memref_slice %arg5[%arg0, %dma_start3A_48, %dma_start3A_49] : memref<2x10112x128xf32, #tpu.memory_space<hbm>> -> memref<1x10112x128xf32, #tpu.memory_space<hbm>>
      %dma_start3A_51 = tpu.memref_squeeze %dma_start3A_50 : memref<1x10112x128xf32, #tpu.memory_space<hbm>> -> memref<10112x128xf32, #tpu.memory_space<hbm>>
      %dma_start3A_52 = arith.constant 0 : i32
      %dma_start3A_53 = tpu.memref_slice %dma_start3A_51[%add3A_41, %dma_start3A_52] : memref<10112x128xf32, #tpu.memory_space<hbm>> -> memref<120x128xf32, #tpu.memory_space<hbm>>
      %dma_start3A_54 = arith.constant 0 : i32
      %dma_start3A_55 = arith.constant 0 : i32
      %dma_start3A_56 = tpu.memref_slice %arg5[%arg0, %dma_start3A_54, %dma_start3A_55] : memref<2x10112x128xf32, #tpu.memory_space<hbm>> -> memref<1x10112x128xf32, #tpu.memory_space<hbm>>
      %dma_start3A_57 = tpu.memref_squeeze %dma_start3A_56 : memref<1x10112x128xf32, #tpu.memory_space<hbm>> -> memref<10112x128xf32, #tpu.memory_space<hbm>>
      %dma_start3A_58 = arith.constant 0 : i32
      %dma_start3A_59 = tpu.memref_slice %dma_start3A_57[%add3A_41, %dma_start3A_58] : memref<10112x128xf32, #tpu.memory_space<hbm>> -> memref<120x128xf32, #tpu.memory_space<hbm>>
      %dma_start3A_60 = arith.constant 0 : i32
      %dma_start3A_61 = arith.constant 0 : i32
      %dma_start3A_62 = tpu.memref_slice %arg8[%dma_start3A_60, %dma_start3A_61] : memref<125x128xf32, #tpu.memory_space<vmem>> -> memref<120x128xf32, #tpu.memory_space<vmem>>
      tpu.enqueue_dma source(%dma_start3A_62 : memref<120x128xf32, #tpu.memory_space<vmem>>) target(%dma_start3A_59 : memref<120x128xf32, #tpu.memory_space<hbm>>) target_semaphore(%run_scoped3A : memref<!tpu.dma_semaphore, #tpu.memory_space<semaphore_mem>>)
      %dma_wait3A = arith.constant 0 : i32
      %dma_wait3A_63 = arith.constant 0 : i32
      %dma_wait3A_64 = tpu.memref_slice %arg8[%dma_wait3A, %dma_wait3A_63] : memref<125x128xf32, #tpu.memory_space<vmem>> -> memref<120x128xf32, #tpu.memory_space<vmem>>
      %dma_wait3A_65 = arith.constant 0 : i32
      %dma_wait3A_66 = arith.constant 0 : i32
      %dma_wait3A_67 = tpu.memref_slice %arg5[%arg0, %dma_wait3A_65, %dma_wait3A_66] : memref<2x10112x128xf32, #tpu.memory_space<hbm>> -> memref<1x10112x128xf32, #tpu.memory_space<hbm>>
      %dma_wait3A_68 = tpu.memref_squeeze %dma_wait3A_67 : memref<1x10112x128xf32, #tpu.memory_space<hbm>> -> memref<10112x128xf32, #tpu.memory_space<hbm>>
      %dma_wait3A_69 = arith.constant 0 : i32
      %dma_wait3A_70 = tpu.memref_slice %dma_wait3A_68[%add3A_41, %dma_wait3A_69] : memref<10112x128xf32, #tpu.memory_space<hbm>> -> memref<120x128xf32, #tpu.memory_space<hbm>>
      %dma_wait3A_71 = arith.constant 0 : i32
      %dma_wait3A_72 = arith.constant 0 : i32
      %dma_wait3A_73 = tpu.memref_slice %arg5[%arg0, %dma_wait3A_71, %dma_wait3A_72] : memref<2x10112x128xf32, #tpu.memory_space<hbm>> -> memref<1x10112x128xf32, #tpu.memory_space<hbm>>
      %dma_wait3A_74 = tpu.memref_squeeze %dma_wait3A_73 : memref<1x10112x128xf32, #tpu.memory_space<hbm>> -> memref<10112x128xf32, #tpu.memory_space<hbm>>
      %dma_wait3A_75 = arith.constant 0 : i32
      %dma_wait3A_76 = tpu.memref_slice %dma_wait3A_74[%add3A_41, %dma_wait3A_75] : memref<10112x128xf32, #tpu.memory_space<hbm>> -> memref<120x128xf32, #tpu.memory_space<hbm>>
      %dma_wait3A_77 = arith.constant 0 : i32
      %dma_wait3A_78 = arith.constant 0 : i32
      %dma_wait3A_79 = tpu.memref_slice %arg8[%dma_wait3A_77, %dma_wait3A_78] : memref<125x128xf32, #tpu.memory_space<vmem>> -> memref<120x128xf32, #tpu.memory_space<vmem>>
      tpu.wait_dma2 semaphore(%run_scoped3A : memref<!tpu.dma_semaphore, #tpu.memory_space<semaphore_mem>>) src(%dma_wait3A_79 : memref<120x128xf32, #tpu.memory_space<vmem>>) dst(%dma_wait3A_76 : memref<120x128xf32, #tpu.memory_space<hbm>>)
      tpu.yield
    }) : () -> ()
    %add3A_42 = arith.constant 480 : i32
    %add3A_43 = arith.addi %mul3A_8, %add3A_42 : i32
    "tpu.region"() ({
      %run_scoped3A = tpu.sem_alloc : memref<!tpu.dma_semaphore, #tpu.memory_space<semaphore_mem>>
      %dma_start3A = arith.constant 0 : i32
      %dma_start3A_46 = arith.constant 0 : i32
      %dma_start3A_47 = tpu.memref_slice %arg8[%dma_start3A, %dma_start3A_46] : memref<125x128xf32, #tpu.memory_space<vmem>> -> memref<120x128xf32, #tpu.memory_space<vmem>>
      %dma_start3A_48 = arith.constant 0 : i32
      %dma_start3A_49 = tpu.memref_slice %arg9[%add3A_43, %dma_start3A_48] : memref<10112x128xf32, #tpu.memory_space<vmem_shared>> -> memref<120x128xf32, #tpu.memory_space<vmem_shared>>
      %dma_start3A_50 = arith.constant 0 : i32
      %dma_start3A_51 = arith.constant 0 : i32
      %dma_start3A_52 = tpu.memref_slice %arg8[%dma_start3A_50, %dma_start3A_51] : memref<125x128xf32, #tpu.memory_space<vmem>> -> memref<120x128xf32, #tpu.memory_space<vmem>>
      %dma_start3A_53 = arith.constant 0 : i32
      %dma_start3A_54 = tpu.memref_slice %arg9[%add3A_43, %dma_start3A_53] : memref<10112x128xf32, #tpu.memory_space<vmem_shared>> -> memref<120x128xf32, #tpu.memory_space<vmem_shared>>
      tpu.enqueue_dma source(%dma_start3A_54 : memref<120x128xf32, #tpu.memory_space<vmem_shared>>) target(%dma_start3A_52 : memref<120x128xf32, #tpu.memory_space<vmem>>) target_semaphore(%run_scoped3A : memref<!tpu.dma_semaphore, #tpu.memory_space<semaphore_mem>>)
      %dma_wait3A = arith.constant 0 : i32
      %dma_wait3A_55 = arith.constant 0 : i32
      %dma_wait3A_56 = tpu.memref_slice %arg8[%dma_wait3A, %dma_wait3A_55] : memref<125x128xf32, #tpu.memory_space<vmem>> -> memref<120x128xf32, #tpu.memory_space<vmem>>
      %dma_wait3A_57 = arith.constant 0 : i32
      %dma_wait3A_58 = tpu.memref_slice %arg9[%add3A_43, %dma_wait3A_57] : memref<10112x128xf32, #tpu.memory_space<vmem_shared>> -> memref<120x128xf32, #tpu.memory_space<vmem_shared>>
      %dma_wait3A_59 = arith.constant 0 : i32
      %dma_wait3A_60 = arith.constant 0 : i32
      %dma_wait3A_61 = tpu.memref_slice %arg8[%dma_wait3A_59, %dma_wait3A_60] : memref<125x128xf32, #tpu.memory_space<vmem>> -> memref<120x128xf32, #tpu.memory_space<vmem>>
      %dma_wait3A_62 = arith.constant 0 : i32
      %dma_wait3A_63 = tpu.memref_slice %arg9[%add3A_43, %dma_wait3A_62] : memref<10112x128xf32, #tpu.memory_space<vmem_shared>> -> memref<120x128xf32, #tpu.memory_space<vmem_shared>>
      tpu.wait_dma2 semaphore(%run_scoped3A : memref<!tpu.dma_semaphore, #tpu.memory_space<semaphore_mem>>) src(%dma_wait3A_63 : memref<120x128xf32, #tpu.memory_space<vmem_shared>>) dst(%dma_wait3A_61 : memref<120x128xf32, #tpu.memory_space<vmem>>)
      tpu.yield
    }) : () -> ()
    "tpu.region"() ({
      %run_scoped3A = tpu.sem_alloc : memref<!tpu.dma_semaphore, #tpu.memory_space<semaphore_mem>>
      %dma_start3A = arith.constant 0 : i32
      %dma_start3A_46 = arith.constant 0 : i32
      %dma_start3A_47 = tpu.memref_slice %arg8[%dma_start3A, %dma_start3A_46] : memref<125x128xf32, #tpu.memory_space<vmem>> -> memref<120x128xf32, #tpu.memory_space<vmem>>
      %dma_start3A_48 = arith.constant 0 : i32
      %dma_start3A_49 = arith.constant 0 : i32
      %dma_start3A_50 = tpu.memref_slice %arg5[%arg0, %dma_start3A_48, %dma_start3A_49] : memref<2x10112x128xf32, #tpu.memory_space<hbm>> -> memref<1x10112x128xf32, #tpu.memory_space<hbm>>
      %dma_start3A_51 = tpu.memref_squeeze %dma_start3A_50 : memref<1x10112x128xf32, #tpu.memory_space<hbm>> -> memref<10112x128xf32, #tpu.memory_space<hbm>>
      %dma_start3A_52 = arith.constant 0 : i32
      %dma_start3A_53 = tpu.memref_slice %dma_start3A_51[%add3A_43, %dma_start3A_52] : memref<10112x128xf32, #tpu.memory_space<hbm>> -> memref<120x128xf32, #tpu.memory_space<hbm>>
      %dma_start3A_54 = arith.constant 0 : i32
      %dma_start3A_55 = arith.constant 0 : i32
      %dma_start3A_56 = tpu.memref_slice %arg5[%arg0, %dma_start3A_54, %dma_start3A_55] : memref<2x10112x128xf32, #tpu.memory_space<hbm>> -> memref<1x10112x128xf32, #tpu.memory_space<hbm>>
      %dma_start3A_57 = tpu.memref_squeeze %dma_start3A_56 : memref<1x10112x128xf32, #tpu.memory_space<hbm>> -> memref<10112x128xf32, #tpu.memory_space<hbm>>
      %dma_start3A_58 = arith.constant 0 : i32
      %dma_start3A_59 = tpu.memref_slice %dma_start3A_57[%add3A_43, %dma_start3A_58] : memref<10112x128xf32, #tpu.memory_space<hbm>> -> memref<120x128xf32, #tpu.memory_space<hbm>>
      %dma_start3A_60 = arith.constant 0 : i32
      %dma_start3A_61 = arith.constant 0 : i32
      %dma_start3A_62 = tpu.memref_slice %arg8[%dma_start3A_60, %dma_start3A_61] : memref<125x128xf32, #tpu.memory_space<vmem>> -> memref<120x128xf32, #tpu.memory_space<vmem>>
      tpu.enqueue_dma source(%dma_start3A_62 : memref<120x128xf32, #tpu.memory_space<vmem>>) target(%dma_start3A_59 : memref<120x128xf32, #tpu.memory_space<hbm>>) target_semaphore(%run_scoped3A : memref<!tpu.dma_semaphore, #tpu.memory_space<semaphore_mem>>)
      %dma_wait3A = arith.constant 0 : i32
      %dma_wait3A_63 = arith.constant 0 : i32
      %dma_wait3A_64 = tpu.memref_slice %arg8[%dma_wait3A, %dma_wait3A_63] : memref<125x128xf32, #tpu.memory_space<vmem>> -> memref<120x128xf32, #tpu.memory_space<vmem>>
      %dma_wait3A_65 = arith.constant 0 : i32
      %dma_wait3A_66 = arith.constant 0 : i32
      %dma_wait3A_67 = tpu.memref_slice %arg5[%arg0, %dma_wait3A_65, %dma_wait3A_66] : memref<2x10112x128xf32, #tpu.memory_space<hbm>> -> memref<1x10112x128xf32, #tpu.memory_space<hbm>>
      %dma_wait3A_68 = tpu.memref_squeeze %dma_wait3A_67 : memref<1x10112x128xf32, #tpu.memory_space<hbm>> -> memref<10112x128xf32, #tpu.memory_space<hbm>>
      %dma_wait3A_69 = arith.constant 0 : i32
      %dma_wait3A_70 = tpu.memref_slice %dma_wait3A_68[%add3A_43, %dma_wait3A_69] : memref<10112x128xf32, #tpu.memory_space<hbm>> -> memref<120x128xf32, #tpu.memory_space<hbm>>
      %dma_wait3A_71 = arith.constant 0 : i32
      %dma_wait3A_72 = arith.constant 0 : i32
      %dma_wait3A_73 = tpu.memref_slice %arg5[%arg0, %dma_wait3A_71, %dma_wait3A_72] : memref<2x10112x128xf32, #tpu.memory_space<hbm>> -> memref<1x10112x128xf32, #tpu.memory_space<hbm>>
      %dma_wait3A_74 = tpu.memref_squeeze %dma_wait3A_73 : memref<1x10112x128xf32, #tpu.memory_space<hbm>> -> memref<10112x128xf32, #tpu.memory_space<hbm>>
      %dma_wait3A_75 = arith.constant 0 : i32
      %dma_wait3A_76 = tpu.memref_slice %dma_wait3A_74[%add3A_43, %dma_wait3A_75] : memref<10112x128xf32, #tpu.memory_space<hbm>> -> memref<120x128xf32, #tpu.memory_space<hbm>>
      %dma_wait3A_77 = arith.constant 0 : i32
      %dma_wait3A_78 = arith.constant 0 : i32
      %dma_wait3A_79 = tpu.memref_slice %arg8[%dma_wait3A_77, %dma_wait3A_78] : memref<125x128xf32, #tpu.memory_space<vmem>> -> memref<120x128xf32, #tpu.memory_space<vmem>>
      tpu.wait_dma2 semaphore(%run_scoped3A : memref<!tpu.dma_semaphore, #tpu.memory_space<semaphore_mem>>) src(%dma_wait3A_79 : memref<120x128xf32, #tpu.memory_space<vmem>>) dst(%dma_wait3A_76 : memref<120x128xf32, #tpu.memory_space<hbm>>)
      tpu.yield
    }) : () -> ()
    %add3A_44 = arith.constant 600 : i32
    %add3A_45 = arith.addi %mul3A_8, %add3A_44 : i32
    "tpu.region"() ({
      %run_scoped3A = tpu.sem_alloc : memref<!tpu.dma_semaphore, #tpu.memory_space<semaphore_mem>>
      %dma_start3A = arith.constant 0 : i32
      %dma_start3A_46 = arith.constant 0 : i32
      %dma_start3A_47 = tpu.memref_slice %arg8[%dma_start3A, %dma_start3A_46] : memref<125x128xf32, #tpu.memory_space<vmem>> -> memref<32x128xf32, #tpu.memory_space<vmem>>
      %dma_start3A_48 = arith.constant 0 : i32
      %dma_start3A_49 = tpu.memref_slice %arg9[%add3A_45, %dma_start3A_48] : memref<10112x128xf32, #tpu.memory_space<vmem_shared>> -> memref<32x128xf32, #tpu.memory_space<vmem_shared>>
      %dma_start3A_50 = arith.constant 0 : i32
      %dma_start3A_51 = arith.constant 0 : i32
      %dma_start3A_52 = tpu.memref_slice %arg8[%dma_start3A_50, %dma_start3A_51] : memref<125x128xf32, #tpu.memory_space<vmem>> -> memref<32x128xf32, #tpu.memory_space<vmem>>
      %dma_start3A_53 = arith.constant 0 : i32
      %dma_start3A_54 = tpu.memref_slice %arg9[%add3A_45, %dma_start3A_53] : memref<10112x128xf32, #tpu.memory_space<vmem_shared>> -> memref<32x128xf32, #tpu.memory_space<vmem_shared>>
      tpu.enqueue_dma source(%dma_start3A_54 : memref<32x128xf32, #tpu.memory_space<vmem_shared>>) target(%dma_start3A_52 : memref<32x128xf32, #tpu.memory_space<vmem>>) target_semaphore(%run_scoped3A : memref<!tpu.dma_semaphore, #tpu.memory_space<semaphore_mem>>)
      %dma_wait3A = arith.constant 0 : i32
      %dma_wait3A_55 = arith.constant 0 : i32
      %dma_wait3A_56 = tpu.memref_slice %arg8[%dma_wait3A, %dma_wait3A_55] : memref<125x128xf32, #tpu.memory_space<vmem>> -> memref<32x128xf32, #tpu.memory_space<vmem>>
      %dma_wait3A_57 = arith.constant 0 : i32
      %dma_wait3A_58 = tpu.memref_slice %arg9[%add3A_45, %dma_wait3A_57] : memref<10112x128xf32, #tpu.memory_space<vmem_shared>> -> memref<32x128xf32, #tpu.memory_space<vmem_shared>>
      %dma_wait3A_59 = arith.constant 0 : i32
      %dma_wait3A_60 = arith.constant 0 : i32
      %dma_wait3A_61 = tpu.memref_slice %arg8[%dma_wait3A_59, %dma_wait3A_60] : memref<125x128xf32, #tpu.memory_space<vmem>> -> memref<32x128xf32, #tpu.memory_space<vmem>>
      %dma_wait3A_62 = arith.constant 0 : i32
      %dma_wait3A_63 = tpu.memref_slice %arg9[%add3A_45, %dma_wait3A_62] : memref<10112x128xf32, #tpu.memory_space<vmem_shared>> -> memref<32x128xf32, #tpu.memory_space<vmem_shared>>
      tpu.wait_dma2 semaphore(%run_scoped3A : memref<!tpu.dma_semaphore, #tpu.memory_space<semaphore_mem>>) src(%dma_wait3A_63 : memref<32x128xf32, #tpu.memory_space<vmem_shared>>) dst(%dma_wait3A_61 : memref<32x128xf32, #tpu.memory_space<vmem>>)
      tpu.yield
    }) : () -> ()
    "tpu.region"() ({
      %run_scoped3A = tpu.sem_alloc : memref<!tpu.dma_semaphore, #tpu.memory_space<semaphore_mem>>
      %dma_start3A = arith.constant 0 : i32
      %dma_start3A_46 = arith.constant 0 : i32
      %dma_start3A_47 = tpu.memref_slice %arg8[%dma_start3A, %dma_start3A_46] : memref<125x128xf32, #tpu.memory_space<vmem>> -> memref<32x128xf32, #tpu.memory_space<vmem>>
      %dma_start3A_48 = arith.constant 0 : i32
      %dma_start3A_49 = arith.constant 0 : i32
      %dma_start3A_50 = tpu.memref_slice %arg5[%arg0, %dma_start3A_48, %dma_start3A_49] : memref<2x10112x128xf32, #tpu.memory_space<hbm>> -> memref<1x10112x128xf32, #tpu.memory_space<hbm>>
      %dma_start3A_51 = tpu.memref_squeeze %dma_start3A_50 : memref<1x10112x128xf32, #tpu.memory_space<hbm>> -> memref<10112x128xf32, #tpu.memory_space<hbm>>
      %dma_start3A_52 = arith.constant 0 : i32
      %dma_start3A_53 = tpu.memref_slice %dma_start3A_51[%add3A_45, %dma_start3A_52] : memref<10112x128xf32, #tpu.memory_space<hbm>> -> memref<32x128xf32, #tpu.memory_space<hbm>>
      %dma_start3A_54 = arith.constant 0 : i32
      %dma_start3A_55 = arith.constant 0 : i32
      %dma_start3A_56 = tpu.memref_slice %arg5[%arg0, %dma_start3A_54, %dma_start3A_55] : memref<2x10112x128xf32, #tpu.memory_space<hbm>> -> memref<1x10112x128xf32, #tpu.memory_space<hbm>>
      %dma_start3A_57 = tpu.memref_squeeze %dma_start3A_56 : memref<1x10112x128xf32, #tpu.memory_space<hbm>> -> memref<10112x128xf32, #tpu.memory_space<hbm>>
      %dma_start3A_58 = arith.constant 0 : i32
      %dma_start3A_59 = tpu.memref_slice %dma_start3A_57[%add3A_45, %dma_start3A_58] : memref<10112x128xf32, #tpu.memory_space<hbm>> -> memref<32x128xf32, #tpu.memory_space<hbm>>
      %dma_start3A_60 = arith.constant 0 : i32
      %dma_start3A_61 = arith.constant 0 : i32
      %dma_start3A_62 = tpu.memref_slice %arg8[%dma_start3A_60, %dma_start3A_61] : memref<125x128xf32, #tpu.memory_space<vmem>> -> memref<32x128xf32, #tpu.memory_space<vmem>>
      tpu.enqueue_dma source(%dma_start3A_62 : memref<32x128xf32, #tpu.memory_space<vmem>>) target(%dma_start3A_59 : memref<32x128xf32, #tpu.memory_space<hbm>>) target_semaphore(%run_scoped3A : memref<!tpu.dma_semaphore, #tpu.memory_space<semaphore_mem>>)
      %dma_wait3A = arith.constant 0 : i32
      %dma_wait3A_63 = arith.constant 0 : i32
      %dma_wait3A_64 = tpu.memref_slice %arg8[%dma_wait3A, %dma_wait3A_63] : memref<125x128xf32, #tpu.memory_space<vmem>> -> memref<32x128xf32, #tpu.memory_space<vmem>>
      %dma_wait3A_65 = arith.constant 0 : i32
      %dma_wait3A_66 = arith.constant 0 : i32
      %dma_wait3A_67 = tpu.memref_slice %arg5[%arg0, %dma_wait3A_65, %dma_wait3A_66] : memref<2x10112x128xf32, #tpu.memory_space<hbm>> -> memref<1x10112x128xf32, #tpu.memory_space<hbm>>
      %dma_wait3A_68 = tpu.memref_squeeze %dma_wait3A_67 : memref<1x10112x128xf32, #tpu.memory_space<hbm>> -> memref<10112x128xf32, #tpu.memory_space<hbm>>
      %dma_wait3A_69 = arith.constant 0 : i32
      %dma_wait3A_70 = tpu.memref_slice %dma_wait3A_68[%add3A_45, %dma_wait3A_69] : memref<10112x128xf32, #tpu.memory_space<hbm>> -> memref<32x128xf32, #tpu.memory_space<hbm>>
      %dma_wait3A_71 = arith.constant 0 : i32
      %dma_wait3A_72 = arith.constant 0 : i32
      %dma_wait3A_73 = tpu.memref_slice %arg5[%arg0, %dma_wait3A_71, %dma_wait3A_72] : memref<2x10112x128xf32, #tpu.memory_space<hbm>> -> memref<1x10112x128xf32, #tpu.memory_space<hbm>>
      %dma_wait3A_74 = tpu.memref_squeeze %dma_wait3A_73 : memref<1x10112x128xf32, #tpu.memory_space<hbm>> -> memref<10112x128xf32, #tpu.memory_space<hbm>>
      %dma_wait3A_75 = arith.constant 0 : i32
      %dma_wait3A_76 = tpu.memref_slice %dma_wait3A_74[%add3A_45, %dma_wait3A_75] : memref<10112x128xf32, #tpu.memory_space<hbm>> -> memref<32x128xf32, #tpu.memory_space<hbm>>
      %dma_wait3A_77 = arith.constant 0 : i32
      %dma_wait3A_78 = arith.constant 0 : i32
      %dma_wait3A_79 = tpu.memref_slice %arg8[%dma_wait3A_77, %dma_wait3A_78] : memref<125x128xf32, #tpu.memory_space<vmem>> -> memref<32x128xf32, #tpu.memory_space<vmem>>
      tpu.wait_dma2 semaphore(%run_scoped3A : memref<!tpu.dma_semaphore, #tpu.memory_space<semaphore_mem>>) src(%dma_wait3A_79 : memref<32x128xf32, #tpu.memory_space<vmem>>) dst(%dma_wait3A_76 : memref<32x128xf32, #tpu.memory_space<hbm>>)
      tpu.yield
    }) : () -> ()
    return
  }
}

#map = affine_map<(d0, d1) -> (0, 0, 0)>
module attributes {stable_mosaic.version = 14 : i64} {
  func.func @body(%arg0: i32, %arg1: i32, %arg2: memref<32x625x16xi32, #tpu.memory_space<hbm>>, %arg3: memref<32x1x10112xf32, #tpu.memory_space<hbm>>, %arg4: memref<625x16xi32, #tpu.memory_space<vmem>>, %arg5: memref<10112xf32, #tpu.memory_space<vmem>>) attributes {dimension_semantics = [#tpu.dimension_semantics<core_parallel>, #tpu.dimension_semantics<subcore_parallel>], iteration_bounds = array<i64: 2, 16>, scalar_prefetch = 0 : i64, scratch_operands = 2 : i64, tpu.core_type = #tpu.core_type<sc_vector_subcore>, window_params = [{transform_indices = #map}, {transform_indices = #map}]} {
    %broadcast_in_dim3A = arith.constant 0.000000e+00 : f32
    %broadcast_in_dim3A_0 = vector.broadcast %broadcast_in_dim3A : f32 to vector<16xf32>
    %broadcast_in_dim3A_1 = arith.constant 1.000000e+00 : f32
    %broadcast_in_dim3A_2 = vector.broadcast %broadcast_in_dim3A_1 : f32 to vector<16xf32>
    %mul3A = arith.constant 16 : i32
    %mul3A_3 = arith.muli %arg0, %mul3A : i32
    %add3A = arith.addi %mul3A_3, %arg1 : i32
    "tpu.region"() ({
      %run_scoped3A_15 = tpu.sem_alloc : memref<!tpu.dma_semaphore, #tpu.memory_space<semaphore_mem>>
      %dma_start3A = arith.constant 0 : i32
      %dma_start3A_16 = arith.constant 0 : i32
      %dma_start3A_17 = tpu.memref_slice %arg2[%add3A, %dma_start3A, %dma_start3A_16] : memref<32x625x16xi32, #tpu.memory_space<hbm>> -> memref<1x625x16xi32, #tpu.memory_space<hbm>>
      %dma_start3A_18 = tpu.memref_squeeze %dma_start3A_17 : memref<1x625x16xi32, #tpu.memory_space<hbm>> -> memref<625x16xi32, #tpu.memory_space<hbm>>
      %dma_start3A_19 = arith.constant 0 : i32
      %dma_start3A_20 = arith.constant 0 : i32
      %dma_start3A_21 = tpu.memref_slice %arg2[%add3A, %dma_start3A_19, %dma_start3A_20] : memref<32x625x16xi32, #tpu.memory_space<hbm>> -> memref<1x625x16xi32, #tpu.memory_space<hbm>>
      %dma_start3A_22 = tpu.memref_squeeze %dma_start3A_21 : memref<1x625x16xi32, #tpu.memory_space<hbm>> -> memref<625x16xi32, #tpu.memory_space<hbm>>
      tpu.enqueue_dma source(%dma_start3A_22 : memref<625x16xi32, #tpu.memory_space<hbm>>) target(%arg4 : memref<625x16xi32, #tpu.memory_space<vmem>>) target_semaphore(%run_scoped3A_15 : memref<!tpu.dma_semaphore, #tpu.memory_space<semaphore_mem>>)
      %dma_wait3A = arith.constant 0 : i32
      %dma_wait3A_23 = arith.constant 0 : i32
      %dma_wait3A_24 = tpu.memref_slice %arg2[%add3A, %dma_wait3A, %dma_wait3A_23] : memref<32x625x16xi32, #tpu.memory_space<hbm>> -> memref<1x625x16xi32, #tpu.memory_space<hbm>>
      %dma_wait3A_25 = tpu.memref_squeeze %dma_wait3A_24 : memref<1x625x16xi32, #tpu.memory_space<hbm>> -> memref<625x16xi32, #tpu.memory_space<hbm>>
      %dma_wait3A_26 = arith.constant 0 : i32
      %dma_wait3A_27 = arith.constant 0 : i32
      %dma_wait3A_28 = tpu.memref_slice %arg2[%add3A, %dma_wait3A_26, %dma_wait3A_27] : memref<32x625x16xi32, #tpu.memory_space<hbm>> -> memref<1x625x16xi32, #tpu.memory_space<hbm>>
      %dma_wait3A_29 = tpu.memref_squeeze %dma_wait3A_28 : memref<1x625x16xi32, #tpu.memory_space<hbm>> -> memref<625x16xi32, #tpu.memory_space<hbm>>
      tpu.wait_dma2 semaphore(%run_scoped3A_15 : memref<!tpu.dma_semaphore, #tpu.memory_space<semaphore_mem>>) src(%dma_wait3A_29 : memref<625x16xi32, #tpu.memory_space<hbm>>) dst(%arg4 : memref<625x16xi32, #tpu.memory_space<vmem>>)
      tpu.yield
    }) : () -> ()
    %scan3A = arith.constant 0 : i32
    %scan3A_4 = arith.constant 0 : i32
    %scan3A_5 = arith.constant 632 : i32
    %scan3A_6 = arith.addi %scan3A_4, %scan3A_5 : i32
    %scan3A_7 = arith.constant 1 : i32
    scf.for %scan3A_15 = %scan3A_4 to %scan3A_6 step %scan3A_7  : i32 {
      %mul3A_16 = arith.constant 16 : i32
      %mul3A_17 = arith.muli %scan3A_15, %mul3A_16 : i32
      %swap3A = arith.index_cast %mul3A_17 : i32 to index
      %swap3A_18 = tpu.vector_load %arg5[%swap3A] {strides = array<i32>} : memref<10112xf32, #tpu.memory_space<vmem>>, vector<16xf32>,
      tpu.vector_store %arg5[%swap3A], %broadcast_in_dim3A_0 {strides = array<i32>} : memref<10112xf32, #tpu.memory_space<vmem>>, vector<16xf32>,
    }
    %scan3A_8 = arith.constant 632 : i32
    %scan3A_9 = arith.constant 0 : i32
    %scan3A_10 = arith.constant 0 : i32
    %scan3A_11 = arith.constant 625 : i32
    %scan3A_12 = arith.addi %scan3A_10, %scan3A_11 : i32
    %scan3A_13 = arith.constant 1 : i32
    scf.for %scan3A_15 = %scan3A_10 to %scan3A_12 step %scan3A_13  : i32 {
      %get3A = arith.index_cast %scan3A_15 : i32 to index
      %get3A_16 = arith.constant 0 : index
      %get3A_17 = tpu.vector_load %arg4[%get3A, %get3A_16] {strides = array<i32>} : memref<625x16xi32, #tpu.memory_space<vmem>>, vector<16xi32>,
      tpu.vector_store_idx %arg5[%get3A_17], %broadcast_in_dim3A_2 {add = true} : memref<10112xf32, #tpu.memory_space<vmem>>[vector<16xi32>], vector<16xf32>,
    }
    %scan3A_14 = arith.constant 625 : i32
    %run_scoped3A = arith.constant 0 : i32
    "tpu.region"() ({
      %run_scoped3A_15 = tpu.sem_alloc : memref<!tpu.dma_semaphore, #tpu.memory_space<semaphore_mem>>
      %dma_start3A = arith.constant 0 : i32
      %dma_start3A_16 = tpu.memref_slice %arg3[%add3A, %run_scoped3A, %dma_start3A] : memref<32x1x10112xf32, #tpu.memory_space<hbm>> -> memref<1x1x10112xf32, #tpu.memory_space<hbm>>
      %dma_start3A_17 = tpu.memref_squeeze %dma_start3A_16 : memref<1x1x10112xf32, #tpu.memory_space<hbm>> -> memref<10112xf32, #tpu.memory_space<hbm>>
      %dma_start3A_18 = arith.constant 0 : i32
      %dma_start3A_19 = tpu.memref_slice %arg3[%add3A, %run_scoped3A, %dma_start3A_18] : memref<32x1x10112xf32, #tpu.memory_space<hbm>> -> memref<1x1x10112xf32, #tpu.memory_space<hbm>>
      %dma_start3A_20 = tpu.memref_squeeze %dma_start3A_19 : memref<1x1x10112xf32, #tpu.memory_space<hbm>> -> memref<10112xf32, #tpu.memory_space<hbm>>
      tpu.enqueue_dma source(%arg5 : memref<10112xf32, #tpu.memory_space<vmem>>) target(%dma_start3A_20 : memref<10112xf32, #tpu.memory_space<hbm>>) target_semaphore(%run_scoped3A_15 : memref<!tpu.dma_semaphore, #tpu.memory_space<semaphore_mem>>)
      %dma_wait3A = arith.constant 0 : i32
      %dma_wait3A_21 = tpu.memref_slice %arg3[%add3A, %run_scoped3A, %dma_wait3A] : memref<32x1x10112xf32, #tpu.memory_space<hbm>> -> memref<1x1x10112xf32, #tpu.memory_space<hbm>>
      %dma_wait3A_22 = tpu.memref_squeeze %dma_wait3A_21 : memref<1x1x10112xf32, #tpu.memory_space<hbm>> -> memref<10112xf32, #tpu.memory_space<hbm>>
      %dma_wait3A_23 = arith.constant 0 : i32
      %dma_wait3A_24 = tpu.memref_slice %arg3[%add3A, %run_scoped3A, %dma_wait3A_23] : memref<32x1x10112xf32, #tpu.memory_space<hbm>> -> memref<1x1x10112xf32, #tpu.memory_space<hbm>>
      %dma_wait3A_25 = tpu.memref_squeeze %dma_wait3A_24 : memref<1x1x10112xf32, #tpu.memory_space<hbm>> -> memref<10112xf32, #tpu.memory_space<hbm>>
      tpu.wait_dma2 semaphore(%run_scoped3A_15 : memref<!tpu.dma_semaphore, #tpu.memory_space<semaphore_mem>>) src(%arg5 : memref<10112xf32, #tpu.memory_space<vmem>>) dst(%dma_wait3A_25 : memref<10112xf32, #tpu.memory_space<hbm>>)
      tpu.yield
    }) : () -> ()
    return
  }
}

#map = affine_map<(d0, d1) -> (0, 0)>
#map1 = affine_map<(d0, d1) -> (0, 0, 0)>
module attributes {stable_mosaic.version = 14 : i64} {
  func.func @body(%arg0: i32, %arg1: i32, %arg2: memref<10000x128xf32, #tpu.memory_space<hbm>>, %arg3: memref<32x80x125xi32, #tpu.memory_space<hbm>>, %arg4: memref<32x80x125xi32, #tpu.memory_space<hbm>>, %arg5: memref<2x10112x128xf32, #tpu.memory_space<hbm>>, %arg6: memref<40x125xi32, #tpu.memory_space<vmem>>, %arg7: memref<80x125xi32, #tpu.memory_space<vmem>>, %arg8: memref<125x128xf32, #tpu.memory_space<vmem>>, %arg9: memref<10112x128xf32, #tpu.memory_space<vmem_shared>>) attributes {dimension_semantics = [#tpu.dimension_semantics<core_parallel>, #tpu.dimension_semantics<subcore_parallel>], iteration_bounds = array<i64: 2, 16>, scalar_prefetch = 0 : i64, scratch_operands = 4 : i64, tpu.core_type = #tpu.core_type<sc_vector_subcore>, window_params = [{transform_indices = #map}, {transform_indices = #map1}, {transform_indices = #map1}, {transform_indices = #map1}]} {
    %broadcast_in_dim3A = arith.constant 0.000000e+00 : f32
    %broadcast_in_dim3A_0 = vector.broadcast %broadcast_in_dim3A : f32 to vector<16xf32>
    %mul3A = arith.constant 16 : i32
    %mul3A_1 = arith.muli %arg0, %mul3A : i32
    %add3A = arith.addi %mul3A_1, %arg1 : i32
    "tpu.region"() ({
      %run_scoped3A = tpu.sem_alloc : memref<!tpu.dma_semaphore, #tpu.memory_space<semaphore_mem>>
      %dma_start3A = arith.constant 0 : i32
      %dma_start3A_46 = arith.constant 0 : i32
      %dma_start3A_47 = tpu.memref_slice %arg4[%add3A, %dma_start3A, %dma_start3A_46] : memref<32x80x125xi32, #tpu.memory_space<hbm>> -> memref<1x80x125xi32, #tpu.memory_space<hbm>>
      %dma_start3A_48 = tpu.memref_squeeze %dma_start3A_47 : memref<1x80x125xi32, #tpu.memory_space<hbm>> -> memref<80x125xi32, #tpu.memory_space<hbm>>
      %dma_start3A_49 = arith.constant 0 : i32
      %dma_start3A_50 = arith.constant 0 : i32
      %dma_start3A_51 = tpu.memref_slice %arg4[%add3A, %dma_start3A_49, %dma_start3A_50] : memref<32x80x125xi32, #tpu.memory_space<hbm>> -> memref<1x80x125xi32, #tpu.memory_space<hbm>>
      %dma_start3A_52 = tpu.memref_squeeze %dma_start3A_51 : memref<1x80x125xi32, #tpu.memory_space<hbm>> -> memref<80x125xi32, #tpu.memory_space<hbm>>
      tpu.enqueue_dma source(%dma_start3A_52 : memref<80x125xi32, #tpu.memory_space<hbm>>) target(%arg7 : memref<80x125xi32, #tpu.memory_space<vmem>>) target_semaphore(%run_scoped3A : memref<!tpu.dma_semaphore, #tpu.memory_space<semaphore_mem>>)
      %dma_wait3A = arith.constant 0 : i32
      %dma_wait3A_53 = arith.constant 0 : i32
      %dma_wait3A_54 = tpu.memref_slice %arg4[%add3A, %dma_wait3A, %dma_wait3A_53] : memref<32x80x125xi32, #tpu.memory_space<hbm>> -> memref<1x80x125xi32, #tpu.memory_space<hbm>>
      %dma_wait3A_55 = tpu.memref_squeeze %dma_wait3A_54 : memref<1x80x125xi32, #tpu.memory_space<hbm>> -> memref<80x125xi32, #tpu.memory_space<hbm>>
      %dma_wait3A_56 = arith.constant 0 : i32
      %dma_wait3A_57 = arith.constant 0 : i32
      %dma_wait3A_58 = tpu.memref_slice %arg4[%add3A, %dma_wait3A_56, %dma_wait3A_57] : memref<32x80x125xi32, #tpu.memory_space<hbm>> -> memref<1x80x125xi32, #tpu.memory_space<hbm>>
      %dma_wait3A_59 = tpu.memref_squeeze %dma_wait3A_58 : memref<1x80x125xi32, #tpu.memory_space<hbm>> -> memref<80x125xi32, #tpu.memory_space<hbm>>
      tpu.wait_dma2 semaphore(%run_scoped3A : memref<!tpu.dma_semaphore, #tpu.memory_space<semaphore_mem>>) src(%dma_wait3A_59 : memref<80x125xi32, #tpu.memory_space<hbm>>) dst(%arg7 : memref<80x125xi32, #tpu.memory_space<vmem>>)
      tpu.yield
    }) : () -> ()
    %scan3A = arith.constant 0 : i32
    %scan3A_2 = arith.constant 0 : i32
    %scan3A_3 = arith.constant 125 : i32
    %scan3A_4 = arith.addi %scan3A_2, %scan3A_3 : i32
    %scan3A_5 = arith.constant 1 : i32
    scf.for %scan3A_46 = %scan3A_2 to %scan3A_4 step %scan3A_5  : i32 {
      %swap3A = arith.index_cast %scan3A_46 : i32 to index
      %swap3A_47 = arith.constant 0 : index
      %swap3A_48 = tpu.vector_load %arg8[%swap3A, %swap3A_47] {strides = array<i32>} : memref<125x128xf32, #tpu.memory_space<vmem>>, vector<1x16xf32>,
      %swap3A_49 = vector.shape_cast %swap3A_48 : vector<1x16xf32> to vector<16xf32>
      %swap3A_50 = vector.shape_cast %broadcast_in_dim3A_0 : vector<16xf32> to vector<1x16xf32>
      tpu.vector_store %arg8[%swap3A, %swap3A_47], %swap3A_50 {strides = array<i32>} : memref<125x128xf32, #tpu.memory_space<vmem>>, vector<1x16xf32>,
      %swap3A_51 = arith.index_cast %scan3A_46 : i32 to index
      %swap3A_52 = arith.constant 16 : index
      %swap3A_53 = tpu.vector_load %arg8[%swap3A_51, %swap3A_52] {strides = array<i32>} : memref<125x128xf32, #tpu.memory_space<vmem>>, vector<1x16xf32>,
      %swap3A_54 = vector.shape_cast %swap3A_53 : vector<1x16xf32> to vector<16xf32>
      %swap3A_55 = vector.shape_cast %broadcast_in_dim3A_0 : vector<16xf32> to vector<1x16xf32>
      tpu.vector_store %arg8[%swap3A_51, %swap3A_52], %swap3A_55 {strides = array<i32>} : memref<125x128xf32, #tpu.memory_space<vmem>>, vector<1x16xf32>,
      %swap3A_56 = arith.index_cast %scan3A_46 : i32 to index
      %swap3A_57 = arith.constant 32 : index
      %swap3A_58 = tpu.vector_load %arg8[%swap3A_56, %swap3A_57] {strides = array<i32>} : memref<125x128xf32, #tpu.memory_space<vmem>>, vector<1x16xf32>,
      %swap3A_59 = vector.shape_cast %swap3A_58 : vector<1x16xf32> to vector<16xf32>
      %swap3A_60 = vector.shape_cast %broadcast_in_dim3A_0 : vector<16xf32> to vector<1x16xf32>
      tpu.vector_store %arg8[%swap3A_56, %swap3A_57], %swap3A_60 {strides = array<i32>} : memref<125x128xf32, #tpu.memory_space<vmem>>, vector<1x16xf32>,
      %swap3A_61 = arith.index_cast %scan3A_46 : i32 to index
      %swap3A_62 = arith.constant 48 : index
      %swap3A_63 = tpu.vector_load %arg8[%swap3A_61, %swap3A_62] {strides = array<i32>} : memref<125x128xf32, #tpu.memory_space<vmem>>, vector<1x16xf32>,
      %swap3A_64 = vector.shape_cast %swap3A_63 : vector<1x16xf32> to vector<16xf32>
      %swap3A_65 = vector.shape_cast %broadcast_in_dim3A_0 : vector<16xf32> to vector<1x16xf32>
      tpu.vector_store %arg8[%swap3A_61, %swap3A_62], %swap3A_65 {strides = array<i32>} : memref<125x128xf32, #tpu.memory_space<vmem>>, vector<1x16xf32>,
      %swap3A_66 = arith.index_cast %scan3A_46 : i32 to index
      %swap3A_67 = arith.constant 64 : index
      %swap3A_68 = tpu.vector_load %arg8[%swap3A_66, %swap3A_67] {strides = array<i32>} : memref<125x128xf32, #tpu.memory_space<vmem>>, vector<1x16xf32>,
      %swap3A_69 = vector.shape_cast %swap3A_68 : vector<1x16xf32> to vector<16xf32>
      %swap3A_70 = vector.shape_cast %broadcast_in_dim3A_0 : vector<16xf32> to vector<1x16xf32>
      tpu.vector_store %arg8[%swap3A_66, %swap3A_67], %swap3A_70 {strides = array<i32>} : memref<125x128xf32, #tpu.memory_space<vmem>>, vector<1x16xf32>,
      %swap3A_71 = arith.index_cast %scan3A_46 : i32 to index
      %swap3A_72 = arith.constant 80 : index
      %swap3A_73 = tpu.vector_load %arg8[%swap3A_71, %swap3A_72] {strides = array<i32>} : memref<125x128xf32, #tpu.memory_space<vmem>>, vector<1x16xf32>,
      %swap3A_74 = vector.shape_cast %swap3A_73 : vector<1x16xf32> to vector<16xf32>
      %swap3A_75 = vector.shape_cast %broadcast_in_dim3A_0 : vector<16xf32> to vector<1x16xf32>
      tpu.vector_store %arg8[%swap3A_71, %swap3A_72], %swap3A_75 {strides = array<i32>} : memref<125x128xf32, #tpu.memory_space<vmem>>, vector<1x16xf32>,
      %swap3A_76 = arith.index_cast %scan3A_46 : i32 to index
      %swap3A_77 = arith.constant 96 : index
      %swap3A_78 = tpu.vector_load %arg8[%swap3A_76, %swap3A_77] {strides = array<i32>} : memref<125x128xf32, #tpu.memory_space<vmem>>, vector<1x16xf32>,
      %swap3A_79 = vector.shape_cast %swap3A_78 : vector<1x16xf32> to vector<16xf32>
      %swap3A_80 = vector.shape_cast %broadcast_in_dim3A_0 : vector<16xf32> to vector<1x16xf32>
      tpu.vector_store %arg8[%swap3A_76, %swap3A_77], %swap3A_80 {strides = array<i32>} : memref<125x128xf32, #tpu.memory_space<vmem>>, vector<1x16xf32>,
      %swap3A_81 = arith.index_cast %scan3A_46 : i32 to index
      %swap3A_82 = arith.constant 112 : index
      %swap3A_83 = tpu.vector_load %arg8[%swap3A_81, %swap3A_82] {strides = array<i32>} : memref<125x128xf32, #tpu.memory_space<vmem>>, vector<1x16xf32>,
      %swap3A_84 = vector.shape_cast %swap3A_83 : vector<1x16xf32> to vector<16xf32>
      %swap3A_85 = vector.shape_cast %broadcast_in_dim3A_0 : vector<16xf32> to vector<1x16xf32>
      tpu.vector_store %arg8[%swap3A_81, %swap3A_82], %swap3A_85 {strides = array<i32>} : memref<125x128xf32, #tpu.memory_space<vmem>>, vector<1x16xf32>,
    }
    %scan3A_6 = arith.constant 125 : i32
    %mul3A_7 = arith.constant 632 : i32
    %mul3A_8 = arith.muli %arg1, %mul3A_7 : i32
    %add3A_9 = arith.constant 0 : i32
    %add3A_10 = arith.addi %mul3A_8, %add3A_9 : i32
    "tpu.region"() ({
      %run_scoped3A = tpu.sem_alloc : memref<!tpu.dma_semaphore, #tpu.memory_space<semaphore_mem>>
      %dma_start3A = arith.constant 0 : i32
      %dma_start3A_46 = arith.constant 0 : i32
      %dma_start3A_47 = tpu.memref_slice %arg8[%dma_start3A, %dma_start3A_46] : memref<125x128xf32, #tpu.memory_space<vmem>> -> memref<120x128xf32, #tpu.memory_space<vmem>>
      %dma_start3A_48 = arith.constant 0 : i32
      %dma_start3A_49 = tpu.memref_slice %arg9[%add3A_10, %dma_start3A_48] : memref<10112x128xf32, #tpu.memory_space<vmem_shared>> -> memref<120x128xf32, #tpu.memory_space<vmem_shared>>
      %dma_start3A_50 = arith.constant 0 : i32
      %dma_start3A_51 = tpu.memref_slice %arg9[%add3A_10, %dma_start3A_50] : memref<10112x128xf32, #tpu.memory_space<vmem_shared>> -> memref<120x128xf32, #tpu.memory_space<vmem_shared>>
      %dma_start3A_52 = arith.constant 0 : i32
      %dma_start3A_53 = arith.constant 0 : i32
      %dma_start3A_54 = tpu.memref_slice %arg8[%dma_start3A_52, %dma_start3A_53] : memref<125x128xf32, #tpu.memory_space<vmem>> -> memref<120x128xf32, #tpu.memory_space<vmem>>
      tpu.enqueue_dma source(%dma_start3A_54 : memref<120x128xf32, #tpu.memory_space<vmem>>) target(%dma_start3A_51 : memref<120x128xf32, #tpu.memory_space<vmem_shared>>) target_semaphore(%run_scoped3A : memref<!tpu.dma_semaphore, #tpu.memory_space<semaphore_mem>>)
      %dma_wait3A = arith.constant 0 : i32
      %dma_wait3A_55 = arith.constant 0 : i32
      %dma_wait3A_56 = tpu.memref_slice %arg8[%dma_wait3A, %dma_wait3A_55] : memref<125x128xf32, #tpu.memory_space<vmem>> -> memref<120x128xf32, #tpu.memory_space<vmem>>
      %dma_wait3A_57 = arith.constant 0 : i32
      %dma_wait3A_58 = tpu.memref_slice %arg9[%add3A_10, %dma_wait3A_57] : memref<10112x128xf32, #tpu.memory_space<vmem_shared>> -> memref<120x128xf32, #tpu.memory_space<vmem_shared>>
      %dma_wait3A_59 = arith.constant 0 : i32
      %dma_wait3A_60 = tpu.memref_slice %arg9[%add3A_10, %dma_wait3A_59] : memref<10112x128xf32, #tpu.memory_space<vmem_shared>> -> memref<120x128xf32, #tpu.memory_space<vmem_shared>>
      %dma_wait3A_61 = arith.constant 0 : i32
      %dma_wait3A_62 = arith.constant 0 : i32
      %dma_wait3A_63 = tpu.memref_slice %arg8[%dma_wait3A_61, %dma_wait3A_62] : memref<125x128xf32, #tpu.memory_space<vmem>> -> memref<120x128xf32, #tpu.memory_space<vmem>>
      tpu.wait_dma2 semaphore(%run_scoped3A : memref<!tpu.dma_semaphore, #tpu.memory_space<semaphore_mem>>) src(%dma_wait3A_63 : memref<120x128xf32, #tpu.memory_space<vmem>>) dst(%dma_wait3A_60 : memref<120x128xf32, #tpu.memory_space<vmem_shared>>)
      tpu.yield
    }) : () -> ()
    %add3A_11 = arith.constant 120 : i32
    %add3A_12 = arith.addi %mul3A_8, %add3A_11 : i32
    "tpu.region"() ({
      %run_scoped3A = tpu.sem_alloc : memref<!tpu.dma_semaphore, #tpu.memory_space<semaphore_mem>>
      %dma_start3A = arith.constant 0 : i32
      %dma_start3A_46 = arith.constant 0 : i32
      %dma_start3A_47 = tpu.memref_slice %arg8[%dma_start3A, %dma_start3A_46] : memref<125x128xf32, #tpu.memory_space<vmem>> -> memref<120x128xf32, #tpu.memory_space<vmem>>
      %dma_start3A_48 = arith.constant 0 : i32
      %dma_start3A_49 = tpu.memref_slice %arg9[%add3A_12, %dma_start3A_48] : memref<10112x128xf32, #tpu.memory_space<vmem_shared>> -> memref<120x128xf32, #tpu.memory_space<vmem_shared>>
      %dma_start3A_50 = arith.constant 0 : i32
      %dma_start3A_51 = tpu.memref_slice %arg9[%add3A_12, %dma_start3A_50] : memref<10112x128xf32, #tpu.memory_space<vmem_shared>> -> memref<120x128xf32, #tpu.memory_space<vmem_shared>>
      %dma_start3A_52 = arith.constant 0 : i32
      %dma_start3A_53 = arith.constant 0 : i32
      %dma_start3A_54 = tpu.memref_slice %arg8[%dma_start3A_52, %dma_start3A_53] : memref<125x128xf32, #tpu.memory_space<vmem>> -> memref<120x128xf32, #tpu.memory_space<vmem>>
      tpu.enqueue_dma source(%dma_start3A_54 : memref<120x128xf32, #tpu.memory_space<vmem>>) target(%dma_start3A_51 : memref<120x128xf32, #tpu.memory_space<vmem_shared>>) target_semaphore(%run_scoped3A : memref<!tpu.dma_semaphore, #tpu.memory_space<semaphore_mem>>)
      %dma_wait3A = arith.constant 0 : i32
      %dma_wait3A_55 = arith.constant 0 : i32
      %dma_wait3A_56 = tpu.memref_slice %arg8[%dma_wait3A, %dma_wait3A_55] : memref<125x128xf32, #tpu.memory_space<vmem>> -> memref<120x128xf32, #tpu.memory_space<vmem>>
      %dma_wait3A_57 = arith.constant 0 : i32
      %dma_wait3A_58 = tpu.memref_slice %arg9[%add3A_12, %dma_wait3A_57] : memref<10112x128xf32, #tpu.memory_space<vmem_shared>> -> memref<120x128xf32, #tpu.memory_space<vmem_shared>>
      %dma_wait3A_59 = arith.constant 0 : i32
      %dma_wait3A_60 = tpu.memref_slice %arg9[%add3A_12, %dma_wait3A_59] : memref<10112x128xf32, #tpu.memory_space<vmem_shared>> -> memref<120x128xf32, #tpu.memory_space<vmem_shared>>
      %dma_wait3A_61 = arith.constant 0 : i32
      %dma_wait3A_62 = arith.constant 0 : i32
      %dma_wait3A_63 = tpu.memref_slice %arg8[%dma_wait3A_61, %dma_wait3A_62] : memref<125x128xf32, #tpu.memory_space<vmem>> -> memref<120x128xf32, #tpu.memory_space<vmem>>
      tpu.wait_dma2 semaphore(%run_scoped3A : memref<!tpu.dma_semaphore, #tpu.memory_space<semaphore_mem>>) src(%dma_wait3A_63 : memref<120x128xf32, #tpu.memory_space<vmem>>) dst(%dma_wait3A_60 : memref<120x128xf32, #tpu.memory_space<vmem_shared>>)
      tpu.yield
    }) : () -> ()
    %add3A_13 = arith.constant 240 : i32
    %add3A_14 = arith.addi %mul3A_8, %add3A_13 : i32
    "tpu.region"() ({
      %run_scoped3A = tpu.sem_alloc : memref<!tpu.dma_semaphore, #tpu.memory_space<semaphore_mem>>
      %dma_start3A = arith.constant 0 : i32
      %dma_start3A_46 = arith.constant 0 : i32
      %dma_start3A_47 = tpu.memref_slice %arg8[%dma_start3A, %dma_start3A_46] : memref<125x128xf32, #tpu.memory_space<vmem>> -> memref<120x128xf32, #tpu.memory_space<vmem>>
      %dma_start3A_48 = arith.constant 0 : i32
      %dma_start3A_49 = tpu.memref_slice %arg9[%add3A_14, %dma_start3A_48] : memref<10112x128xf32, #tpu.memory_space<vmem_shared>> -> memref<120x128xf32, #tpu.memory_space<vmem_shared>>
      %dma_start3A_50 = arith.constant 0 : i32
      %dma_start3A_51 = tpu.memref_slice %arg9[%add3A_14, %dma_start3A_50] : memref<10112x128xf32, #tpu.memory_space<vmem_shared>> -> memref<120x128xf32, #tpu.memory_space<vmem_shared>>
      %dma_start3A_52 = arith.constant 0 : i32
      %dma_start3A_53 = arith.constant 0 : i32
      %dma_start3A_54 = tpu.memref_slice %arg8[%dma_start3A_52, %dma_start3A_53] : memref<125x128xf32, #tpu.memory_space<vmem>> -> memref<120x128xf32, #tpu.memory_space<vmem>>
      tpu.enqueue_dma source(%dma_start3A_54 : memref<120x128xf32, #tpu.memory_space<vmem>>) target(%dma_start3A_51 : memref<120x128xf32, #tpu.memory_space<vmem_shared>>) target_semaphore(%run_scoped3A : memref<!tpu.dma_semaphore, #tpu.memory_space<semaphore_mem>>)
      %dma_wait3A = arith.constant 0 : i32
      %dma_wait3A_55 = arith.constant 0 : i32
      %dma_wait3A_56 = tpu.memref_slice %arg8[%dma_wait3A, %dma_wait3A_55] : memref<125x128xf32, #tpu.memory_space<vmem>> -> memref<120x128xf32, #tpu.memory_space<vmem>>
      %dma_wait3A_57 = arith.constant 0 : i32
      %dma_wait3A_58 = tpu.memref_slice %arg9[%add3A_14, %dma_wait3A_57] : memref<10112x128xf32, #tpu.memory_space<vmem_shared>> -> memref<120x128xf32, #tpu.memory_space<vmem_shared>>
      %dma_wait3A_59 = arith.constant 0 : i32
      %dma_wait3A_60 = tpu.memref_slice %arg9[%add3A_14, %dma_wait3A_59] : memref<10112x128xf32, #tpu.memory_space<vmem_shared>> -> memref<120x128xf32, #tpu.memory_space<vmem_shared>>
      %dma_wait3A_61 = arith.constant 0 : i32
      %dma_wait3A_62 = arith.constant 0 : i32
      %dma_wait3A_63 = tpu.memref_slice %arg8[%dma_wait3A_61, %dma_wait3A_62] : memref<125x128xf32, #tpu.memory_space<vmem>> -> memref<120x128xf32, #tpu.memory_space<vmem>>
      tpu.wait_dma2 semaphore(%run_scoped3A : memref<!tpu.dma_semaphore, #tpu.memory_space<semaphore_mem>>) src(%dma_wait3A_63 : memref<120x128xf32, #tpu.memory_space<vmem>>) dst(%dma_wait3A_60 : memref<120x128xf32, #tpu.memory_space<vmem_shared>>)
      tpu.yield
    }) : () -> ()
    %add3A_15 = arith.constant 360 : i32
    %add3A_16 = arith.addi %mul3A_8, %add3A_15 : i32
    "tpu.region"() ({
      %run_scoped3A = tpu.sem_alloc : memref<!tpu.dma_semaphore, #tpu.memory_space<semaphore_mem>>
      %dma_start3A = arith.constant 0 : i32
      %dma_start3A_46 = arith.constant 0 : i32
      %dma_start3A_47 = tpu.memref_slice %arg8[%dma_start3A, %dma_start3A_46] : memref<125x128xf32, #tpu.memory_space<vmem>> -> memref<120x128xf32, #tpu.memory_space<vmem>>
      %dma_start3A_48 = arith.constant 0 : i32
      %dma_start3A_49 = tpu.memref_slice %arg9[%add3A_16, %dma_start3A_48] : memref<10112x128xf32, #tpu.memory_space<vmem_shared>> -> memref<120x128xf32, #tpu.memory_space<vmem_shared>>
      %dma_start3A_50 = arith.constant 0 : i32
      %dma_start3A_51 = tpu.memref_slice %arg9[%add3A_16, %dma_start3A_50] : memref<10112x128xf32, #tpu.memory_space<vmem_shared>> -> memref<120x128xf32, #tpu.memory_space<vmem_shared>>
      %dma_start3A_52 = arith.constant 0 : i32
      %dma_start3A_53 = arith.constant 0 : i32
      %dma_start3A_54 = tpu.memref_slice %arg8[%dma_start3A_52, %dma_start3A_53] : memref<125x128xf32, #tpu.memory_space<vmem>> -> memref<120x128xf32, #tpu.memory_space<vmem>>
      tpu.enqueue_dma source(%dma_start3A_54 : memref<120x128xf32, #tpu.memory_space<vmem>>) target(%dma_start3A_51 : memref<120x128xf32, #tpu.memory_space<vmem_shared>>) target_semaphore(%run_scoped3A : memref<!tpu.dma_semaphore, #tpu.memory_space<semaphore_mem>>)
      %dma_wait3A = arith.constant 0 : i32
      %dma_wait3A_55 = arith.constant 0 : i32
      %dma_wait3A_56 = tpu.memref_slice %arg8[%dma_wait3A, %dma_wait3A_55] : memref<125x128xf32, #tpu.memory_space<vmem>> -> memref<120x128xf32, #tpu.memory_space<vmem>>
      %dma_wait3A_57 = arith.constant 0 : i32
      %dma_wait3A_58 = tpu.memref_slice %arg9[%add3A_16, %dma_wait3A_57] : memref<10112x128xf32, #tpu.memory_space<vmem_shared>> -> memref<120x128xf32, #tpu.memory_space<vmem_shared>>
      %dma_wait3A_59 = arith.constant 0 : i32
      %dma_wait3A_60 = tpu.memref_slice %arg9[%add3A_16, %dma_wait3A_59] : memref<10112x128xf32, #tpu.memory_space<vmem_shared>> -> memref<120x128xf32, #tpu.memory_space<vmem_shared>>
      %dma_wait3A_61 = arith.constant 0 : i32
      %dma_wait3A_62 = arith.constant 0 : i32
      %dma_wait3A_63 = tpu.memref_slice %arg8[%dma_wait3A_61, %dma_wait3A_62] : memref<125x128xf32, #tpu.memory_space<vmem>> -> memref<120x128xf32, #tpu.memory_space<vmem>>
      tpu.wait_dma2 semaphore(%run_scoped3A : memref<!tpu.dma_semaphore, #tpu.memory_space<semaphore_mem>>) src(%dma_wait3A_63 : memref<120x128xf32, #tpu.memory_space<vmem>>) dst(%dma_wait3A_60 : memref<120x128xf32, #tpu.memory_space<vmem_shared>>)
      tpu.yield
    }) : () -> ()
    %add3A_17 = arith.constant 480 : i32
    %add3A_18 = arith.addi %mul3A_8, %add3A_17 : i32
    "tpu.region"() ({
      %run_scoped3A = tpu.sem_alloc : memref<!tpu.dma_semaphore, #tpu.memory_space<semaphore_mem>>
      %dma_start3A = arith.constant 0 : i32
      %dma_start3A_46 = arith.constant 0 : i32
      %dma_start3A_47 = tpu.memref_slice %arg8[%dma_start3A, %dma_start3A_46] : memref<125x128xf32, #tpu.memory_space<vmem>> -> memref<120x128xf32, #tpu.memory_space<vmem>>
      %dma_start3A_48 = arith.constant 0 : i32
      %dma_start3A_49 = tpu.memref_slice %arg9[%add3A_18, %dma_start3A_48] : memref<10112x128xf32, #tpu.memory_space<vmem_shared>> -> memref<120x128xf32, #tpu.memory_space<vmem_shared>>
      %dma_start3A_50 = arith.constant 0 : i32
      %dma_start3A_51 = tpu.memref_slice %arg9[%add3A_18, %dma_start3A_50] : memref<10112x128xf32, #tpu.memory_space<vmem_shared>> -> memref<120x128xf32, #tpu.memory_space<vmem_shared>>
      %dma_start3A_52 = arith.constant 0 : i32
      %dma_start3A_53 = arith.constant 0 : i32
      %dma_start3A_54 = tpu.memref_slice %arg8[%dma_start3A_52, %dma_start3A_53] : memref<125x128xf32, #tpu.memory_space<vmem>> -> memref<120x128xf32, #tpu.memory_space<vmem>>
      tpu.enqueue_dma source(%dma_start3A_54 : memref<120x128xf32, #tpu.memory_space<vmem>>) target(%dma_start3A_51 : memref<120x128xf32, #tpu.memory_space<vmem_shared>>) target_semaphore(%run_scoped3A : memref<!tpu.dma_semaphore, #tpu.memory_space<semaphore_mem>>)
      %dma_wait3A = arith.constant 0 : i32
      %dma_wait3A_55 = arith.constant 0 : i32
      %dma_wait3A_56 = tpu.memref_slice %arg8[%dma_wait3A, %dma_wait3A_55] : memref<125x128xf32, #tpu.memory_space<vmem>> -> memref<120x128xf32, #tpu.memory_space<vmem>>
      %dma_wait3A_57 = arith.constant 0 : i32
      %dma_wait3A_58 = tpu.memref_slice %arg9[%add3A_18, %dma_wait3A_57] : memref<10112x128xf32, #tpu.memory_space<vmem_shared>> -> memref<120x128xf32, #tpu.memory_space<vmem_shared>>
      %dma_wait3A_59 = arith.constant 0 : i32
      %dma_wait3A_60 = tpu.memref_slice %arg9[%add3A_18, %dma_wait3A_59] : memref<10112x128xf32, #tpu.memory_space<vmem_shared>> -> memref<120x128xf32, #tpu.memory_space<vmem_shared>>
      %dma_wait3A_61 = arith.constant 0 : i32
      %dma_wait3A_62 = arith.constant 0 : i32
      %dma_wait3A_63 = tpu.memref_slice %arg8[%dma_wait3A_61, %dma_wait3A_62] : memref<125x128xf32, #tpu.memory_space<vmem>> -> memref<120x128xf32, #tpu.memory_space<vmem>>
      tpu.wait_dma2 semaphore(%run_scoped3A : memref<!tpu.dma_semaphore, #tpu.memory_space<semaphore_mem>>) src(%dma_wait3A_63 : memref<120x128xf32, #tpu.memory_space<vmem>>) dst(%dma_wait3A_60 : memref<120x128xf32, #tpu.memory_space<vmem_shared>>)
      tpu.yield
    }) : () -> ()
    %add3A_19 = arith.constant 600 : i32
    %add3A_20 = arith.addi %mul3A_8, %add3A_19 : i32
    "tpu.region"() ({
      %run_scoped3A = tpu.sem_alloc : memref<!tpu.dma_semaphore, #tpu.memory_space<semaphore_mem>>
      %dma_start3A = arith.constant 0 : i32
      %dma_start3A_46 = arith.constant 0 : i32
      %dma_start3A_47 = tpu.memref_slice %arg8[%dma_start3A, %dma_start3A_46] : memref<125x128xf32, #tpu.memory_space<vmem>> -> memref<32x128xf32, #tpu.memory_space<vmem>>
      %dma_start3A_48 = arith.constant 0 : i32
      %dma_start3A_49 = tpu.memref_slice %arg9[%add3A_20, %dma_start3A_48] : memref<10112x128xf32, #tpu.memory_space<vmem_shared>> -> memref<32x128xf32, #tpu.memory_space<vmem_shared>>
      %dma_start3A_50 = arith.constant 0 : i32
      %dma_start3A_51 = tpu.memref_slice %arg9[%add3A_20, %dma_start3A_50] : memref<10112x128xf32, #tpu.memory_space<vmem_shared>> -> memref<32x128xf32, #tpu.memory_space<vmem_shared>>
      %dma_start3A_52 = arith.constant 0 : i32
      %dma_start3A_53 = arith.constant 0 : i32
      %dma_start3A_54 = tpu.memref_slice %arg8[%dma_start3A_52, %dma_start3A_53] : memref<125x128xf32, #tpu.memory_space<vmem>> -> memref<32x128xf32, #tpu.memory_space<vmem>>
      tpu.enqueue_dma source(%dma_start3A_54 : memref<32x128xf32, #tpu.memory_space<vmem>>) target(%dma_start3A_51 : memref<32x128xf32, #tpu.memory_space<vmem_shared>>) target_semaphore(%run_scoped3A : memref<!tpu.dma_semaphore, #tpu.memory_space<semaphore_mem>>)
      %dma_wait3A = arith.constant 0 : i32
      %dma_wait3A_55 = arith.constant 0 : i32
      %dma_wait3A_56 = tpu.memref_slice %arg8[%dma_wait3A, %dma_wait3A_55] : memref<125x128xf32, #tpu.memory_space<vmem>> -> memref<32x128xf32, #tpu.memory_space<vmem>>
      %dma_wait3A_57 = arith.constant 0 : i32
      %dma_wait3A_58 = tpu.memref_slice %arg9[%add3A_20, %dma_wait3A_57] : memref<10112x128xf32, #tpu.memory_space<vmem_shared>> -> memref<32x128xf32, #tpu.memory_space<vmem_shared>>
      %dma_wait3A_59 = arith.constant 0 : i32
      %dma_wait3A_60 = tpu.memref_slice %arg9[%add3A_20, %dma_wait3A_59] : memref<10112x128xf32, #tpu.memory_space<vmem_shared>> -> memref<32x128xf32, #tpu.memory_space<vmem_shared>>
      %dma_wait3A_61 = arith.constant 0 : i32
      %dma_wait3A_62 = arith.constant 0 : i32
      %dma_wait3A_63 = tpu.memref_slice %arg8[%dma_wait3A_61, %dma_wait3A_62] : memref<125x128xf32, #tpu.memory_space<vmem>> -> memref<32x128xf32, #tpu.memory_space<vmem>>
      tpu.wait_dma2 semaphore(%run_scoped3A : memref<!tpu.dma_semaphore, #tpu.memory_space<semaphore_mem>>) src(%dma_wait3A_63 : memref<32x128xf32, #tpu.memory_space<vmem>>) dst(%dma_wait3A_60 : memref<32x128xf32, #tpu.memory_space<vmem_shared>>)
      tpu.yield
    }) : () -> ()
    %barrier3A = arith.constant 0 : index
    tpu.barrier barrier_id(%barrier3A)
    "tpu.region"() ({
      %run_scoped3A = tpu.sem_alloc : memref<!tpu.dma_semaphore, #tpu.memory_space<semaphore_mem>>
      %dma_start3A = arith.constant 0 : i32
      %dma_start3A_46 = arith.constant 0 : i32
      %dma_start3A_47 = tpu.memref_slice %arg3[%add3A, %dma_start3A, %dma_start3A_46] : memref<32x80x125xi32, #tpu.memory_space<hbm>> -> memref<1x40x125xi32, #tpu.memory_space<hbm>>
      %dma_start3A_48 = tpu.memref_squeeze %dma_start3A_47 : memref<1x40x125xi32, #tpu.memory_space<hbm>> -> memref<40x125xi32, #tpu.memory_space<hbm>>
      %dma_start3A_49 = arith.constant 0 : i32
      %dma_start3A_50 = arith.constant 0 : i32
      %dma_start3A_51 = tpu.memref_slice %arg3[%add3A, %dma_start3A_49, %dma_start3A_50] : memref<32x80x125xi32, #tpu.memory_space<hbm>> -> memref<1x40x125xi32, #tpu.memory_space<hbm>>
      %dma_start3A_52 = tpu.memref_squeeze %dma_start3A_51 : memref<1x40x125xi32, #tpu.memory_space<hbm>> -> memref<40x125xi32, #tpu.memory_space<hbm>>
      tpu.enqueue_dma source(%dma_start3A_52 : memref<40x125xi32, #tpu.memory_space<hbm>>) target(%arg6 : memref<40x125xi32, #tpu.memory_space<vmem>>) target_semaphore(%run_scoped3A : memref<!tpu.dma_semaphore, #tpu.memory_space<semaphore_mem>>)
      %dma_wait3A = arith.constant 0 : i32
      %dma_wait3A_53 = arith.constant 0 : i32
      %dma_wait3A_54 = tpu.memref_slice %arg3[%add3A, %dma_wait3A, %dma_wait3A_53] : memref<32x80x125xi32, #tpu.memory_space<hbm>> -> memref<1x40x125xi32, #tpu.memory_space<hbm>>
      %dma_wait3A_55 = tpu.memref_squeeze %dma_wait3A_54 : memref<1x40x125xi32, #tpu.memory_space<hbm>> -> memref<40x125xi32, #tpu.memory_space<hbm>>
      %dma_wait3A_56 = arith.constant 0 : i32
      %dma_wait3A_57 = arith.constant 0 : i32
      %dma_wait3A_58 = tpu.memref_slice %arg3[%add3A, %dma_wait3A_56, %dma_wait3A_57] : memref<32x80x125xi32, #tpu.memory_space<hbm>> -> memref<1x40x125xi32, #tpu.memory_space<hbm>>
      %dma_wait3A_59 = tpu.memref_squeeze %dma_wait3A_58 : memref<1x40x125xi32, #tpu.memory_space<hbm>> -> memref<40x125xi32, #tpu.memory_space<hbm>>
      tpu.wait_dma2 semaphore(%run_scoped3A : memref<!tpu.dma_semaphore, #tpu.memory_space<semaphore_mem>>) src(%dma_wait3A_59 : memref<40x125xi32, #tpu.memory_space<hbm>>) dst(%arg6 : memref<40x125xi32, #tpu.memory_space<vmem>>)
      tpu.yield
    }) : () -> ()
    %scan3A_21 = arith.constant 0 : i32
    %scan3A_22 = arith.constant 0 : i32
    %scan3A_23 = arith.constant 40 : i32
    %scan3A_24 = arith.addi %scan3A_22, %scan3A_23 : i32
    %scan3A_25 = arith.constant 1 : i32
    scf.for %scan3A_46 = %scan3A_22 to %scan3A_24 step %scan3A_25  : i32 {
      "tpu.region"() ({
        %run_scoped3A = tpu.sem_alloc : memref<!tpu.dma_semaphore, #tpu.memory_space<semaphore_mem>>
        %dma_start3A = arith.constant 0 : i32
        %dma_start3A_48 = tpu.memref_slice %arg6[%scan3A_46, %dma_start3A] : memref<40x125xi32, #tpu.memory_space<vmem>> -> memref<1x125xi32, #tpu.memory_space<vmem>>
        %dma_start3A_49 = tpu.memref_squeeze %dma_start3A_48 : memref<1x125xi32, #tpu.memory_space<vmem>> -> memref<125xi32, #tpu.memory_space<vmem>>
        %dma_start3A_50 = arith.constant 0 : i32
        %dma_start3A_51 = arith.constant 0 : i32
        %dma_start3A_52 = tpu.memref_slice %arg2[%dma_start3A_50, %dma_start3A_51] : memref<10000x128xf32, #tpu.memory_space<hbm>> -> memref<10000x128xf32, #tpu.memory_space<hbm>>
        tpu.enqueue_indirect_dma source(%dma_start3A_52 : memref<10000x128xf32, #tpu.memory_space<hbm>>) target(%arg8 : memref<125x128xf32, #tpu.memory_space<vmem>>) offsets(%dma_start3A_49 : memref<125xi32, #tpu.memory_space<vmem>>) semaphore(%run_scoped3A : memref<!tpu.dma_semaphore, #tpu.memory_space<semaphore_mem>>)
        %dma_wait3A = arith.constant 0 : i32
        %dma_wait3A_53 = tpu.memref_slice %arg6[%scan3A_46, %dma_wait3A] : memref<40x125xi32, #tpu.memory_space<vmem>> -> memref<1x125xi32, #tpu.memory_space<vmem>>
        %dma_wait3A_54 = tpu.memref_squeeze %dma_wait3A_53 : memref<1x125xi32, #tpu.memory_space<vmem>> -> memref<125xi32, #tpu.memory_space<vmem>>
        %dma_wait3A_55 = arith.constant 0 : i32
        %dma_wait3A_56 = arith.constant 0 : i32
        %dma_wait3A_57 = tpu.memref_slice %arg2[%dma_wait3A_55, %dma_wait3A_56] : memref<10000x128xf32, #tpu.memory_space<hbm>> -> memref<10000x128xf32, #tpu.memory_space<hbm>>
        tpu.wait_indirect_dma semaphore(%run_scoped3A : memref<!tpu.dma_semaphore, #tpu.memory_space<semaphore_mem>>) src(%dma_wait3A_57 : memref<10000x128xf32, #tpu.memory_space<hbm>>) dst(%arg8 : memref<125x128xf32, #tpu.memory_space<vmem>>)
        tpu.yield
      }) : () -> ()
      %add3A_47 = arith.addi %scan3A_46, %scan3A_21 : i32
      "tpu.region"() ({
        %run_scoped3A = tpu.sem_alloc : memref<!tpu.dma_semaphore, #tpu.memory_space<semaphore_mem>>
        %dma_start3A = arith.constant 0 : i32
        %dma_start3A_48 = tpu.memref_slice %arg7[%add3A_47, %dma_start3A] : memref<80x125xi32, #tpu.memory_space<vmem>> -> memref<1x125xi32, #tpu.memory_space<vmem>>
        %dma_start3A_49 = tpu.memref_squeeze %dma_start3A_48 : memref<1x125xi32, #tpu.memory_space<vmem>> -> memref<125xi32, #tpu.memory_space<vmem>>
        %dma_start3A_50 = arith.constant 0 : i32
        %dma_start3A_51 = arith.constant 0 : i32
        %dma_start3A_52 = tpu.memref_slice %arg9[%dma_start3A_50, %dma_start3A_51] : memref<10112x128xf32, #tpu.memory_space<vmem_shared>> -> memref<10112x128xf32, #tpu.memory_space<vmem_shared>>
        tpu.enqueue_indirect_dma source(%arg8 : memref<125x128xf32, #tpu.memory_space<vmem>>) target(%dma_start3A_52 : memref<10112x128xf32, #tpu.memory_space<vmem_shared>>) offsets(%dma_start3A_49 : memref<125xi32, #tpu.memory_space<vmem>>) semaphore(%run_scoped3A : memref<!tpu.dma_semaphore, #tpu.memory_space<semaphore_mem>>) {add = true}
        %dma_wait3A = arith.constant 0 : i32
        %dma_wait3A_53 = tpu.memref_slice %arg7[%add3A_47, %dma_wait3A] : memref<80x125xi32, #tpu.memory_space<vmem>> -> memref<1x125xi32, #tpu.memory_space<vmem>>
        %dma_wait3A_54 = tpu.memref_squeeze %dma_wait3A_53 : memref<1x125xi32, #tpu.memory_space<vmem>> -> memref<125xi32, #tpu.memory_space<vmem>>
        %dma_wait3A_55 = arith.constant 0 : i32
        %dma_wait3A_56 = arith.constant 0 : i32
        %dma_wait3A_57 = tpu.memref_slice %arg9[%dma_wait3A_55, %dma_wait3A_56] : memref<10112x128xf32, #tpu.memory_space<vmem_shared>> -> memref<10112x128xf32, #tpu.memory_space<vmem_shared>>
        tpu.wait_indirect_dma semaphore(%run_scoped3A : memref<!tpu.dma_semaphore, #tpu.memory_space<semaphore_mem>>) src(%arg8 : memref<125x128xf32, #tpu.memory_space<vmem>>) dst(%dma_wait3A_57 : memref<10112x128xf32, #tpu.memory_space<vmem_shared>>)
        tpu.yield
      }) : () -> ()
    }
    %scan3A_26 = arith.constant 40 : i32
    "tpu.region"() ({
      %run_scoped3A = tpu.sem_alloc : memref<!tpu.dma_semaphore, #tpu.memory_space<semaphore_mem>>
      %dma_start3A = arith.constant 40 : i32
      %dma_start3A_46 = arith.constant 0 : i32
      %dma_start3A_47 = tpu.memref_slice %arg3[%add3A, %dma_start3A, %dma_start3A_46] : memref<32x80x125xi32, #tpu.memory_space<hbm>> -> memref<1x40x125xi32, #tpu.memory_space<hbm>>
      %dma_start3A_48 = tpu.memref_squeeze %dma_start3A_47 : memref<1x40x125xi32, #tpu.memory_space<hbm>> -> memref<40x125xi32, #tpu.memory_space<hbm>>
      %dma_start3A_49 = arith.constant 40 : i32
      %dma_start3A_50 = arith.constant 0 : i32
      %dma_start3A_51 = tpu.memref_slice %arg3[%add3A, %dma_start3A_49, %dma_start3A_50] : memref<32x80x125xi32, #tpu.memory_space<hbm>> -> memref<1x40x125xi32, #tpu.memory_space<hbm>>
      %dma_start3A_52 = tpu.memref_squeeze %dma_start3A_51 : memref<1x40x125xi32, #tpu.memory_space<hbm>> -> memref<40x125xi32, #tpu.memory_space<hbm>>
      tpu.enqueue_dma source(%dma_start3A_52 : memref<40x125xi32, #tpu.memory_space<hbm>>) target(%arg6 : memref<40x125xi32, #tpu.memory_space<vmem>>) target_semaphore(%run_scoped3A : memref<!tpu.dma_semaphore, #tpu.memory_space<semaphore_mem>>)
      %dma_wait3A = arith.constant 40 : i32
      %dma_wait3A_53 = arith.constant 0 : i32
      %dma_wait3A_54 = tpu.memref_slice %arg3[%add3A, %dma_wait3A, %dma_wait3A_53] : memref<32x80x125xi32, #tpu.memory_space<hbm>> -> memref<1x40x125xi32, #tpu.memory_space<hbm>>
      %dma_wait3A_55 = tpu.memref_squeeze %dma_wait3A_54 : memref<1x40x125xi32, #tpu.memory_space<hbm>> -> memref<40x125xi32, #tpu.memory_space<hbm>>
      %dma_wait3A_56 = arith.constant 40 : i32
      %dma_wait3A_57 = arith.constant 0 : i32
      %dma_wait3A_58 = tpu.memref_slice %arg3[%add3A, %dma_wait3A_56, %dma_wait3A_57] : memref<32x80x125xi32, #tpu.memory_space<hbm>> -> memref<1x40x125xi32, #tpu.memory_space<hbm>>
      %dma_wait3A_59 = tpu.memref_squeeze %dma_wait3A_58 : memref<1x40x125xi32, #tpu.memory_space<hbm>> -> memref<40x125xi32, #tpu.memory_space<hbm>>
      tpu.wait_dma2 semaphore(%run_scoped3A : memref<!tpu.dma_semaphore, #tpu.memory_space<semaphore_mem>>) src(%dma_wait3A_59 : memref<40x125xi32, #tpu.memory_space<hbm>>) dst(%arg6 : memref<40x125xi32, #tpu.memory_space<vmem>>)
      tpu.yield
    }) : () -> ()
    %scan3A_27 = arith.constant 40 : i32
    %scan3A_28 = arith.constant 0 : i32
    %scan3A_29 = arith.constant 40 : i32
    %scan3A_30 = arith.addi %scan3A_28, %scan3A_29 : i32
    %scan3A_31 = arith.constant 1 : i32
    scf.for %scan3A_46 = %scan3A_28 to %scan3A_30 step %scan3A_31  : i32 {
      "tpu.region"() ({
        %run_scoped3A = tpu.sem_alloc : memref<!tpu.dma_semaphore, #tpu.memory_space<semaphore_mem>>
        %dma_start3A = arith.constant 0 : i32
        %dma_start3A_48 = tpu.memref_slice %arg6[%scan3A_46, %dma_start3A] : memref<40x125xi32, #tpu.memory_space<vmem>> -> memref<1x125xi32, #tpu.memory_space<vmem>>
        %dma_start3A_49 = tpu.memref_squeeze %dma_start3A_48 : memref<1x125xi32, #tpu.memory_space<vmem>> -> memref<125xi32, #tpu.memory_space<vmem>>
        %dma_start3A_50 = arith.constant 0 : i32
        %dma_start3A_51 = arith.constant 0 : i32
        %dma_start3A_52 = tpu.memref_slice %arg2[%dma_start3A_50, %dma_start3A_51] : memref<10000x128xf32, #tpu.memory_space<hbm>> -> memref<10000x128xf32, #tpu.memory_space<hbm>>
        tpu.enqueue_indirect_dma source(%dma_start3A_52 : memref<10000x128xf32, #tpu.memory_space<hbm>>) target(%arg8 : memref<125x128xf32, #tpu.memory_space<vmem>>) offsets(%dma_start3A_49 : memref<125xi32, #tpu.memory_space<vmem>>) semaphore(%run_scoped3A : memref<!tpu.dma_semaphore, #tpu.memory_space<semaphore_mem>>)
        %dma_wait3A = arith.constant 0 : i32
        %dma_wait3A_53 = tpu.memref_slice %arg6[%scan3A_46, %dma_wait3A] : memref<40x125xi32, #tpu.memory_space<vmem>> -> memref<1x125xi32, #tpu.memory_space<vmem>>
        %dma_wait3A_54 = tpu.memref_squeeze %dma_wait3A_53 : memref<1x125xi32, #tpu.memory_space<vmem>> -> memref<125xi32, #tpu.memory_space<vmem>>
        %dma_wait3A_55 = arith.constant 0 : i32
        %dma_wait3A_56 = arith.constant 0 : i32
        %dma_wait3A_57 = tpu.memref_slice %arg2[%dma_wait3A_55, %dma_wait3A_56] : memref<10000x128xf32, #tpu.memory_space<hbm>> -> memref<10000x128xf32, #tpu.memory_space<hbm>>
        tpu.wait_indirect_dma semaphore(%run_scoped3A : memref<!tpu.dma_semaphore, #tpu.memory_space<semaphore_mem>>) src(%dma_wait3A_57 : memref<10000x128xf32, #tpu.memory_space<hbm>>) dst(%arg8 : memref<125x128xf32, #tpu.memory_space<vmem>>)
        tpu.yield
      }) : () -> ()
      %add3A_47 = arith.addi %scan3A_46, %scan3A_27 : i32
      "tpu.region"() ({
        %run_scoped3A = tpu.sem_alloc : memref<!tpu.dma_semaphore, #tpu.memory_space<semaphore_mem>>
        %dma_start3A = arith.constant 0 : i32
        %dma_start3A_48 = tpu.memref_slice %arg7[%add3A_47, %dma_start3A] : memref<80x125xi32, #tpu.memory_space<vmem>> -> memref<1x125xi32, #tpu.memory_space<vmem>>
        %dma_start3A_49 = tpu.memref_squeeze %dma_start3A_48 : memref<1x125xi32, #tpu.memory_space<vmem>> -> memref<125xi32, #tpu.memory_space<vmem>>
        %dma_start3A_50 = arith.constant 0 : i32
        %dma_start3A_51 = arith.constant 0 : i32
        %dma_start3A_52 = tpu.memref_slice %arg9[%dma_start3A_50, %dma_start3A_51] : memref<10112x128xf32, #tpu.memory_space<vmem_shared>> -> memref<10112x128xf32, #tpu.memory_space<vmem_shared>>
        tpu.enqueue_indirect_dma source(%arg8 : memref<125x128xf32, #tpu.memory_space<vmem>>) target(%dma_start3A_52 : memref<10112x128xf32, #tpu.memory_space<vmem_shared>>) offsets(%dma_start3A_49 : memref<125xi32, #tpu.memory_space<vmem>>) semaphore(%run_scoped3A : memref<!tpu.dma_semaphore, #tpu.memory_space<semaphore_mem>>) {add = true}
        %dma_wait3A = arith.constant 0 : i32
        %dma_wait3A_53 = tpu.memref_slice %arg7[%add3A_47, %dma_wait3A] : memref<80x125xi32, #tpu.memory_space<vmem>> -> memref<1x125xi32, #tpu.memory_space<vmem>>
        %dma_wait3A_54 = tpu.memref_squeeze %dma_wait3A_53 : memref<1x125xi32, #tpu.memory_space<vmem>> -> memref<125xi32, #tpu.memory_space<vmem>>
        %dma_wait3A_55 = arith.constant 0 : i32
        %dma_wait3A_56 = arith.constant 0 : i32
        %dma_wait3A_57 = tpu.memref_slice %arg9[%dma_wait3A_55, %dma_wait3A_56] : memref<10112x128xf32, #tpu.memory_space<vmem_shared>> -> memref<10112x128xf32, #tpu.memory_space<vmem_shared>>
        tpu.wait_indirect_dma semaphore(%run_scoped3A : memref<!tpu.dma_semaphore, #tpu.memory_space<semaphore_mem>>) src(%arg8 : memref<125x128xf32, #tpu.memory_space<vmem>>) dst(%dma_wait3A_57 : memref<10112x128xf32, #tpu.memory_space<vmem_shared>>)
        tpu.yield
      }) : () -> ()
    }
    %scan3A_32 = arith.constant 40 : i32
    %barrier3A_33 = arith.constant 0 : index
    tpu.barrier barrier_id(%barrier3A_33)
    %add3A_34 = arith.constant 0 : i32
    %add3A_35 = arith.addi %mul3A_8, %add3A_34 : i32
    "tpu.region"() ({
      %run_scoped3A = tpu.sem_alloc : memref<!tpu.dma_semaphore, #tpu.memory_space<semaphore_mem>>
      %dma_start3A = arith.constant 0 : i32
      %dma_start3A_46 = arith.constant 0 : i32
      %dma_start3A_47 = tpu.memref_slice %arg8[%dma_start3A, %dma_start3A_46] : memref<125x128xf32, #tpu.memory_space<vmem>> -> memref<120x128xf32, #tpu.memory_space<vmem>>
      %dma_start3A_48 = arith.constant 0 : i32
      %dma_start3A_49 = tpu.memref_slice %arg9[%add3A_35, %dma_start3A_48] : memref<10112x128xf32, #tpu.memory_space<vmem_shared>> -> memref<120x128xf32, #tpu.memory_space<vmem_shared>>
      %dma_start3A_50 = arith.constant 0 : i32
      %dma_start3A_51 = arith.constant 0 : i32
      %dma_start3A_52 = tpu.memref_slice %arg8[%dma_start3A_50, %dma_start3A_51] : memref<125x128xf32, #tpu.memory_space<vmem>> -> memref<120x128xf32, #tpu.memory_space<vmem>>
      %dma_start3A_53 = arith.constant 0 : i32
      %dma_start3A_54 = tpu.memref_slice %arg9[%add3A_35, %dma_start3A_53] : memref<10112x128xf32, #tpu.memory_space<vmem_shared>> -> memref<120x128xf32, #tpu.memory_space<vmem_shared>>
      tpu.enqueue_dma source(%dma_start3A_54 : memref<120x128xf32, #tpu.memory_space<vmem_shared>>) target(%dma_start3A_52 : memref<120x128xf32, #tpu.memory_space<vmem>>) target_semaphore(%run_scoped3A : memref<!tpu.dma_semaphore, #tpu.memory_space<semaphore_mem>>)
      %dma_wait3A = arith.constant 0 : i32
      %dma_wait3A_55 = arith.constant 0 : i32
      %dma_wait3A_56 = tpu.memref_slice %arg8[%dma_wait3A, %dma_wait3A_55] : memref<125x128xf32, #tpu.memory_space<vmem>> -> memref<120x128xf32, #tpu.memory_space<vmem>>
      %dma_wait3A_57 = arith.constant 0 : i32
      %dma_wait3A_58 = tpu.memref_slice %arg9[%add3A_35, %dma_wait3A_57] : memref<10112x128xf32, #tpu.memory_space<vmem_shared>> -> memref<120x128xf32, #tpu.memory_space<vmem_shared>>
      %dma_wait3A_59 = arith.constant 0 : i32
      %dma_wait3A_60 = arith.constant 0 : i32
      %dma_wait3A_61 = tpu.memref_slice %arg8[%dma_wait3A_59, %dma_wait3A_60] : memref<125x128xf32, #tpu.memory_space<vmem>> -> memref<120x128xf32, #tpu.memory_space<vmem>>
      %dma_wait3A_62 = arith.constant 0 : i32
      %dma_wait3A_63 = tpu.memref_slice %arg9[%add3A_35, %dma_wait3A_62] : memref<10112x128xf32, #tpu.memory_space<vmem_shared>> -> memref<120x128xf32, #tpu.memory_space<vmem_shared>>
      tpu.wait_dma2 semaphore(%run_scoped3A : memref<!tpu.dma_semaphore, #tpu.memory_space<semaphore_mem>>) src(%dma_wait3A_63 : memref<120x128xf32, #tpu.memory_space<vmem_shared>>) dst(%dma_wait3A_61 : memref<120x128xf32, #tpu.memory_space<vmem>>)
      tpu.yield
    }) : () -> ()
    "tpu.region"() ({
      %run_scoped3A = tpu.sem_alloc : memref<!tpu.dma_semaphore, #tpu.memory_space<semaphore_mem>>
      %dma_start3A = arith.constant 0 : i32
      %dma_start3A_46 = arith.constant 0 : i32
      %dma_start3A_47 = tpu.memref_slice %arg8[%dma_start3A, %dma_start3A_46] : memref<125x128xf32, #tpu.memory_space<vmem>> -> memref<120x128xf32, #tpu.memory_space<vmem>>
      %dma_start3A_48 = arith.constant 0 : i32
      %dma_start3A_49 = arith.constant 0 : i32
      %dma_start3A_50 = tpu.memref_slice %arg5[%arg0, %dma_start3A_48, %dma_start3A_49] : memref<2x10112x128xf32, #tpu.memory_space<hbm>> -> memref<1x10112x128xf32, #tpu.memory_space<hbm>>
      %dma_start3A_51 = tpu.memref_squeeze %dma_start3A_50 : memref<1x10112x128xf32, #tpu.memory_space<hbm>> -> memref<10112x128xf32, #tpu.memory_space<hbm>>
      %dma_start3A_52 = arith.constant 0 : i32
      %dma_start3A_53 = tpu.memref_slice %dma_start3A_51[%add3A_35, %dma_start3A_52] : memref<10112x128xf32, #tpu.memory_space<hbm>> -> memref<120x128xf32, #tpu.memory_space<hbm>>
      %dma_start3A_54 = arith.constant 0 : i32
      %dma_start3A_55 = arith.constant 0 : i32
      %dma_start3A_56 = tpu.memref_slice %arg5[%arg0, %dma_start3A_54, %dma_start3A_55] : memref<2x10112x128xf32, #tpu.memory_space<hbm>> -> memref<1x10112x128xf32, #tpu.memory_space<hbm>>
      %dma_start3A_57 = tpu.memref_squeeze %dma_start3A_56 : memref<1x10112x128xf32, #tpu.memory_space<hbm>> -> memref<10112x128xf32, #tpu.memory_space<hbm>>
      %dma_start3A_58 = arith.constant 0 : i32
      %dma_start3A_59 = tpu.memref_slice %dma_start3A_57[%add3A_35, %dma_start3A_58] : memref<10112x128xf32, #tpu.memory_space<hbm>> -> memref<120x128xf32, #tpu.memory_space<hbm>>
      %dma_start3A_60 = arith.constant 0 : i32
      %dma_start3A_61 = arith.constant 0 : i32
      %dma_start3A_62 = tpu.memref_slice %arg8[%dma_start3A_60, %dma_start3A_61] : memref<125x128xf32, #tpu.memory_space<vmem>> -> memref<120x128xf32, #tpu.memory_space<vmem>>
      tpu.enqueue_dma source(%dma_start3A_62 : memref<120x128xf32, #tpu.memory_space<vmem>>) target(%dma_start3A_59 : memref<120x128xf32, #tpu.memory_space<hbm>>) target_semaphore(%run_scoped3A : memref<!tpu.dma_semaphore, #tpu.memory_space<semaphore_mem>>)
      %dma_wait3A = arith.constant 0 : i32
      %dma_wait3A_63 = arith.constant 0 : i32
      %dma_wait3A_64 = tpu.memref_slice %arg8[%dma_wait3A, %dma_wait3A_63] : memref<125x128xf32, #tpu.memory_space<vmem>> -> memref<120x128xf32, #tpu.memory_space<vmem>>
      %dma_wait3A_65 = arith.constant 0 : i32
      %dma_wait3A_66 = arith.constant 0 : i32
      %dma_wait3A_67 = tpu.memref_slice %arg5[%arg0, %dma_wait3A_65, %dma_wait3A_66] : memref<2x10112x128xf32, #tpu.memory_space<hbm>> -> memref<1x10112x128xf32, #tpu.memory_space<hbm>>
      %dma_wait3A_68 = tpu.memref_squeeze %dma_wait3A_67 : memref<1x10112x128xf32, #tpu.memory_space<hbm>> -> memref<10112x128xf32, #tpu.memory_space<hbm>>
      %dma_wait3A_69 = arith.constant 0 : i32
      %dma_wait3A_70 = tpu.memref_slice %dma_wait3A_68[%add3A_35, %dma_wait3A_69] : memref<10112x128xf32, #tpu.memory_space<hbm>> -> memref<120x128xf32, #tpu.memory_space<hbm>>
      %dma_wait3A_71 = arith.constant 0 : i32
      %dma_wait3A_72 = arith.constant 0 : i32
      %dma_wait3A_73 = tpu.memref_slice %arg5[%arg0, %dma_wait3A_71, %dma_wait3A_72] : memref<2x10112x128xf32, #tpu.memory_space<hbm>> -> memref<1x10112x128xf32, #tpu.memory_space<hbm>>
      %dma_wait3A_74 = tpu.memref_squeeze %dma_wait3A_73 : memref<1x10112x128xf32, #tpu.memory_space<hbm>> -> memref<10112x128xf32, #tpu.memory_space<hbm>>
      %dma_wait3A_75 = arith.constant 0 : i32
      %dma_wait3A_76 = tpu.memref_slice %dma_wait3A_74[%add3A_35, %dma_wait3A_75] : memref<10112x128xf32, #tpu.memory_space<hbm>> -> memref<120x128xf32, #tpu.memory_space<hbm>>
      %dma_wait3A_77 = arith.constant 0 : i32
      %dma_wait3A_78 = arith.constant 0 : i32
      %dma_wait3A_79 = tpu.memref_slice %arg8[%dma_wait3A_77, %dma_wait3A_78] : memref<125x128xf32, #tpu.memory_space<vmem>> -> memref<120x128xf32, #tpu.memory_space<vmem>>
      tpu.wait_dma2 semaphore(%run_scoped3A : memref<!tpu.dma_semaphore, #tpu.memory_space<semaphore_mem>>) src(%dma_wait3A_79 : memref<120x128xf32, #tpu.memory_space<vmem>>) dst(%dma_wait3A_76 : memref<120x128xf32, #tpu.memory_space<hbm>>)
      tpu.yield
    }) : () -> ()
    %add3A_36 = arith.constant 120 : i32
    %add3A_37 = arith.addi %mul3A_8, %add3A_36 : i32
    "tpu.region"() ({
      %run_scoped3A = tpu.sem_alloc : memref<!tpu.dma_semaphore, #tpu.memory_space<semaphore_mem>>
      %dma_start3A = arith.constant 0 : i32
      %dma_start3A_46 = arith.constant 0 : i32
      %dma_start3A_47 = tpu.memref_slice %arg8[%dma_start3A, %dma_start3A_46] : memref<125x128xf32, #tpu.memory_space<vmem>> -> memref<120x128xf32, #tpu.memory_space<vmem>>
      %dma_start3A_48 = arith.constant 0 : i32
      %dma_start3A_49 = tpu.memref_slice %arg9[%add3A_37, %dma_start3A_48] : memref<10112x128xf32, #tpu.memory_space<vmem_shared>> -> memref<120x128xf32, #tpu.memory_space<vmem_shared>>
      %dma_start3A_50 = arith.constant 0 : i32
      %dma_start3A_51 = arith.constant 0 : i32
      %dma_start3A_52 = tpu.memref_slice %arg8[%dma_start3A_50, %dma_start3A_51] : memref<125x128xf32, #tpu.memory_space<vmem>> -> memref<120x128xf32, #tpu.memory_space<vmem>>
      %dma_start3A_53 = arith.constant 0 : i32
      %dma_start3A_54 = tpu.memref_slice %arg9[%add3A_37, %dma_start3A_53] : memref<10112x128xf32, #tpu.memory_space<vmem_shared>> -> memref<120x128xf32, #tpu.memory_space<vmem_shared>>
      tpu.enqueue_dma source(%dma_start3A_54 : memref<120x128xf32, #tpu.memory_space<vmem_shared>>) target(%dma_start3A_52 : memref<120x128xf32, #tpu.memory_space<vmem>>) target_semaphore(%run_scoped3A : memref<!tpu.dma_semaphore, #tpu.memory_space<semaphore_mem>>)
      %dma_wait3A = arith.constant 0 : i32
      %dma_wait3A_55 = arith.constant 0 : i32
      %dma_wait3A_56 = tpu.memref_slice %arg8[%dma_wait3A, %dma_wait3A_55] : memref<125x128xf32, #tpu.memory_space<vmem>> -> memref<120x128xf32, #tpu.memory_space<vmem>>
      %dma_wait3A_57 = arith.constant 0 : i32
      %dma_wait3A_58 = tpu.memref_slice %arg9[%add3A_37, %dma_wait3A_57] : memref<10112x128xf32, #tpu.memory_space<vmem_shared>> -> memref<120x128xf32, #tpu.memory_space<vmem_shared>>
      %dma_wait3A_59 = arith.constant 0 : i32
      %dma_wait3A_60 = arith.constant 0 : i32
      %dma_wait3A_61 = tpu.memref_slice %arg8[%dma_wait3A_59, %dma_wait3A_60] : memref<125x128xf32, #tpu.memory_space<vmem>> -> memref<120x128xf32, #tpu.memory_space<vmem>>
      %dma_wait3A_62 = arith.constant 0 : i32
      %dma_wait3A_63 = tpu.memref_slice %arg9[%add3A_37, %dma_wait3A_62] : memref<10112x128xf32, #tpu.memory_space<vmem_shared>> -> memref<120x128xf32, #tpu.memory_space<vmem_shared>>
      tpu.wait_dma2 semaphore(%run_scoped3A : memref<!tpu.dma_semaphore, #tpu.memory_space<semaphore_mem>>) src(%dma_wait3A_63 : memref<120x128xf32, #tpu.memory_space<vmem_shared>>) dst(%dma_wait3A_61 : memref<120x128xf32, #tpu.memory_space<vmem>>)
      tpu.yield
    }) : () -> ()
    "tpu.region"() ({
      %run_scoped3A = tpu.sem_alloc : memref<!tpu.dma_semaphore, #tpu.memory_space<semaphore_mem>>
      %dma_start3A = arith.constant 0 : i32
      %dma_start3A_46 = arith.constant 0 : i32
      %dma_start3A_47 = tpu.memref_slice %arg8[%dma_start3A, %dma_start3A_46] : memref<125x128xf32, #tpu.memory_space<vmem>> -> memref<120x128xf32, #tpu.memory_space<vmem>>
      %dma_start3A_48 = arith.constant 0 : i32
      %dma_start3A_49 = arith.constant 0 : i32
      %dma_start3A_50 = tpu.memref_slice %arg5[%arg0, %dma_start3A_48, %dma_start3A_49] : memref<2x10112x128xf32, #tpu.memory_space<hbm>> -> memref<1x10112x128xf32, #tpu.memory_space<hbm>>
      %dma_start3A_51 = tpu.memref_squeeze %dma_start3A_50 : memref<1x10112x128xf32, #tpu.memory_space<hbm>> -> memref<10112x128xf32, #tpu.memory_space<hbm>>
      %dma_start3A_52 = arith.constant 0 : i32
      %dma_start3A_53 = tpu.memref_slice %dma_start3A_51[%add3A_37, %dma_start3A_52] : memref<10112x128xf32, #tpu.memory_space<hbm>> -> memref<120x128xf32, #tpu.memory_space<hbm>>
      %dma_start3A_54 = arith.constant 0 : i32
      %dma_start3A_55 = arith.constant 0 : i32
      %dma_start3A_56 = tpu.memref_slice %arg5[%arg0, %dma_start3A_54, %dma_start3A_55] : memref<2x10112x128xf32, #tpu.memory_space<hbm>> -> memref<1x10112x128xf32, #tpu.memory_space<hbm>>
      %dma_start3A_57 = tpu.memref_squeeze %dma_start3A_56 : memref<1x10112x128xf32, #tpu.memory_space<hbm>> -> memref<10112x128xf32, #tpu.memory_space<hbm>>
      %dma_start3A_58 = arith.constant 0 : i32
      %dma_start3A_59 = tpu.memref_slice %dma_start3A_57[%add3A_37, %dma_start3A_58] : memref<10112x128xf32, #tpu.memory_space<hbm>> -> memref<120x128xf32, #tpu.memory_space<hbm>>
      %dma_start3A_60 = arith.constant 0 : i32
      %dma_start3A_61 = arith.constant 0 : i32
      %dma_start3A_62 = tpu.memref_slice %arg8[%dma_start3A_60, %dma_start3A_61] : memref<125x128xf32, #tpu.memory_space<vmem>> -> memref<120x128xf32, #tpu.memory_space<vmem>>
      tpu.enqueue_dma source(%dma_start3A_62 : memref<120x128xf32, #tpu.memory_space<vmem>>) target(%dma_start3A_59 : memref<120x128xf32, #tpu.memory_space<hbm>>) target_semaphore(%run_scoped3A : memref<!tpu.dma_semaphore, #tpu.memory_space<semaphore_mem>>)
      %dma_wait3A = arith.constant 0 : i32
      %dma_wait3A_63 = arith.constant 0 : i32
      %dma_wait3A_64 = tpu.memref_slice %arg8[%dma_wait3A, %dma_wait3A_63] : memref<125x128xf32, #tpu.memory_space<vmem>> -> memref<120x128xf32, #tpu.memory_space<vmem>>
      %dma_wait3A_65 = arith.constant 0 : i32
      %dma_wait3A_66 = arith.constant 0 : i32
      %dma_wait3A_67 = tpu.memref_slice %arg5[%arg0, %dma_wait3A_65, %dma_wait3A_66] : memref<2x10112x128xf32, #tpu.memory_space<hbm>> -> memref<1x10112x128xf32, #tpu.memory_space<hbm>>
      %dma_wait3A_68 = tpu.memref_squeeze %dma_wait3A_67 : memref<1x10112x128xf32, #tpu.memory_space<hbm>> -> memref<10112x128xf32, #tpu.memory_space<hbm>>
      %dma_wait3A_69 = arith.constant 0 : i32
      %dma_wait3A_70 = tpu.memref_slice %dma_wait3A_68[%add3A_37, %dma_wait3A_69] : memref<10112x128xf32, #tpu.memory_space<hbm>> -> memref<120x128xf32, #tpu.memory_space<hbm>>
      %dma_wait3A_71 = arith.constant 0 : i32
      %dma_wait3A_72 = arith.constant 0 : i32
      %dma_wait3A_73 = tpu.memref_slice %arg5[%arg0, %dma_wait3A_71, %dma_wait3A_72] : memref<2x10112x128xf32, #tpu.memory_space<hbm>> -> memref<1x10112x128xf32, #tpu.memory_space<hbm>>
      %dma_wait3A_74 = tpu.memref_squeeze %dma_wait3A_73 : memref<1x10112x128xf32, #tpu.memory_space<hbm>> -> memref<10112x128xf32, #tpu.memory_space<hbm>>
      %dma_wait3A_75 = arith.constant 0 : i32
      %dma_wait3A_76 = tpu.memref_slice %dma_wait3A_74[%add3A_37, %dma_wait3A_75] : memref<10112x128xf32, #tpu.memory_space<hbm>> -> memref<120x128xf32, #tpu.memory_space<hbm>>
      %dma_wait3A_77 = arith.constant 0 : i32
      %dma_wait3A_78 = arith.constant 0 : i32
      %dma_wait3A_79 = tpu.memref_slice %arg8[%dma_wait3A_77, %dma_wait3A_78] : memref<125x128xf32, #tpu.memory_space<vmem>> -> memref<120x128xf32, #tpu.memory_space<vmem>>
      tpu.wait_dma2 semaphore(%run_scoped3A : memref<!tpu.dma_semaphore, #tpu.memory_space<semaphore_mem>>) src(%dma_wait3A_79 : memref<120x128xf32, #tpu.memory_space<vmem>>) dst(%dma_wait3A_76 : memref<120x128xf32, #tpu.memory_space<hbm>>)
      tpu.yield
    }) : () -> ()
    %add3A_38 = arith.constant 240 : i32
    %add3A_39 = arith.addi %mul3A_8, %add3A_38 : i32
    "tpu.region"() ({
      %run_scoped3A = tpu.sem_alloc : memref<!tpu.dma_semaphore, #tpu.memory_space<semaphore_mem>>
      %dma_start3A = arith.constant 0 : i32
      %dma_start3A_46 = arith.constant 0 : i32
      %dma_start3A_47 = tpu.memref_slice %arg8[%dma_start3A, %dma_start3A_46] : memref<125x128xf32, #tpu.memory_space<vmem>> -> memref<120x128xf32, #tpu.memory_space<vmem>>
      %dma_start3A_48 = arith.constant 0 : i32
      %dma_start3A_49 = tpu.memref_slice %arg9[%add3A_39, %dma_start3A_48] : memref<10112x128xf32, #tpu.memory_space<vmem_shared>> -> memref<120x128xf32, #tpu.memory_space<vmem_shared>>
      %dma_start3A_50 = arith.constant 0 : i32
      %dma_start3A_51 = arith.constant 0 : i32
      %dma_start3A_52 = tpu.memref_slice %arg8[%dma_start3A_50, %dma_start3A_51] : memref<125x128xf32, #tpu.memory_space<vmem>> -> memref<120x128xf32, #tpu.memory_space<vmem>>
      %dma_start3A_53 = arith.constant 0 : i32
      %dma_start3A_54 = tpu.memref_slice %arg9[%add3A_39, %dma_start3A_53] : memref<10112x128xf32, #tpu.memory_space<vmem_shared>> -> memref<120x128xf32, #tpu.memory_space<vmem_shared>>
      tpu.enqueue_dma source(%dma_start3A_54 : memref<120x128xf32, #tpu.memory_space<vmem_shared>>) target(%dma_start3A_52 : memref<120x128xf32, #tpu.memory_space<vmem>>) target_semaphore(%run_scoped3A : memref<!tpu.dma_semaphore, #tpu.memory_space<semaphore_mem>>)
      %dma_wait3A = arith.constant 0 : i32
      %dma_wait3A_55 = arith.constant 0 : i32
      %dma_wait3A_56 = tpu.memref_slice %arg8[%dma_wait3A, %dma_wait3A_55] : memref<125x128xf32, #tpu.memory_space<vmem>> -> memref<120x128xf32, #tpu.memory_space<vmem>>
      %dma_wait3A_57 = arith.constant 0 : i32
      %dma_wait3A_58 = tpu.memref_slice %arg9[%add3A_39, %dma_wait3A_57] : memref<10112x128xf32, #tpu.memory_space<vmem_shared>> -> memref<120x128xf32, #tpu.memory_space<vmem_shared>>
      %dma_wait3A_59 = arith.constant 0 : i32
      %dma_wait3A_60 = arith.constant 0 : i32
      %dma_wait3A_61 = tpu.memref_slice %arg8[%dma_wait3A_59, %dma_wait3A_60] : memref<125x128xf32, #tpu.memory_space<vmem>> -> memref<120x128xf32, #tpu.memory_space<vmem>>
      %dma_wait3A_62 = arith.constant 0 : i32
      %dma_wait3A_63 = tpu.memref_slice %arg9[%add3A_39, %dma_wait3A_62] : memref<10112x128xf32, #tpu.memory_space<vmem_shared>> -> memref<120x128xf32, #tpu.memory_space<vmem_shared>>
      tpu.wait_dma2 semaphore(%run_scoped3A : memref<!tpu.dma_semaphore, #tpu.memory_space<semaphore_mem>>) src(%dma_wait3A_63 : memref<120x128xf32, #tpu.memory_space<vmem_shared>>) dst(%dma_wait3A_61 : memref<120x128xf32, #tpu.memory_space<vmem>>)
      tpu.yield
    }) : () -> ()
    "tpu.region"() ({
      %run_scoped3A = tpu.sem_alloc : memref<!tpu.dma_semaphore, #tpu.memory_space<semaphore_mem>>
      %dma_start3A = arith.constant 0 : i32
      %dma_start3A_46 = arith.constant 0 : i32
      %dma_start3A_47 = tpu.memref_slice %arg8[%dma_start3A, %dma_start3A_46] : memref<125x128xf32, #tpu.memory_space<vmem>> -> memref<120x128xf32, #tpu.memory_space<vmem>>
      %dma_start3A_48 = arith.constant 0 : i32
      %dma_start3A_49 = arith.constant 0 : i32
      %dma_start3A_50 = tpu.memref_slice %arg5[%arg0, %dma_start3A_48, %dma_start3A_49] : memref<2x10112x128xf32, #tpu.memory_space<hbm>> -> memref<1x10112x128xf32, #tpu.memory_space<hbm>>
      %dma_start3A_51 = tpu.memref_squeeze %dma_start3A_50 : memref<1x10112x128xf32, #tpu.memory_space<hbm>> -> memref<10112x128xf32, #tpu.memory_space<hbm>>
      %dma_start3A_52 = arith.constant 0 : i32
      %dma_start3A_53 = tpu.memref_slice %dma_start3A_51[%add3A_39, %dma_start3A_52] : memref<10112x128xf32, #tpu.memory_space<hbm>> -> memref<120x128xf32, #tpu.memory_space<hbm>>
      %dma_start3A_54 = arith.constant 0 : i32
      %dma_start3A_55 = arith.constant 0 : i32
      %dma_start3A_56 = tpu.memref_slice %arg5[%arg0, %dma_start3A_54, %dma_start3A_55] : memref<2x10112x128xf32, #tpu.memory_space<hbm>> -> memref<1x10112x128xf32, #tpu.memory_space<hbm>>
      %dma_start3A_57 = tpu.memref_squeeze %dma_start3A_56 : memref<1x10112x128xf32, #tpu.memory_space<hbm>> -> memref<10112x128xf32, #tpu.memory_space<hbm>>
      %dma_start3A_58 = arith.constant 0 : i32
      %dma_start3A_59 = tpu.memref_slice %dma_start3A_57[%add3A_39, %dma_start3A_58] : memref<10112x128xf32, #tpu.memory_space<hbm>> -> memref<120x128xf32, #tpu.memory_space<hbm>>
      %dma_start3A_60 = arith.constant 0 : i32
      %dma_start3A_61 = arith.constant 0 : i32
      %dma_start3A_62 = tpu.memref_slice %arg8[%dma_start3A_60, %dma_start3A_61] : memref<125x128xf32, #tpu.memory_space<vmem>> -> memref<120x128xf32, #tpu.memory_space<vmem>>
      tpu.enqueue_dma source(%dma_start3A_62 : memref<120x128xf32, #tpu.memory_space<vmem>>) target(%dma_start3A_59 : memref<120x128xf32, #tpu.memory_space<hbm>>) target_semaphore(%run_scoped3A : memref<!tpu.dma_semaphore, #tpu.memory_space<semaphore_mem>>)
      %dma_wait3A = arith.constant 0 : i32
      %dma_wait3A_63 = arith.constant 0 : i32
      %dma_wait3A_64 = tpu.memref_slice %arg8[%dma_wait3A, %dma_wait3A_63] : memref<125x128xf32, #tpu.memory_space<vmem>> -> memref<120x128xf32, #tpu.memory_space<vmem>>
      %dma_wait3A_65 = arith.constant 0 : i32
      %dma_wait3A_66 = arith.constant 0 : i32
      %dma_wait3A_67 = tpu.memref_slice %arg5[%arg0, %dma_wait3A_65, %dma_wait3A_66] : memref<2x10112x128xf32, #tpu.memory_space<hbm>> -> memref<1x10112x128xf32, #tpu.memory_space<hbm>>
      %dma_wait3A_68 = tpu.memref_squeeze %dma_wait3A_67 : memref<1x10112x128xf32, #tpu.memory_space<hbm>> -> memref<10112x128xf32, #tpu.memory_space<hbm>>
      %dma_wait3A_69 = arith.constant 0 : i32
      %dma_wait3A_70 = tpu.memref_slice %dma_wait3A_68[%add3A_39, %dma_wait3A_69] : memref<10112x128xf32, #tpu.memory_space<hbm>> -> memref<120x128xf32, #tpu.memory_space<hbm>>
      %dma_wait3A_71 = arith.constant 0 : i32
      %dma_wait3A_72 = arith.constant 0 : i32
      %dma_wait3A_73 = tpu.memref_slice %arg5[%arg0, %dma_wait3A_71, %dma_wait3A_72] : memref<2x10112x128xf32, #tpu.memory_space<hbm>> -> memref<1x10112x128xf32, #tpu.memory_space<hbm>>
      %dma_wait3A_74 = tpu.memref_squeeze %dma_wait3A_73 : memref<1x10112x128xf32, #tpu.memory_space<hbm>> -> memref<10112x128xf32, #tpu.memory_space<hbm>>
      %dma_wait3A_75 = arith.constant 0 : i32
      %dma_wait3A_76 = tpu.memref_slice %dma_wait3A_74[%add3A_39, %dma_wait3A_75] : memref<10112x128xf32, #tpu.memory_space<hbm>> -> memref<120x128xf32, #tpu.memory_space<hbm>>
      %dma_wait3A_77 = arith.constant 0 : i32
      %dma_wait3A_78 = arith.constant 0 : i32
      %dma_wait3A_79 = tpu.memref_slice %arg8[%dma_wait3A_77, %dma_wait3A_78] : memref<125x128xf32, #tpu.memory_space<vmem>> -> memref<120x128xf32, #tpu.memory_space<vmem>>
      tpu.wait_dma2 semaphore(%run_scoped3A : memref<!tpu.dma_semaphore, #tpu.memory_space<semaphore_mem>>) src(%dma_wait3A_79 : memref<120x128xf32, #tpu.memory_space<vmem>>) dst(%dma_wait3A_76 : memref<120x128xf32, #tpu.memory_space<hbm>>)
      tpu.yield
    }) : () -> ()
    %add3A_40 = arith.constant 360 : i32
    %add3A_41 = arith.addi %mul3A_8, %add3A_40 : i32
    "tpu.region"() ({
      %run_scoped3A = tpu.sem_alloc : memref<!tpu.dma_semaphore, #tpu.memory_space<semaphore_mem>>
      %dma_start3A = arith.constant 0 : i32
      %dma_start3A_46 = arith.constant 0 : i32
      %dma_start3A_47 = tpu.memref_slice %arg8[%dma_start3A, %dma_start3A_46] : memref<125x128xf32, #tpu.memory_space<vmem>> -> memref<120x128xf32, #tpu.memory_space<vmem>>
      %dma_start3A_48 = arith.constant 0 : i32
      %dma_start3A_49 = tpu.memref_slice %arg9[%add3A_41, %dma_start3A_48] : memref<10112x128xf32, #tpu.memory_space<vmem_shared>> -> memref<120x128xf32, #tpu.memory_space<vmem_shared>>
      %dma_start3A_50 = arith.constant 0 : i32
      %dma_start3A_51 = arith.constant 0 : i32
      %dma_start3A_52 = tpu.memref_slice %arg8[%dma_start3A_50, %dma_start3A_51] : memref<125x128xf32, #tpu.memory_space<vmem>> -> memref<120x128xf32, #tpu.memory_space<vmem>>
      %dma_start3A_53 = arith.constant 0 : i32
      %dma_start3A_54 = tpu.memref_slice %arg9[%add3A_41, %dma_start3A_53] : memref<10112x128xf32, #tpu.memory_space<vmem_shared>> -> memref<120x128xf32, #tpu.memory_space<vmem_shared>>
      tpu.enqueue_dma source(%dma_start3A_54 : memref<120x128xf32, #tpu.memory_space<vmem_shared>>) target(%dma_start3A_52 : memref<120x128xf32, #tpu.memory_space<vmem>>) target_semaphore(%run_scoped3A : memref<!tpu.dma_semaphore, #tpu.memory_space<semaphore_mem>>)
      %dma_wait3A = arith.constant 0 : i32
      %dma_wait3A_55 = arith.constant 0 : i32
      %dma_wait3A_56 = tpu.memref_slice %arg8[%dma_wait3A, %dma_wait3A_55] : memref<125x128xf32, #tpu.memory_space<vmem>> -> memref<120x128xf32, #tpu.memory_space<vmem>>
      %dma_wait3A_57 = arith.constant 0 : i32
      %dma_wait3A_58 = tpu.memref_slice %arg9[%add3A_41, %dma_wait3A_57] : memref<10112x128xf32, #tpu.memory_space<vmem_shared>> -> memref<120x128xf32, #tpu.memory_space<vmem_shared>>
      %dma_wait3A_59 = arith.constant 0 : i32
      %dma_wait3A_60 = arith.constant 0 : i32
      %dma_wait3A_61 = tpu.memref_slice %arg8[%dma_wait3A_59, %dma_wait3A_60] : memref<125x128xf32, #tpu.memory_space<vmem>> -> memref<120x128xf32, #tpu.memory_space<vmem>>
      %dma_wait3A_62 = arith.constant 0 : i32
      %dma_wait3A_63 = tpu.memref_slice %arg9[%add3A_41, %dma_wait3A_62] : memref<10112x128xf32, #tpu.memory_space<vmem_shared>> -> memref<120x128xf32, #tpu.memory_space<vmem_shared>>
      tpu.wait_dma2 semaphore(%run_scoped3A : memref<!tpu.dma_semaphore, #tpu.memory_space<semaphore_mem>>) src(%dma_wait3A_63 : memref<120x128xf32, #tpu.memory_space<vmem_shared>>) dst(%dma_wait3A_61 : memref<120x128xf32, #tpu.memory_space<vmem>>)
      tpu.yield
    }) : () -> ()
    "tpu.region"() ({
      %run_scoped3A = tpu.sem_alloc : memref<!tpu.dma_semaphore, #tpu.memory_space<semaphore_mem>>
      %dma_start3A = arith.constant 0 : i32
      %dma_start3A_46 = arith.constant 0 : i32
      %dma_start3A_47 = tpu.memref_slice %arg8[%dma_start3A, %dma_start3A_46] : memref<125x128xf32, #tpu.memory_space<vmem>> -> memref<120x128xf32, #tpu.memory_space<vmem>>
      %dma_start3A_48 = arith.constant 0 : i32
      %dma_start3A_49 = arith.constant 0 : i32
      %dma_start3A_50 = tpu.memref_slice %arg5[%arg0, %dma_start3A_48, %dma_start3A_49] : memref<2x10112x128xf32, #tpu.memory_space<hbm>> -> memref<1x10112x128xf32, #tpu.memory_space<hbm>>
      %dma_start3A_51 = tpu.memref_squeeze %dma_start3A_50 : memref<1x10112x128xf32, #tpu.memory_space<hbm>> -> memref<10112x128xf32, #tpu.memory_space<hbm>>
      %dma_start3A_52 = arith.constant 0 : i32
      %dma_start3A_53 = tpu.memref_slice %dma_start3A_51[%add3A_41, %dma_start3A_52] : memref<10112x128xf32, #tpu.memory_space<hbm>> -> memref<120x128xf32, #tpu.memory_space<hbm>>
      %dma_start3A_54 = arith.constant 0 : i32
      %dma_start3A_55 = arith.constant 0 : i32
      %dma_start3A_56 = tpu.memref_slice %arg5[%arg0, %dma_start3A_54, %dma_start3A_55] : memref<2x10112x128xf32, #tpu.memory_space<hbm>> -> memref<1x10112x128xf32, #tpu.memory_space<hbm>>
      %dma_start3A_57 = tpu.memref_squeeze %dma_start3A_56 : memref<1x10112x128xf32, #tpu.memory_space<hbm>> -> memref<10112x128xf32, #tpu.memory_space<hbm>>
      %dma_start3A_58 = arith.constant 0 : i32
      %dma_start3A_59 = tpu.memref_slice %dma_start3A_57[%add3A_41, %dma_start3A_58] : memref<10112x128xf32, #tpu.memory_space<hbm>> -> memref<120x128xf32, #tpu.memory_space<hbm>>
      %dma_start3A_60 = arith.constant 0 : i32
      %dma_start3A_61 = arith.constant 0 : i32
      %dma_start3A_62 = tpu.memref_slice %arg8[%dma_start3A_60, %dma_start3A_61] : memref<125x128xf32, #tpu.memory_space<vmem>> -> memref<120x128xf32, #tpu.memory_space<vmem>>
      tpu.enqueue_dma source(%dma_start3A_62 : memref<120x128xf32, #tpu.memory_space<vmem>>) target(%dma_start3A_59 : memref<120x128xf32, #tpu.memory_space<hbm>>) target_semaphore(%run_scoped3A : memref<!tpu.dma_semaphore, #tpu.memory_space<semaphore_mem>>)
      %dma_wait3A = arith.constant 0 : i32
      %dma_wait3A_63 = arith.constant 0 : i32
      %dma_wait3A_64 = tpu.memref_slice %arg8[%dma_wait3A, %dma_wait3A_63] : memref<125x128xf32, #tpu.memory_space<vmem>> -> memref<120x128xf32, #tpu.memory_space<vmem>>
      %dma_wait3A_65 = arith.constant 0 : i32
      %dma_wait3A_66 = arith.constant 0 : i32
      %dma_wait3A_67 = tpu.memref_slice %arg5[%arg0, %dma_wait3A_65, %dma_wait3A_66] : memref<2x10112x128xf32, #tpu.memory_space<hbm>> -> memref<1x10112x128xf32, #tpu.memory_space<hbm>>
      %dma_wait3A_68 = tpu.memref_squeeze %dma_wait3A_67 : memref<1x10112x128xf32, #tpu.memory_space<hbm>> -> memref<10112x128xf32, #tpu.memory_space<hbm>>
      %dma_wait3A_69 = arith.constant 0 : i32
      %dma_wait3A_70 = tpu.memref_slice %dma_wait3A_68[%add3A_41, %dma_wait3A_69] : memref<10112x128xf32, #tpu.memory_space<hbm>> -> memref<120x128xf32, #tpu.memory_space<hbm>>
      %dma_wait3A_71 = arith.constant 0 : i32
      %dma_wait3A_72 = arith.constant 0 : i32
      %dma_wait3A_73 = tpu.memref_slice %arg5[%arg0, %dma_wait3A_71, %dma_wait3A_72] : memref<2x10112x128xf32, #tpu.memory_space<hbm>> -> memref<1x10112x128xf32, #tpu.memory_space<hbm>>
      %dma_wait3A_74 = tpu.memref_squeeze %dma_wait3A_73 : memref<1x10112x128xf32, #tpu.memory_space<hbm>> -> memref<10112x128xf32, #tpu.memory_space<hbm>>
      %dma_wait3A_75 = arith.constant 0 : i32
      %dma_wait3A_76 = tpu.memref_slice %dma_wait3A_74[%add3A_41, %dma_wait3A_75] : memref<10112x128xf32, #tpu.memory_space<hbm>> -> memref<120x128xf32, #tpu.memory_space<hbm>>
      %dma_wait3A_77 = arith.constant 0 : i32
      %dma_wait3A_78 = arith.constant 0 : i32
      %dma_wait3A_79 = tpu.memref_slice %arg8[%dma_wait3A_77, %dma_wait3A_78] : memref<125x128xf32, #tpu.memory_space<vmem>> -> memref<120x128xf32, #tpu.memory_space<vmem>>
      tpu.wait_dma2 semaphore(%run_scoped3A : memref<!tpu.dma_semaphore, #tpu.memory_space<semaphore_mem>>) src(%dma_wait3A_79 : memref<120x128xf32, #tpu.memory_space<vmem>>) dst(%dma_wait3A_76 : memref<120x128xf32, #tpu.memory_space<hbm>>)
      tpu.yield
    }) : () -> ()
    %add3A_42 = arith.constant 480 : i32
    %add3A_43 = arith.addi %mul3A_8, %add3A_42 : i32
    "tpu.region"() ({
      %run_scoped3A = tpu.sem_alloc : memref<!tpu.dma_semaphore, #tpu.memory_space<semaphore_mem>>
      %dma_start3A = arith.constant 0 : i32
      %dma_start3A_46 = arith.constant 0 : i32
      %dma_start3A_47 = tpu.memref_slice %arg8[%dma_start3A, %dma_start3A_46] : memref<125x128xf32, #tpu.memory_space<vmem>> -> memref<120x128xf32, #tpu.memory_space<vmem>>
      %dma_start3A_48 = arith.constant 0 : i32
      %dma_start3A_49 = tpu.memref_slice %arg9[%add3A_43, %dma_start3A_48] : memref<10112x128xf32, #tpu.memory_space<vmem_shared>> -> memref<120x128xf32, #tpu.memory_space<vmem_shared>>
      %dma_start3A_50 = arith.constant 0 : i32
      %dma_start3A_51 = arith.constant 0 : i32
      %dma_start3A_52 = tpu.memref_slice %arg8[%dma_start3A_50, %dma_start3A_51] : memref<125x128xf32, #tpu.memory_space<vmem>> -> memref<120x128xf32, #tpu.memory_space<vmem>>
      %dma_start3A_53 = arith.constant 0 : i32
      %dma_start3A_54 = tpu.memref_slice %arg9[%add3A_43, %dma_start3A_53] : memref<10112x128xf32, #tpu.memory_space<vmem_shared>> -> memref<120x128xf32, #tpu.memory_space<vmem_shared>>
      tpu.enqueue_dma source(%dma_start3A_54 : memref<120x128xf32, #tpu.memory_space<vmem_shared>>) target(%dma_start3A_52 : memref<120x128xf32, #tpu.memory_space<vmem>>) target_semaphore(%run_scoped3A : memref<!tpu.dma_semaphore, #tpu.memory_space<semaphore_mem>>)
      %dma_wait3A = arith.constant 0 : i32
      %dma_wait3A_55 = arith.constant 0 : i32
      %dma_wait3A_56 = tpu.memref_slice %arg8[%dma_wait3A, %dma_wait3A_55] : memref<125x128xf32, #tpu.memory_space<vmem>> -> memref<120x128xf32, #tpu.memory_space<vmem>>
      %dma_wait3A_57 = arith.constant 0 : i32
      %dma_wait3A_58 = tpu.memref_slice %arg9[%add3A_43, %dma_wait3A_57] : memref<10112x128xf32, #tpu.memory_space<vmem_shared>> -> memref<120x128xf32, #tpu.memory_space<vmem_shared>>
      %dma_wait3A_59 = arith.constant 0 : i32
      %dma_wait3A_60 = arith.constant 0 : i32
      %dma_wait3A_61 = tpu.memref_slice %arg8[%dma_wait3A_59, %dma_wait3A_60] : memref<125x128xf32, #tpu.memory_space<vmem>> -> memref<120x128xf32, #tpu.memory_space<vmem>>
      %dma_wait3A_62 = arith.constant 0 : i32
      %dma_wait3A_63 = tpu.memref_slice %arg9[%add3A_43, %dma_wait3A_62] : memref<10112x128xf32, #tpu.memory_space<vmem_shared>> -> memref<120x128xf32, #tpu.memory_space<vmem_shared>>
      tpu.wait_dma2 semaphore(%run_scoped3A : memref<!tpu.dma_semaphore, #tpu.memory_space<semaphore_mem>>) src(%dma_wait3A_63 : memref<120x128xf32, #tpu.memory_space<vmem_shared>>) dst(%dma_wait3A_61 : memref<120x128xf32, #tpu.memory_space<vmem>>)
      tpu.yield
    }) : () -> ()
    "tpu.region"() ({
      %run_scoped3A = tpu.sem_alloc : memref<!tpu.dma_semaphore, #tpu.memory_space<semaphore_mem>>
      %dma_start3A = arith.constant 0 : i32
      %dma_start3A_46 = arith.constant 0 : i32
      %dma_start3A_47 = tpu.memref_slice %arg8[%dma_start3A, %dma_start3A_46] : memref<125x128xf32, #tpu.memory_space<vmem>> -> memref<120x128xf32, #tpu.memory_space<vmem>>
      %dma_start3A_48 = arith.constant 0 : i32
      %dma_start3A_49 = arith.constant 0 : i32
      %dma_start3A_50 = tpu.memref_slice %arg5[%arg0, %dma_start3A_48, %dma_start3A_49] : memref<2x10112x128xf32, #tpu.memory_space<hbm>> -> memref<1x10112x128xf32, #tpu.memory_space<hbm>>
      %dma_start3A_51 = tpu.memref_squeeze %dma_start3A_50 : memref<1x10112x128xf32, #tpu.memory_space<hbm>> -> memref<10112x128xf32, #tpu.memory_space<hbm>>
      %dma_start3A_52 = arith.constant 0 : i32
      %dma_start3A_53 = tpu.memref_slice %dma_start3A_51[%add3A_43, %dma_start3A_52] : memref<10112x128xf32, #tpu.memory_space<hbm>> -> memref<120x128xf32, #tpu.memory_space<hbm>>
      %dma_start3A_54 = arith.constant 0 : i32
      %dma_start3A_55 = arith.constant 0 : i32
      %dma_start3A_56 = tpu.memref_slice %arg5[%arg0, %dma_start3A_54, %dma_start3A_55] : memref<2x10112x128xf32, #tpu.memory_space<hbm>> -> memref<1x10112x128xf32, #tpu.memory_space<hbm>>
      %dma_start3A_57 = tpu.memref_squeeze %dma_start3A_56 : memref<1x10112x128xf32, #tpu.memory_space<hbm>> -> memref<10112x128xf32, #tpu.memory_space<hbm>>
      %dma_start3A_58 = arith.constant 0 : i32
      %dma_start3A_59 = tpu.memref_slice %dma_start3A_57[%add3A_43, %dma_start3A_58] : memref<10112x128xf32, #tpu.memory_space<hbm>> -> memref<120x128xf32, #tpu.memory_space<hbm>>
      %dma_start3A_60 = arith.constant 0 : i32
      %dma_start3A_61 = arith.constant 0 : i32
      %dma_start3A_62 = tpu.memref_slice %arg8[%dma_start3A_60, %dma_start3A_61] : memref<125x128xf32, #tpu.memory_space<vmem>> -> memref<120x128xf32, #tpu.memory_space<vmem>>
      tpu.enqueue_dma source(%dma_start3A_62 : memref<120x128xf32, #tpu.memory_space<vmem>>) target(%dma_start3A_59 : memref<120x128xf32, #tpu.memory_space<hbm>>) target_semaphore(%run_scoped3A : memref<!tpu.dma_semaphore, #tpu.memory_space<semaphore_mem>>)
      %dma_wait3A = arith.constant 0 : i32
      %dma_wait3A_63 = arith.constant 0 : i32
      %dma_wait3A_64 = tpu.memref_slice %arg8[%dma_wait3A, %dma_wait3A_63] : memref<125x128xf32, #tpu.memory_space<vmem>> -> memref<120x128xf32, #tpu.memory_space<vmem>>
      %dma_wait3A_65 = arith.constant 0 : i32
      %dma_wait3A_66 = arith.constant 0 : i32
      %dma_wait3A_67 = tpu.memref_slice %arg5[%arg0, %dma_wait3A_65, %dma_wait3A_66] : memref<2x10112x128xf32, #tpu.memory_space<hbm>> -> memref<1x10112x128xf32, #tpu.memory_space<hbm>>
      %dma_wait3A_68 = tpu.memref_squeeze %dma_wait3A_67 : memref<1x10112x128xf32, #tpu.memory_space<hbm>> -> memref<10112x128xf32, #tpu.memory_space<hbm>>
      %dma_wait3A_69 = arith.constant 0 : i32
      %dma_wait3A_70 = tpu.memref_slice %dma_wait3A_68[%add3A_43, %dma_wait3A_69] : memref<10112x128xf32, #tpu.memory_space<hbm>> -> memref<120x128xf32, #tpu.memory_space<hbm>>
      %dma_wait3A_71 = arith.constant 0 : i32
      %dma_wait3A_72 = arith.constant 0 : i32
      %dma_wait3A_73 = tpu.memref_slice %arg5[%arg0, %dma_wait3A_71, %dma_wait3A_72] : memref<2x10112x128xf32, #tpu.memory_space<hbm>> -> memref<1x10112x128xf32, #tpu.memory_space<hbm>>
      %dma_wait3A_74 = tpu.memref_squeeze %dma_wait3A_73 : memref<1x10112x128xf32, #tpu.memory_space<hbm>> -> memref<10112x128xf32, #tpu.memory_space<hbm>>
      %dma_wait3A_75 = arith.constant 0 : i32
      %dma_wait3A_76 = tpu.memref_slice %dma_wait3A_74[%add3A_43, %dma_wait3A_75] : memref<10112x128xf32, #tpu.memory_space<hbm>> -> memref<120x128xf32, #tpu.memory_space<hbm>>
      %dma_wait3A_77 = arith.constant 0 : i32
      %dma_wait3A_78 = arith.constant 0 : i32
      %dma_wait3A_79 = tpu.memref_slice %arg8[%dma_wait3A_77, %dma_wait3A_78] : memref<125x128xf32, #tpu.memory_space<vmem>> -> memref<120x128xf32, #tpu.memory_space<vmem>>
      tpu.wait_dma2 semaphore(%run_scoped3A : memref<!tpu.dma_semaphore, #tpu.memory_space<semaphore_mem>>) src(%dma_wait3A_79 : memref<120x128xf32, #tpu.memory_space<vmem>>) dst(%dma_wait3A_76 : memref<120x128xf32, #tpu.memory_space<hbm>>)
      tpu.yield
    }) : () -> ()
    %add3A_44 = arith.constant 600 : i32
    %add3A_45 = arith.addi %mul3A_8, %add3A_44 : i32
    "tpu.region"() ({
      %run_scoped3A = tpu.sem_alloc : memref<!tpu.dma_semaphore, #tpu.memory_space<semaphore_mem>>
      %dma_start3A = arith.constant 0 : i32
      %dma_start3A_46 = arith.constant 0 : i32
      %dma_start3A_47 = tpu.memref_slice %arg8[%dma_start3A, %dma_start3A_46] : memref<125x128xf32, #tpu.memory_space<vmem>> -> memref<32x128xf32, #tpu.memory_space<vmem>>
      %dma_start3A_48 = arith.constant 0 : i32
      %dma_start3A_49 = tpu.memref_slice %arg9[%add3A_45, %dma_start3A_48] : memref<10112x128xf32, #tpu.memory_space<vmem_shared>> -> memref<32x128xf32, #tpu.memory_space<vmem_shared>>
      %dma_start3A_50 = arith.constant 0 : i32
      %dma_start3A_51 = arith.constant 0 : i32
      %dma_start3A_52 = tpu.memref_slice %arg8[%dma_start3A_50, %dma_start3A_51] : memref<125x128xf32, #tpu.memory_space<vmem>> -> memref<32x128xf32, #tpu.memory_space<vmem>>
      %dma_start3A_53 = arith.constant 0 : i32
      %dma_start3A_54 = tpu.memref_slice %arg9[%add3A_45, %dma_start3A_53] : memref<10112x128xf32, #tpu.memory_space<vmem_shared>> -> memref<32x128xf32, #tpu.memory_space<vmem_shared>>
      tpu.enqueue_dma source(%dma_start3A_54 : memref<32x128xf32, #tpu.memory_space<vmem_shared>>) target(%dma_start3A_52 : memref<32x128xf32, #tpu.memory_space<vmem>>) target_semaphore(%run_scoped3A : memref<!tpu.dma_semaphore, #tpu.memory_space<semaphore_mem>>)
      %dma_wait3A = arith.constant 0 : i32
      %dma_wait3A_55 = arith.constant 0 : i32
      %dma_wait3A_56 = tpu.memref_slice %arg8[%dma_wait3A, %dma_wait3A_55] : memref<125x128xf32, #tpu.memory_space<vmem>> -> memref<32x128xf32, #tpu.memory_space<vmem>>
      %dma_wait3A_57 = arith.constant 0 : i32
      %dma_wait3A_58 = tpu.memref_slice %arg9[%add3A_45, %dma_wait3A_57] : memref<10112x128xf32, #tpu.memory_space<vmem_shared>> -> memref<32x128xf32, #tpu.memory_space<vmem_shared>>
      %dma_wait3A_59 = arith.constant 0 : i32
      %dma_wait3A_60 = arith.constant 0 : i32
      %dma_wait3A_61 = tpu.memref_slice %arg8[%dma_wait3A_59, %dma_wait3A_60] : memref<125x128xf32, #tpu.memory_space<vmem>> -> memref<32x128xf32, #tpu.memory_space<vmem>>
      %dma_wait3A_62 = arith.constant 0 : i32
      %dma_wait3A_63 = tpu.memref_slice %arg9[%add3A_45, %dma_wait3A_62] : memref<10112x128xf32, #tpu.memory_space<vmem_shared>> -> memref<32x128xf32, #tpu.memory_space<vmem_shared>>
      tpu.wait_dma2 semaphore(%run_scoped3A : memref<!tpu.dma_semaphore, #tpu.memory_space<semaphore_mem>>) src(%dma_wait3A_63 : memref<32x128xf32, #tpu.memory_space<vmem_shared>>) dst(%dma_wait3A_61 : memref<32x128xf32, #tpu.memory_space<vmem>>)
      tpu.yield
    }) : () -> ()
    "tpu.region"() ({
      %run_scoped3A = tpu.sem_alloc : memref<!tpu.dma_semaphore, #tpu.memory_space<semaphore_mem>>
      %dma_start3A = arith.constant 0 : i32
      %dma_start3A_46 = arith.constant 0 : i32
      %dma_start3A_47 = tpu.memref_slice %arg8[%dma_start3A, %dma_start3A_46] : memref<125x128xf32, #tpu.memory_space<vmem>> -> memref<32x128xf32, #tpu.memory_space<vmem>>
      %dma_start3A_48 = arith.constant 0 : i32
      %dma_start3A_49 = arith.constant 0 : i32
      %dma_start3A_50 = tpu.memref_slice %arg5[%arg0, %dma_start3A_48, %dma_start3A_49] : memref<2x10112x128xf32, #tpu.memory_space<hbm>> -> memref<1x10112x128xf32, #tpu.memory_space<hbm>>
      %dma_start3A_51 = tpu.memref_squeeze %dma_start3A_50 : memref<1x10112x128xf32, #tpu.memory_space<hbm>> -> memref<10112x128xf32, #tpu.memory_space<hbm>>
      %dma_start3A_52 = arith.constant 0 : i32
      %dma_start3A_53 = tpu.memref_slice %dma_start3A_51[%add3A_45, %dma_start3A_52] : memref<10112x128xf32, #tpu.memory_space<hbm>> -> memref<32x128xf32, #tpu.memory_space<hbm>>
      %dma_start3A_54 = arith.constant 0 : i32
      %dma_start3A_55 = arith.constant 0 : i32
      %dma_start3A_56 = tpu.memref_slice %arg5[%arg0, %dma_start3A_54, %dma_start3A_55] : memref<2x10112x128xf32, #tpu.memory_space<hbm>> -> memref<1x10112x128xf32, #tpu.memory_space<hbm>>
      %dma_start3A_57 = tpu.memref_squeeze %dma_start3A_56 : memref<1x10112x128xf32, #tpu.memory_space<hbm>> -> memref<10112x128xf32, #tpu.memory_space<hbm>>
      %dma_start3A_58 = arith.constant 0 : i32
      %dma_start3A_59 = tpu.memref_slice %dma_start3A_57[%add3A_45, %dma_start3A_58] : memref<10112x128xf32, #tpu.memory_space<hbm>> -> memref<32x128xf32, #tpu.memory_space<hbm>>
      %dma_start3A_60 = arith.constant 0 : i32
      %dma_start3A_61 = arith.constant 0 : i32
      %dma_start3A_62 = tpu.memref_slice %arg8[%dma_start3A_60, %dma_start3A_61] : memref<125x128xf32, #tpu.memory_space<vmem>> -> memref<32x128xf32, #tpu.memory_space<vmem>>
      tpu.enqueue_dma source(%dma_start3A_62 : memref<32x128xf32, #tpu.memory_space<vmem>>) target(%dma_start3A_59 : memref<32x128xf32, #tpu.memory_space<hbm>>) target_semaphore(%run_scoped3A : memref<!tpu.dma_semaphore, #tpu.memory_space<semaphore_mem>>)
      %dma_wait3A = arith.constant 0 : i32
      %dma_wait3A_63 = arith.constant 0 : i32
      %dma_wait3A_64 = tpu.memref_slice %arg8[%dma_wait3A, %dma_wait3A_63] : memref<125x128xf32, #tpu.memory_space<vmem>> -> memref<32x128xf32, #tpu.memory_space<vmem>>
      %dma_wait3A_65 = arith.constant 0 : i32
      %dma_wait3A_66 = arith.constant 0 : i32
      %dma_wait3A_67 = tpu.memref_slice %arg5[%arg0, %dma_wait3A_65, %dma_wait3A_66] : memref<2x10112x128xf32, #tpu.memory_space<hbm>> -> memref<1x10112x128xf32, #tpu.memory_space<hbm>>
      %dma_wait3A_68 = tpu.memref_squeeze %dma_wait3A_67 : memref<1x10112x128xf32, #tpu.memory_space<hbm>> -> memref<10112x128xf32, #tpu.memory_space<hbm>>
      %dma_wait3A_69 = arith.constant 0 : i32
      %dma_wait3A_70 = tpu.memref_slice %dma_wait3A_68[%add3A_45, %dma_wait3A_69] : memref<10112x128xf32, #tpu.memory_space<hbm>> -> memref<32x128xf32, #tpu.memory_space<hbm>>
      %dma_wait3A_71 = arith.constant 0 : i32
      %dma_wait3A_72 = arith.constant 0 : i32
      %dma_wait3A_73 = tpu.memref_slice %arg5[%arg0, %dma_wait3A_71, %dma_wait3A_72] : memref<2x10112x128xf32, #tpu.memory_space<hbm>> -> memref<1x10112x128xf32, #tpu.memory_space<hbm>>
      %dma_wait3A_74 = tpu.memref_squeeze %dma_wait3A_73 : memref<1x10112x128xf32, #tpu.memory_space<hbm>> -> memref<10112x128xf32, #tpu.memory_space<hbm>>
      %dma_wait3A_75 = arith.constant 0 : i32
      %dma_wait3A_76 = tpu.memref_slice %dma_wait3A_74[%add3A_45, %dma_wait3A_75] : memref<10112x128xf32, #tpu.memory_space<hbm>> -> memref<32x128xf32, #tpu.memory_space<hbm>>
      %dma_wait3A_77 = arith.constant 0 : i32
      %dma_wait3A_78 = arith.constant 0 : i32
      %dma_wait3A_79 = tpu.memref_slice %arg8[%dma_wait3A_77, %dma_wait3A_78] : memref<125x128xf32, #tpu.memory_space<vmem>> -> memref<32x128xf32, #tpu.memory_space<vmem>>
      tpu.wait_dma2 semaphore(%run_scoped3A : memref<!tpu.dma_semaphore, #tpu.memory_space<semaphore_mem>>) src(%dma_wait3A_79 : memref<32x128xf32, #tpu.memory_space<vmem>>) dst(%dma_wait3A_76 : memref<32x128xf32, #tpu.memory_space<hbm>>)
      tpu.yield
    }) : () -> ()
    return
  }
}

module attributes {stable_mosaic.version = 14 : i64} {
  func.func @_lin_sp_body(%arg0: i32, %arg1: memref<1000x128xf32, #tpu.memory_space<vmem>>, %arg2: memref<128x128xf32, #tpu.memory_space<vmem>>, %arg3: memref<1x128xf32, #tpu.memory_space<vmem>>, %arg4: memref<1000x128xf32, #tpu.memory_space<vmem>>) attributes {dimension_semantics = [#tpu.dimension_semantics<arbitrary>], iteration_bounds = array<i64: 10>, scalar_prefetch = 0 : i64, scratch_operands = 0 : i64, tpu.core_type = #tpu.core_type<tc>, window_params = [{transform_indices = @transform_0, window_bounds = array<i64: 1000, 128>}, {pipeline_mode = #tpu.pipeline_mode<synchronous>, transform_indices = @transform_1, window_bounds = array<i64: 128, 128>}, {pipeline_mode = #tpu.pipeline_mode<synchronous>, transform_indices = @transform_2, window_bounds = array<i64: 1, 128>}, {transform_indices = @transform_3, window_bounds = array<i64: 1000, 128>}]} {
    %get3A = arith.constant 0 : index
    %get3A_0 = arith.constant 0 : index
    %get3A_1 = vector.load %arg1[%get3A, %get3A_0] : memref<1000x128xf32, #tpu.memory_space<vmem>>, vector<1000x128xf32>
    %get3A_2 = arith.constant 0 : index
    %get3A_3 = arith.constant 0 : index
    %get3A_4 = vector.load %arg2[%get3A_2, %get3A_3] : memref<128x128xf32, #tpu.memory_space<vmem>>, vector<128x128xf32>
    %dot_general3A = arith.constant dense<0.000000e+00> : vector<1000x128xf32>
    %dot_general3A_5 = tpu.matmul %get3A_1, %get3A_4, %dot_general3A {dimension_numbers = #tpu.dot_dimension_numbers<[1], [0], [0], [1], [0, 0, 1, 1], [], []>, transpose_lhs_hint = false} : vector<1000x128xf32>, vector<128x128xf32>, vector<1000x128xf32> -> vector<1000x128xf32>
    %get3A_6 = arith.constant 0 : index
    %get3A_7 = arith.constant 0 : index
    %get3A_8 = vector.load %arg3[%get3A_6, %get3A_7] : memref<1x128xf32, #tpu.memory_space<vmem>>, vector<1x128xf32>
    %add3A = vector.broadcast %get3A_8 : vector<1x128xf32> to vector<1000x128xf32>
    %add3A_9 = arith.addf %dot_general3A_5, %add3A : vector<1000x128xf32>
    %sign3A = tpu.bitcast %add3A_9 : vector<1000x128xf32> -> vector<1000x128xi32>
    %sign3A_10 = arith.constant -2147483648 : i32
    %sign3A_11 = vector.broadcast %sign3A_10 : i32 to vector<1000x128xi32>
    %sign3A_12 = arith.andi %sign3A, %sign3A_11 : vector<1000x128xi32>
    %sign3A_13 = arith.constant 1065353216 : i32
    %sign3A_14 = vector.broadcast %sign3A_13 : i32 to vector<1000x128xi32>
    %sign3A_15 = arith.ori %sign3A_14, %sign3A_12 : vector<1000x128xi32>
    %sign3A_16 = tpu.bitcast %sign3A_15 : vector<1000x128xi32> -> vector<1000x128xf32>
    %sign3A_17 = math.absf %add3A_9 : vector<1000x128xf32>
    %sign3A_18 = arith.constant 0.000000e+00 : f32
    %sign3A_19 = vector.broadcast %sign3A_18 : f32 to vector<1000x128xf32>
    %sign3A_20 = arith.cmpf ogt, %sign3A_17, %sign3A_19 : vector<1000x128xf32>
    %sign3A_21 = arith.select %sign3A_20, %sign3A_16, %add3A_9 : vector<1000x128xi1>, vector<1000x128xf32>
    %mul3A = arith.constant 9.99999997E-7 : f32
    %mul3A_22 = vector.broadcast %mul3A : f32 to vector<1000x128xf32>
    %mul3A_23 = arith.mulf %mul3A_22, %sign3A_21 : vector<1000x128xf32>
    %add3A_24 = arith.addf %add3A_9, %mul3A_23 : vector<1000x128xf32>
    %swap3A = arith.constant 0 : index
    %swap3A_25 = arith.constant 0 : index
    %swap3A_26 = vector.load %arg4[%swap3A, %swap3A_25] : memref<1000x128xf32, #tpu.memory_space<vmem>>, vector<1000x128xf32>
    tpu.vector_store %arg4[%swap3A, %swap3A_25], %add3A_24 {strides = array<i32>} : memref<1000x128xf32, #tpu.memory_space<vmem>>, vector<1000x128xf32>,
    return
  }
  func.func @transform_0(%arg0: i32) -> (i32, i32) {
    %c0_i32 = arith.constant 0 : i32
    %c0_i32_0 = arith.constant 0 : i32
    return %arg0, %c0_i32 : i32, i32
  }
  func.func @transform_1(%arg0: i32) -> (i32, i32) {
    %c0_i32 = arith.constant 0 : i32
    %c0_i32_0 = arith.constant 0 : i32
    %c0_i32_1 = arith.constant 0 : i32
    return %c0_i32, %c0_i32_0 : i32, i32
  }
  func.func @transform_2(%arg0: i32) -> (i32, i32) {
    %c0_i32 = arith.constant 0 : i32
    %c0_i32_0 = arith.constant 0 : i32
    %c0_i32_1 = arith.constant 0 : i32
    return %c0_i32, %c0_i32_0 : i32, i32
  }
  func.func @transform_3(%arg0: i32) -> (i32, i32) {
    %c0_i32 = arith.constant 0 : i32
    %c0_i32_0 = arith.constant 0 : i32
    return %arg0, %c0_i32 : i32, i32
  }
}

module attributes {stable_mosaic.version = 14 : i64} {
  func.func @_mid_body(%arg0: i32, %arg1: memref<2x632x128xf32, #tpu.memory_space<vmem>>, %arg2: memref<632x32xf32, #tpu.memory_space<vmem>>, %arg3: memref<128x128xf32, #tpu.memory_space<vmem>>, %arg4: memref<1x128xf32, #tpu.memory_space<vmem>>, %arg5: memref<632x128xf32, #tpu.memory_space<vmem>>) attributes {dimension_semantics = [#tpu.dimension_semantics<arbitrary>], iteration_bounds = array<i64: 16>, scalar_prefetch = 0 : i64, scratch_operands = 0 : i64, tpu.core_type = #tpu.core_type<tc>, window_params = [{transform_indices = @transform_0, window_bounds = array<i64: 2, 632, 128>}, {transform_indices = @transform_1, window_bounds = array<i64: 632, 32>}, {pipeline_mode = #tpu.pipeline_mode<synchronous>, transform_indices = @transform_2, window_bounds = array<i64: 128, 128>}, {pipeline_mode = #tpu.pipeline_mode<synchronous>, transform_indices = @transform_3, window_bounds = array<i64: 1, 128>}, {transform_indices = @transform_4, window_bounds = array<i64: 632, 128>}]} {
    %get3A = arith.constant 0 : index
    %get3A_0 = arith.constant 0 : index
    %get3A_1 = arith.constant 0 : index
    %get3A_2 = vector.load %arg1[%get3A, %get3A_0, %get3A_1] : memref<2x632x128xf32, #tpu.memory_space<vmem>>, vector<1x632x128xf32>
    %get3A_3 = vector.shape_cast %get3A_2 : vector<1x632x128xf32> to vector<632x128xf32>
    %get3A_4 = arith.constant 1 : index
    %get3A_5 = arith.constant 0 : index
    %get3A_6 = arith.constant 0 : index
    %get3A_7 = vector.load %arg1[%get3A_4, %get3A_5, %get3A_6] : memref<2x632x128xf32, #tpu.memory_space<vmem>>, vector<1x632x128xf32>
    %get3A_8 = vector.shape_cast %get3A_7 : vector<1x632x128xf32> to vector<632x128xf32>
    %add3A = arith.addf %get3A_3, %get3A_8 : vector<632x128xf32>
    %get3A_9 = arith.constant 0 : index
    %get3A_10 = arith.constant 0 : index
    %get3A_11 = vector.load %arg2[%get3A_9, %get3A_10] : memref<632x32xf32, #tpu.memory_space<vmem>>, vector<632x32xf32>
    %reduce_sum3A = arith.constant dense<0.000000e+00> : vector<632xf32>
    %reduce_sum3A_12 = vector.multi_reduction <add>, %get3A_11, %reduce_sum3A [1] : vector<632x32xf32> to vector<632xf32>
    %broadcast_in_dim3A = vector.shape_cast %reduce_sum3A_12 : vector<632xf32> to vector<632x1xf32>
    %max3A = arith.constant 1.000000e+00 : f32
    %max3A_13 = vector.broadcast %max3A : f32 to vector<632x1xf32>
    %max3A_14 = arith.maximumf %broadcast_in_dim3A, %max3A_13 : vector<632x1xf32>
    %div3A = vector.broadcast %max3A_14 : vector<632x1xf32> to vector<632x128xf32>
    %div3A_15 = arith.divf %add3A, %div3A : vector<632x128xf32>
    %sign3A = tpu.bitcast %div3A_15 : vector<632x128xf32> -> vector<632x128xi32>
    %sign3A_16 = arith.constant -2147483648 : i32
    %sign3A_17 = vector.broadcast %sign3A_16 : i32 to vector<632x128xi32>
    %sign3A_18 = arith.andi %sign3A, %sign3A_17 : vector<632x128xi32>
    %sign3A_19 = arith.constant 1065353216 : i32
    %sign3A_20 = vector.broadcast %sign3A_19 : i32 to vector<632x128xi32>
    %sign3A_21 = arith.ori %sign3A_20, %sign3A_18 : vector<632x128xi32>
    %sign3A_22 = tpu.bitcast %sign3A_21 : vector<632x128xi32> -> vector<632x128xf32>
    %sign3A_23 = math.absf %div3A_15 : vector<632x128xf32>
    %sign3A_24 = arith.constant 0.000000e+00 : f32
    %sign3A_25 = vector.broadcast %sign3A_24 : f32 to vector<632x128xf32>
    %sign3A_26 = arith.cmpf ogt, %sign3A_23, %sign3A_25 : vector<632x128xf32>
    %sign3A_27 = arith.select %sign3A_26, %sign3A_22, %div3A_15 : vector<632x128xi1>, vector<632x128xf32>
    %mul3A = arith.constant 9.99999997E-7 : f32
    %mul3A_28 = vector.broadcast %mul3A : f32 to vector<632x128xf32>
    %mul3A_29 = arith.mulf %mul3A_28, %sign3A_27 : vector<632x128xf32>
    %add3A_30 = arith.addf %div3A_15, %mul3A_29 : vector<632x128xf32>
    %max3A_31 = arith.constant 0.000000e+00 : f32
    %max3A_32 = vector.broadcast %max3A_31 : f32 to vector<632x128xf32>
    %max3A_33 = arith.maximumf %add3A_30, %max3A_32 : vector<632x128xf32>
    %get3A_34 = arith.constant 0 : index
    %get3A_35 = arith.constant 0 : index
    %get3A_36 = vector.load %arg3[%get3A_34, %get3A_35] : memref<128x128xf32, #tpu.memory_space<vmem>>, vector<128x128xf32>
    %dot_general3A = arith.constant dense<0.000000e+00> : vector<632x128xf32>
    %dot_general3A_37 = tpu.matmul %max3A_33, %get3A_36, %dot_general3A {dimension_numbers = #tpu.dot_dimension_numbers<[1], [0], [0], [1], [0, 0, 1, 1], [], []>, transpose_lhs_hint = false} : vector<632x128xf32>, vector<128x128xf32>, vector<632x128xf32> -> vector<632x128xf32>
    %get3A_38 = arith.constant 0 : index
    %get3A_39 = arith.constant 0 : index
    %get3A_40 = vector.load %arg4[%get3A_38, %get3A_39] : memref<1x128xf32, #tpu.memory_space<vmem>>, vector<1x128xf32>
    %add3A_41 = vector.broadcast %get3A_40 : vector<1x128xf32> to vector<632x128xf32>
    %add3A_42 = arith.addf %dot_general3A_37, %add3A_41 : vector<632x128xf32>
    %sign3A_43 = tpu.bitcast %add3A_42 : vector<632x128xf32> -> vector<632x128xi32>
    %sign3A_44 = arith.constant -2147483648 : i32
    %sign3A_45 = vector.broadcast %sign3A_44 : i32 to vector<632x128xi32>
    %sign3A_46 = arith.andi %sign3A_43, %sign3A_45 : vector<632x128xi32>
    %sign3A_47 = arith.constant 1065353216 : i32
    %sign3A_48 = vector.broadcast %sign3A_47 : i32 to vector<632x128xi32>
    %sign3A_49 = arith.ori %sign3A_48, %sign3A_46 : vector<632x128xi32>
    %sign3A_50 = tpu.bitcast %sign3A_49 : vector<632x128xi32> -> vector<632x128xf32>
    %sign3A_51 = math.absf %add3A_42 : vector<632x128xf32>
    %sign3A_52 = arith.constant 0.000000e+00 : f32
    %sign3A_53 = vector.broadcast %sign3A_52 : f32 to vector<632x128xf32>
    %sign3A_54 = arith.cmpf ogt, %sign3A_51, %sign3A_53 : vector<632x128xf32>
    %sign3A_55 = arith.select %sign3A_54, %sign3A_50, %add3A_42 : vector<632x128xi1>, vector<632x128xf32>
    %mul3A_56 = arith.constant 9.99999997E-7 : f32
    %mul3A_57 = vector.broadcast %mul3A_56 : f32 to vector<632x128xf32>
    %mul3A_58 = arith.mulf %mul3A_57, %sign3A_55 : vector<632x128xf32>
    %add3A_59 = arith.addf %add3A_42, %mul3A_58 : vector<632x128xf32>
    %swap3A = arith.constant 0 : index
    %swap3A_60 = arith.constant 0 : index
    %swap3A_61 = vector.load %arg5[%swap3A, %swap3A_60] : memref<632x128xf32, #tpu.memory_space<vmem>>, vector<632x128xf32>
    tpu.vector_store %arg5[%swap3A, %swap3A_60], %add3A_59 {strides = array<i32>} : memref<632x128xf32, #tpu.memory_space<vmem>>, vector<632x128xf32>,
    return
  }
  func.func @transform_0(%arg0: i32) -> (i32, i32, i32) {
    %c0_i32 = arith.constant 0 : i32
    %c0_i32_0 = arith.constant 0 : i32
    %c0_i32_1 = arith.constant 0 : i32
    return %c0_i32, %arg0, %c0_i32_0 : i32, i32, i32
  }
  func.func @transform_1(%arg0: i32) -> (i32, i32) {
    %c0_i32 = arith.constant 0 : i32
    %c0_i32_0 = arith.constant 0 : i32
    return %arg0, %c0_i32 : i32, i32
  }
  func.func @transform_2(%arg0: i32) -> (i32, i32) {
    %c0_i32 = arith.constant 0 : i32
    %c0_i32_0 = arith.constant 0 : i32
    %c0_i32_1 = arith.constant 0 : i32
    return %c0_i32, %c0_i32_0 : i32, i32
  }
  func.func @transform_3(%arg0: i32) -> (i32, i32) {
    %c0_i32 = arith.constant 0 : i32
    %c0_i32_0 = arith.constant 0 : i32
    %c0_i32_1 = arith.constant 0 : i32
    return %c0_i32, %c0_i32_0 : i32, i32
  }
  func.func @transform_4(%arg0: i32) -> (i32, i32) {
    %c0_i32 = arith.constant 0 : i32
    %c0_i32_0 = arith.constant 0 : i32
    return %arg0, %c0_i32 : i32, i32
  }
}

module attributes {stable_mosaic.version = 14 : i64} {
  func.func @_final_body(%arg0: i32, %arg1: memref<2x632x128xf32, #tpu.memory_space<vmem>>, %arg2: memref<632x32xf32, #tpu.memory_space<vmem>>, %arg3: memref<1x1x632xi32, #tpu.memory_space<vmem>>, %arg4: memref<128x128xf32, #tpu.memory_space<vmem>>, %arg5: memref<1x128xf32, #tpu.memory_space<vmem>>, %arg6: memref<64x128xf32, #tpu.memory_space<vmem>>, %arg7: memref<64x128xf32, #tpu.memory_space<vmem>>, %arg8: memref<64x128xf32, #tpu.memory_space<vmem>>) attributes {dimension_semantics = [#tpu.dimension_semantics<arbitrary>], iteration_bounds = array<i64: 16>, scalar_prefetch = 0 : i64, scratch_operands = 2 : i64, tpu.core_type = #tpu.core_type<tc>, window_params = [{transform_indices = @transform_0, window_bounds = array<i64: 2, 632, 128>}, {transform_indices = @transform_1, window_bounds = array<i64: 632, 32>}, {transform_indices = @transform_2, window_bounds = array<i64: 1, 1, 632>}, {pipeline_mode = #tpu.pipeline_mode<synchronous>, transform_indices = @transform_3, window_bounds = array<i64: 128, 128>}, {pipeline_mode = #tpu.pipeline_mode<synchronous>, transform_indices = @transform_4, window_bounds = array<i64: 1, 128>}, {pipeline_mode = #tpu.pipeline_mode<synchronous>, transform_indices = @transform_5, window_bounds = array<i64: 64, 128>}]} {
    %eq3A = arith.constant 0 : i32
    %eq3A_0 = arith.cmpi eq, %arg0, %eq3A : i32
    %convert_element_type3A = arith.extui %eq3A_0 : i1 to i32
    %cond3A = arith.constant 0 : i32
    %cond3A_1 = arith.cmpi ne, %convert_element_type3A, %cond3A : i32
    scf.if %cond3A_1 {
      %broadcast_in_dim3A_67 = arith.constant 0.000000e+00 : f32
      %broadcast_in_dim3A_68 = vector.broadcast %broadcast_in_dim3A_67 : f32 to vector<64x128xf32>
      %swap3A_69 = arith.constant 0 : index
      %swap3A_70 = arith.constant 0 : index
      %swap3A_71 = vector.load %arg7[%swap3A_69, %swap3A_70] : memref<64x128xf32, #tpu.memory_space<vmem>>, vector<64x128xf32>
      tpu.vector_store %arg7[%swap3A_69, %swap3A_70], %broadcast_in_dim3A_68 {strides = array<i32>} : memref<64x128xf32, #tpu.memory_space<vmem>>, vector<64x128xf32>,
      %broadcast_in_dim3A_72 = arith.constant 0.000000e+00 : f32
      %broadcast_in_dim3A_73 = vector.broadcast %broadcast_in_dim3A_72 : f32 to vector<64x128xf32>
      %swap3A_74 = arith.constant 0 : index
      %swap3A_75 = arith.constant 0 : index
      %swap3A_76 = vector.load %arg8[%swap3A_74, %swap3A_75] : memref<64x128xf32, #tpu.memory_space<vmem>>, vector<64x128xf32>
      tpu.vector_store %arg8[%swap3A_74, %swap3A_75], %broadcast_in_dim3A_73 {strides = array<i32>} : memref<64x128xf32, #tpu.memory_space<vmem>>, vector<64x128xf32>,
    } else {
    }
    %get3A = arith.constant 0 : index
    %get3A_2 = arith.constant 0 : index
    %get3A_3 = arith.constant 0 : index
    %get3A_4 = vector.load %arg1[%get3A, %get3A_2, %get3A_3] : memref<2x632x128xf32, #tpu.memory_space<vmem>>, vector<1x632x128xf32>
    %get3A_5 = vector.shape_cast %get3A_4 : vector<1x632x128xf32> to vector<632x128xf32>
    %get3A_6 = arith.constant 1 : index
    %get3A_7 = arith.constant 0 : index
    %get3A_8 = arith.constant 0 : index
    %get3A_9 = vector.load %arg1[%get3A_6, %get3A_7, %get3A_8] : memref<2x632x128xf32, #tpu.memory_space<vmem>>, vector<1x632x128xf32>
    %get3A_10 = vector.shape_cast %get3A_9 : vector<1x632x128xf32> to vector<632x128xf32>
    %add3A = arith.addf %get3A_5, %get3A_10 : vector<632x128xf32>
    %get3A_11 = arith.constant 0 : index
    %get3A_12 = arith.constant 0 : index
    %get3A_13 = vector.load %arg2[%get3A_11, %get3A_12] : memref<632x32xf32, #tpu.memory_space<vmem>>, vector<632x32xf32>
    %reduce_sum3A = arith.constant dense<0.000000e+00> : vector<632xf32>
    %reduce_sum3A_14 = vector.multi_reduction <add>, %get3A_13, %reduce_sum3A [1] : vector<632x32xf32> to vector<632xf32>
    %broadcast_in_dim3A = vector.shape_cast %reduce_sum3A_14 : vector<632xf32> to vector<632x1xf32>
    %max3A = arith.constant 1.000000e+00 : f32
    %max3A_15 = vector.broadcast %max3A : f32 to vector<632x1xf32>
    %max3A_16 = arith.maximumf %broadcast_in_dim3A, %max3A_15 : vector<632x1xf32>
    %div3A = vector.broadcast %max3A_16 : vector<632x1xf32> to vector<632x128xf32>
    %div3A_17 = arith.divf %add3A, %div3A : vector<632x128xf32>
    %sign3A = tpu.bitcast %div3A_17 : vector<632x128xf32> -> vector<632x128xi32>
    %sign3A_18 = arith.constant -2147483648 : i32
    %sign3A_19 = vector.broadcast %sign3A_18 : i32 to vector<632x128xi32>
    %sign3A_20 = arith.andi %sign3A, %sign3A_19 : vector<632x128xi32>
    %sign3A_21 = arith.constant 1065353216 : i32
    %sign3A_22 = vector.broadcast %sign3A_21 : i32 to vector<632x128xi32>
    %sign3A_23 = arith.ori %sign3A_22, %sign3A_20 : vector<632x128xi32>
    %sign3A_24 = tpu.bitcast %sign3A_23 : vector<632x128xi32> -> vector<632x128xf32>
    %sign3A_25 = math.absf %div3A_17 : vector<632x128xf32>
    %sign3A_26 = arith.constant 0.000000e+00 : f32
    %sign3A_27 = vector.broadcast %sign3A_26 : f32 to vector<632x128xf32>
    %sign3A_28 = arith.cmpf ogt, %sign3A_25, %sign3A_27 : vector<632x128xf32>
    %sign3A_29 = arith.select %sign3A_28, %sign3A_24, %div3A_17 : vector<632x128xi1>, vector<632x128xf32>
    %mul3A = arith.constant 9.99999997E-7 : f32
    %mul3A_30 = vector.broadcast %mul3A : f32 to vector<632x128xf32>
    %mul3A_31 = arith.mulf %mul3A_30, %sign3A_29 : vector<632x128xf32>
    %add3A_32 = arith.addf %div3A_17, %mul3A_31 : vector<632x128xf32>
    %get3A_33 = arith.constant 0 : index
    %get3A_34 = arith.constant 0 : index
    %get3A_35 = arith.constant 0 : index
    %get3A_36 = vector.load %arg3[%get3A_33, %get3A_34, %get3A_35] : memref<1x1x632xi32, #tpu.memory_space<vmem>>, vector<1x1x632xi32>
    %get3A_37 = vector.shape_cast %get3A_36 : vector<1x1x632xi32> to vector<1x632xi32>
    %broadcast_in_dim3A_38 = vector.shape_cast %get3A_37 : vector<1x632xi32> to vector<1x632xi32>
    %broadcast_in_dim3A_39 = vector.broadcast %broadcast_in_dim3A_38 : vector<1x632xi32> to vector<64x632xi32>
    %iota3A = tpu.iota {dimensions = array<i32: 0>} : vector<64x632xi32>
    %eq3A_40 = arith.cmpi eq, %iota3A, %broadcast_in_dim3A_39 : vector<64x632xi32>
    %convert_element_type3A_41 = arith.extui %eq3A_40 : vector<64x632xi1> to vector<64x632xi32>
    %convert_element_type3A_42 = arith.sitofp %convert_element_type3A_41 : vector<64x632xi32> to vector<64x632xf32>
    %get3A_43 = arith.constant 0 : index
    %get3A_44 = arith.constant 0 : index
    %get3A_45 = vector.load %arg7[%get3A_43, %get3A_44] : memref<64x128xf32, #tpu.memory_space<vmem>>, vector<64x128xf32>
    %dot_general3A = arith.constant dense<0.000000e+00> : vector<64x128xf32>
    %dot_general3A_46 = tpu.matmul %convert_element_type3A_42, %add3A_32, %dot_general3A {dimension_numbers = #tpu.dot_dimension_numbers<[1], [0], [0], [1], [0, 0, 1, 1], [], []>, transpose_lhs_hint = false} : vector<64x632xf32>, vector<632x128xf32>, vector<64x128xf32> -> vector<64x128xf32>
    %add3A_47 = arith.addf %get3A_45, %dot_general3A_46 : vector<64x128xf32>
    %swap3A = arith.constant 0 : index
    %swap3A_48 = arith.constant 0 : index
    %swap3A_49 = vector.load %arg7[%swap3A, %swap3A_48] : memref<64x128xf32, #tpu.memory_space<vmem>>, vector<64x128xf32>
    tpu.vector_store %arg7[%swap3A, %swap3A_48], %add3A_47 {strides = array<i32>} : memref<64x128xf32, #tpu.memory_space<vmem>>, vector<64x128xf32>,
    %get3A_50 = arith.constant 0 : index
    %get3A_51 = arith.constant 0 : index
    %get3A_52 = vector.load %arg8[%get3A_50, %get3A_51] : memref<64x128xf32, #tpu.memory_space<vmem>>, vector<64x128xf32>
    %reduce_sum3A_53 = arith.constant dense<0.000000e+00> : vector<64xf32>
    %reduce_sum3A_54 = vector.multi_reduction <add>, %convert_element_type3A_42, %reduce_sum3A_53 [1] : vector<64x632xf32> to vector<64xf32>
    %broadcast_in_dim3A_55 = vector.shape_cast %reduce_sum3A_54 : vector<64xf32> to vector<64x1xf32>
    %broadcast_in_dim3A_56 = vector.shape_cast %broadcast_in_dim3A_55 : vector<64x1xf32> to vector<64x1xf32>
    %broadcast_in_dim3A_57 = vector.broadcast %broadcast_in_dim3A_56 : vector<64x1xf32> to vector<64x128xf32>
    %add3A_58 = arith.addf %get3A_52, %broadcast_in_dim3A_57 : vector<64x128xf32>
    %swap3A_59 = arith.constant 0 : index
    %swap3A_60 = arith.constant 0 : index
    %swap3A_61 = vector.load %arg8[%swap3A_59, %swap3A_60] : memref<64x128xf32, #tpu.memory_space<vmem>>, vector<64x128xf32>
    tpu.vector_store %arg8[%swap3A_59, %swap3A_60], %add3A_58 {strides = array<i32>} : memref<64x128xf32, #tpu.memory_space<vmem>>, vector<64x128xf32>,
    %eq3A_62 = arith.constant 15 : i32
    %eq3A_63 = arith.cmpi eq, %arg0, %eq3A_62 : i32
    %convert_element_type3A_64 = arith.extui %eq3A_63 : i1 to i32
    %cond3A_65 = arith.constant 0 : i32
    %cond3A_66 = arith.cmpi ne, %convert_element_type3A_64, %cond3A_65 : i32
    scf.if %cond3A_66 {
      %get3A_67 = arith.constant 0 : index
      %get3A_68 = arith.constant 0 : index
      %get3A_69 = vector.load %arg7[%get3A_67, %get3A_68] : memref<64x128xf32, #tpu.memory_space<vmem>>, vector<64x128xf32>
      %get3A_70 = arith.constant 0 : index
      %get3A_71 = arith.constant 0 : index
      %get3A_72 = vector.load %arg8[%get3A_70, %get3A_71] : memref<64x128xf32, #tpu.memory_space<vmem>>, vector<64x128xf32>
      %max3A_73 = arith.constant 1.000000e+00 : f32
      %max3A_74 = vector.broadcast %max3A_73 : f32 to vector<64x128xf32>
      %max3A_75 = arith.maximumf %get3A_72, %max3A_74 : vector<64x128xf32>
      %div3A_76 = arith.divf %get3A_69, %max3A_75 : vector<64x128xf32>
      %get3A_77 = arith.constant 0 : index
      %get3A_78 = arith.constant 0 : index
      %get3A_79 = vector.load %arg4[%get3A_77, %get3A_78] : memref<128x128xf32, #tpu.memory_space<vmem>>, vector<128x128xf32>
      %dot_general3A_80 = arith.constant dense<0.000000e+00> : vector<64x128xf32>
      %dot_general3A_81 = tpu.matmul %div3A_76, %get3A_79, %dot_general3A_80 {dimension_numbers = #tpu.dot_dimension_numbers<[1], [0], [0], [1], [0, 0, 1, 1], [], []>, transpose_lhs_hint = false} : vector<64x128xf32>, vector<128x128xf32>, vector<64x128xf32> -> vector<64x128xf32>
      %get3A_82 = arith.constant 0 : index
      %get3A_83 = arith.constant 0 : index
      %get3A_84 = vector.load %arg5[%get3A_82, %get3A_83] : memref<1x128xf32, #tpu.memory_space<vmem>>, vector<1x128xf32>
      %add3A_85 = vector.broadcast %get3A_84 : vector<1x128xf32> to vector<64x128xf32>
      %add3A_86 = arith.addf %dot_general3A_81, %add3A_85 : vector<64x128xf32>
      %swap3A_87 = arith.constant 0 : index
      %swap3A_88 = arith.constant 0 : index
      %swap3A_89 = vector.load %arg6[%swap3A_87, %swap3A_88] : memref<64x128xf32, #tpu.memory_space<vmem>>, vector<64x128xf32>
      tpu.vector_store %arg6[%swap3A_87, %swap3A_88], %add3A_86 {strides = array<i32>} : memref<64x128xf32, #tpu.memory_space<vmem>>, vector<64x128xf32>,
    } else {
    }
    return
  }
  func.func @transform_0(%arg0: i32) -> (i32, i32, i32) {
    %c0_i32 = arith.constant 0 : i32
    %c0_i32_0 = arith.constant 0 : i32
    %c0_i32_1 = arith.constant 0 : i32
    return %c0_i32, %arg0, %c0_i32_0 : i32, i32, i32
  }
  func.func @transform_1(%arg0: i32) -> (i32, i32) {
    %c0_i32 = arith.constant 0 : i32
    %c0_i32_0 = arith.constant 0 : i32
    return %arg0, %c0_i32 : i32, i32
  }
  func.func @transform_2(%arg0: i32) -> (i32, i32, i32) {
    %c0_i32 = arith.constant 0 : i32
    %c0_i32_0 = arith.constant 0 : i32
    %c0_i32_1 = arith.constant 0 : i32
    return %arg0, %c0_i32, %c0_i32_0 : i32, i32, i32
  }
  func.func @transform_3(%arg0: i32) -> (i32, i32) {
    %c0_i32 = arith.constant 0 : i32
    %c0_i32_0 = arith.constant 0 : i32
    %c0_i32_1 = arith.constant 0 : i32
    return %c0_i32, %c0_i32_0 : i32, i32
  }
  func.func @transform_4(%arg0: i32) -> (i32, i32) {
    %c0_i32 = arith.constant 0 : i32
    %c0_i32_0 = arith.constant 0 : i32
    %c0_i32_1 = arith.constant 0 : i32
    return %c0_i32, %c0_i32_0 : i32, i32
  }
  func.func @transform_5(%arg0: i32) -> (i32, i32) {
    %c0_i32 = arith.constant 0 : i32
    %c0_i32_0 = arith.constant 0 : i32
    %c0_i32_1 = arith.constant 0 : i32
    return %c0_i32, %c0_i32_0 : i32, i32
  }
}

</mosaic_0001>

<sc_bundles>
// kernel: kernel.11.cloned.1.call-start
scs
__scs_entry_jumppad:
0x0: {  	(pc) =	sbr.rel $0x88, $3  }
0x1: {  	(tag) =	ssettag $0x0;
	lr =	simm.s32 $0x1  }
0x2: {  	[smem:$0x3F98] =	sst lr;
	_ =	strace $0xD0000000  }
0x3: {  	_ = 	snop  }
0x4: {  	_ = 	snop  }
0x5: {  	_ = 	snop  }
0x6: {  	_ = 	snop  }
0x7: {  	_ = 	snop  }
__scs_overlays_trampoline_lowered:
0x8: {  	[smem:$0x3FA7] =	sst s0  }
0x9: {  	[smem:$0x3FA8] =	sst s1  }
0xa: {  	[smem:$0x3FA9] =	sst s2  }
0xb: {  	[smem:$0x3FAA] =	sst s3  }
0xc: {  	[smem:$0x3FAB] =	sst s4  }
0xd: {  	[smem:$0x3FAC] =	sst s5  }
0xe: {  	[smem:$0x3FAD] =	sst s6  }
0xf: {  	[smem:$0x3FAE] =	sst s7  }
0x10: {  	[smem:$0x3FAF] =	sst s8  }
0x11: {  	[smem:$0x3FB0] =	sst s9;
	s0 =	simm.s32 @!p0 $0x0  }
0x12: {  	s1 =	sld [smem:$0x3F96];
	s0 =	simm.s32 @p0 $0x1  }
0x13: {  	[smem:$0x3FB1] =	sst s0;
	s0 =	simm.s32 @!p1 $0x0  }
0x14: {  	s2 =	sld [smem:$0x3F95];
	s0 =	simm.s32 @p1 $0x1  }
0x15: {  	[smem:$0x3FB2] =	sst s0;
	s0 =	simm.s32 @!p2 $0x0  }
0x16: {  	s3 =	sld [smem:$0x3FDB];
	s0 =	simm.s32 @p2 $0x1  }
0x17: {  	s4 =	simm.s32 $0x1BF5;
	[smem:$0x3FB4] =	sst s0  }
0x18: {  	s0 =	sld [smem:$0x3F97];
	_ =	swait.ge [sflag:s4], $0x0  }
0x19: {  	s7 =	sld [smem:$0x3F98]  }
0x1a: {  	s8 =	sadd.s32 $0xFFFFE003, lr  }
0x1b: {  	s9 =	sadd.s32 $0xFFFFFEF7, lr;
	s5 =	simm.s32 $0xFFFFFFFF;
	p2 =	slt.u32 s8, $0xFFFFF086  }
0x1c: {  	p1 =	slt.u32 s9, $0xF7A;
	s5 =	simm.s32 @!p2 $0x0  }
0x1d: {  	s5 =	simm.s32 @p1 $0x1;
	p0 =	seq.s32 s7, s2  }
0x1e: {  	s7 =	smul.u32 @!p0 $0xF7A, s2;
	p2 =	seq.s32 @!p0 s5, $0x0  }
0x1f: {  	s9 =	smul.u32 $0xF7A, s1;
	s8 =	simm.s32 @!p0 $0x1BF5;
	p2 =	por !p2, p0  }
0x20: {  	[sflag:s8] =	ssyncset.s32 @!p0 $0xFFFFF086;
	s6 =	sadd.s32 @!p0 s3, s7;
	s7 =	simm.s32 @!p0 $0x108  }
0x21: {  	s3 =	sadd.s32 s3, s9;
	s6 =	sadd.s32 @!p0 $0x88, s6;
	s7 =	simm.s32 @p2 $0x1082  }
0x22: {  	[simem:s7], [sflag:s8] =	dma.local @!p0 [hbm:s6], $0xF7A  }
0x23: {  	s9 =	sor.u32 $0xD0000000, s2;
	s6 =	simm.s32 $0x108;
	_ =	swait.ge @!p0 [sflag:s8], $0x0  }
0x24: {  	s3 =	sadd.s32 $0x88, s3;
	s6 =	simm.s32 @!p1 $0x1082;
	[sflag:s4] =	ssyncset.s32 $0xFFFFF086  }
0x25: {  	[simem:s6], [sflag:s4] =	dma.local [hbm:s3], $0xF7A  }
0x26: {  	[smem:$0x3F98] =	sst s1;
	(tag) =	ssettag s2;
	_ =	strace s9  }
0x27: {  	s1 =	sld [smem:$0x3FA8]  }
0x28: {  	s2 =	sld [smem:$0x3FA9]  }
0x29: {  	s4 =	sld [smem:$0x3FAB]  }
0x2a: {  	p0 =	seq.s32 s5, $0x0;
	s5 =	sld [smem:$0x3FAC]  }
0x2b: {  	s6 =	sld [smem:$0x3FAD]  }
0x2c: {  	s7 =	sld [smem:$0x3FAE]  }
0x2d: {  	s3 =	simm.s32 $0x108;
	s8 =	sld [smem:$0x3FAF]  }
0x2e: {  	s3 =	simm.s32 @!p0 $0x1082;
	s9 =	sld [smem:$0x3FB0]  }
0x2f: {  	lr =	sadd.s32 s0, s3;
	s0 =	sld [smem:$0x3FA7]  }
0x30: {  	s3 =	sld [smem:$0x3FAA]  }
0x31: {  	[smem:$0x3FB3] =	sst s10  }
0x32: {  	s10 =	sld [smem:$0x3FB1];
	_ =	sdelay $0x3  }
0x33: {  	p0 =	seq.s32 s10, $0x1;
	s10 =	sld [smem:$0x3FB3];
	_ =	sdelay $0x3  }
0x34: {  	[smem:$0x3FB3] =	sst s10  }
0x35: {  	s10 =	sld [smem:$0x3FB2];
	_ =	sdelay $0x3  }
0x36: {  	p1 =	seq.s32 s10, $0x1;
	s10 =	sld [smem:$0x3FB3];
	_ =	sdelay $0x3  }
0x37: {  	[smem:$0x3FB3] =	sst s10  }
0x38: {  	s10 =	sld [smem:$0x3FB4]  }
0x39: {  	_ = 	snop;
	(pc) =	sbr.ind lr, $3  }
0x3a: {  	_ = 	snop  }
0x3b: {  	_ = 	snop  }
0x3c: {  	p2 =	seq.s32 s10, $0x1;
	s10 =	sld [smem:$0x3FB3]  }
0x3d: {  	_ =	shalt  }
0x3e: {  	_ =	shalt  }
0x3f: {  	_ =	shalt  }
0x40: {  	_ =	shalt  }
0x41: {  	_ =	shalt  }
0x42: {  	_ =	shalt  }
0x43: {  	_ =	shalt  }
0x44: {  	_ =	shalt  }
0x45: {  	_ =	shalt  }
0x46: {  	_ =	shalt  }
0x47: {  	_ =	shalt  }
0x48: {  	_ =	shalt  }
0x49: {  	_ =	shalt  }
0x4a: {  	_ =	shalt  }
0x4b: {  	_ =	shalt  }
0x4c: {  	_ =	shalt  }
0x4d: {  	_ =	shalt  }
0x4e: {  	_ =	shalt  }
0x4f: {  	_ =	shalt  }
0x50: {  	_ =	shalt  }
0x51: {  	_ =	shalt  }
0x52: {  	_ =	shalt  }
0x53: {  	_ =	shalt  }
0x54: {  	_ =	shalt  }
0x55: {  	_ =	shalt  }
0x56: {  	_ =	shalt  }
0x57: {  	_ =	shalt  }
0x58: {  	_ =	shalt  }
0x59: {  	_ =	shalt  }
0x5a: {  	_ =	shalt  }
0x5b: {  	_ =	shalt  }
0x5c: {  	_ =	shalt  }
0x5d: {  	_ =	shalt  }
0x5e: {  	_ =	shalt  }
0x5f: {  	_ =	shalt  }
0x60: {  	_ =	shalt  }
0x61: {  	_ =	shalt  }
0x62: {  	_ =	shalt  }
0x63: {  	_ =	shalt  }
0x64: {  	_ =	shalt  }
0x65: {  	_ =	shalt  }
0x66: {  	_ =	shalt  }
0x67: {  	_ =	shalt  }
0x68: {  	_ =	shalt  }
0x69: {  	_ =	shalt  }
0x6a: {  	_ =	shalt  }
0x6b: {  	_ =	shalt  }
0x6c: {  	_ =	shalt  }
0x6d: {  	_ =	shalt  }
0x6e: {  	_ =	shalt  }
0x6f: {  	_ =	shalt  }
0x70: {  	_ =	shalt  }
0x71: {  	_ =	shalt  }
0x72: {  	_ =	shalt  }
0x73: {  	_ =	shalt  }
0x74: {  	_ =	shalt  }
0x75: {  	_ =	shalt  }
0x76: {  	_ =	shalt  }
0x77: {  	_ =	shalt  }
0x78: {  	_ =	shalt  }
0x79: {  	_ =	shalt  }
0x7a: {  	_ =	shalt  }
0x7b: {  	_ =	shalt  }
0x7c: {  	_ =	shalt  }
0x7d: {  	_ =	shalt  }
0x7e: {  	_ =	shalt  }
0x7f: {  	_ =	shalt  }
0x80: {  	_ =	shalt  }
0x81: {  	_ =	shalt  }
0x82: {  	_ =	shalt  }
0x83: {  	_ =	shalt  }
0x84: {  	_ =	shalt  }
0x85: {  	_ =	shalt  }
0x86: {  	_ =	shalt  }
0x87: {  	_ =	shalt  }
.Lfunc_end0:
.L_simem_size_0:
called_computation.1_lowered:
.L_overlay_start_0:
0x88: {  	s2 =	sld [smem:$0x3FD9]  }
0x89: {  	s3 =	sld [smem:$0x3FFE];
	_ =	sdelay $0x1  }
0x8a: {  	s1 =	srdreg.scid  }
0x8b: {  	s0 =	sand.u32 $0x1, s1  }
0x8c: {  	s17 =	sshll.u32 s0, $0xA;
	s2 =	sadd.s32 s3, s2  }
0x8d: {  	s2 =	sadd.s32 s2, s17  }
0x8e: {  	[smem:$0x3FBF] =	sst s2  }
0x8f: {  	_ = 	snop  }
0x90: {  	(tm) =	ssettm $0x1  }
0x91: {  	s18 =	sld [smem:$0x3FFB];
	_ =	sdelay $0x3  }
0x92: {  	_ =	strace s18  }
0x93: {  	s2 =	sld [smem:$0x3FFC];
	_ =	sdelay $0x3  }
0x94: {  	_ =	strace s2  }
0x95: {  	s2 =	sld [smem:$0x3FFD];
	_ =	sdelay $0x3  }
0x96: {  	_ =	strace s2  }
0x97: {  	_ =	strace $0x8FFFFFFF  }
0x98: {  	s19 =	sld [smem:$0x3FDB];
	_ =	sdelay $0x1  }
0x99: {  	s20 =	simm.s32 $_scs_section_size  }
0x9a: {  	s4 =	simm.s32 $_size__tile_overlayer_lowered;
	s5 =	simm.s32 $_tile_overlayer_lowered  }
0x9b: {  	s6 =	simm.s32 $0x1BFF;
	s21 =	sshll.u32 s5, $0x1;
	s3 =	sadd.s32 s20, s19  }
0x9c: {  	s22 =	simm.s32 $0x0;
	s4 =	sshll.u32 s4, $0x1;
	s5 =	sadd.s32 s21, s3  }
0x9d: {  	[timem:s22], [sflag:s6] =	dma.local [hbm:s5], s4  }
0x9e: {  	_ =	swait.ge [sflag:s6], s4  }
0x9f: {  	s4 =	ssub.s32 $0x0, s4;
	[sflag:s6] =	ssyncset.done $0x0  }
0xa0: {  	[sflag:s6] =	ssyncadd.s32 s4;
	_ =	sdelay $0x1  }
0xa1: {  	s23 =	simm.s32 $0x1B8B  }
0xa2: {  	_ =	swait.ge [sflag:s23], $0x1  }
0xa3: {  	[sflag:s23] =	ssyncset.done $0x0  }
0xa4: {  	[sflag:s23] =	ssyncadd.s32 $0xFFFFFFFF  }
0xa5: {  	s4 =	sld [smem:$0x0]  }
0xa6: {  	s5 =	sand.u32 $0xFFFFFFFE, s1  }
0xa7: {  	p0 =	sne.s32 s1, s5  }
0xa8: {  	s5 =	sshll.u32 @p0 s5, $0xE  }
0xa9: {  	s5 =	sadd.s32 @p0 $0x11B8D, s5;
	s6 =	sshll.u32 @p0 s4, $0x11  }
0xaa: {  	s5 =	sor.u32 @p0 s6, s5  }
0xab: {  	[sflag:s5] =	ssyncadd.remote.s32 @p0 $0x1;
	_ =	sdelay $0x1  }
0xac: {  	s5 =	simm.s32 @p0 $0x1B8D  }
0xad: {  	_ =	swait.eq @p0 [sflag:s5], $0x1  }
0xae: {  	[sflag:s5] =	ssyncadd.s32 @p0 $0xFFFFFFFF  }
0xaf: {  	s6 =	sshll.u32 @!p0 s1, $0xE  }
0xb0: {  	s6 =	sor.u32 @!p0 $0x4000, s6;
	s5 =	simm.s32 @!p0 $0x1B8D  }
0xb1: {  	s4 =	sshll.u32 @!p0 s4, $0x11;
	s6 =	sadd.s32 @!p0 $0x11B8D, s6;
	_ =	swait.eq @!p0 [sflag:s5], $0x1  }
0xb2: {  	s4 =	sor.u32 @!p0 s4, s6;
	[sflag:s5] =	ssyncadd.s32 @!p0 $0xFFFFFFFF  }
0xb3: {  	s25 =	simm.s32 $0x1B8E;
	s24 =	sld [smem:$0x3FFE];
	[sflag:s4] =	ssyncadd.remote.s32 @!p0 $0x1  }
0xb4: {  	s26 =	simm.s32 $execute0_lowered;
	[smem:$0x3FD2] =	sst s25  }
0xb5: {  	s5 =	sshll.u32 s26, $0x1;
	_ =	strace $0x80000049;
	[dreg:$0x1] =	wrdreg $0xFFFFFFFF  }
0xb6: {  	s28 =	simm.s32 $_size_execute0_lowered;
	s3 =	sadd.s32 s3, s5;
	[dreg:$0x0] =	wrdreg $0x0  }
0xb7: {  	s5 =	sshll.u32 s28, $0x1;
	[dreg:$0x2] =	wrdreg s3  }
0xb8: {  	[dreg:$0x3] =	wrdreg s5  }
0xb9: {  	[dreg:$0x4] =	wrdreg $0xC0  }
0xba: {  	_ =	task [dreg:s22], $0x5FFFF  }
0xbb: {  	[dreg:$0x1] =	wrdreg $0xFFFFFFFF  }
0xbc: {  	[dreg:$0x0] =	wrdreg $0x60  }
0xbd: {  	[dreg:$0x2] =	wrdreg s24  }
0xbe: {  	[dreg:$0x3] =	wrdreg $0x7C000  }
0xbf: {  	[dreg:$0x4] =	wrdreg $0xA  }
0xc0: {  	_ =	task.clear_ibuf [dreg:s22], $0x5FFFF;
	_ =	strace $0x90000049  }
0xc1: {  	s29 =	simm.s32 $0xA;
	_ =	strace $0x8000004B  }
0xc2: {  	_ =	swait.ge [sflag:s29], $0x1  }
0xc3: {  	[sflag:s29] =	ssyncadd.s32 $0xFFFFFFFF  }
0xc4: {  	_ =	strace $0x9000004B  }
0xc5: {  	_ =	sfence  }
0xc6: {  	s30 =	sld [smem:$0x0];
	_ =	sdelay $0x2  }
0xc7: {  	s31 =	sshll.u32 s1, $0xD;
	s1 =	sshrl.u32 s1, $0x2  }
0xc8: {  	s4 =	sand.u32 $0x4000, s31;
	s1 =	sadd.s32 s1, s30  }
0xc9: {  	s0 =	sor.u32 s4, s0;
	s1 =	sshll.u32 s1, $0x11  }
0xca: {  	s0 =	sor.u32 s1, s0  }
0xcb: {  	s0 =	sadd.s32 $0x8F2B, s0  }
0xcc: {  	[sflag:s0] =	ssyncadd.remote.s32 $0x1  }
0xcd: {  	_ =	sfence.sel $0xFFFF  }
0xce: {  	[dreg:$0x0] =	wrdreg $0xFFFFFFFF;
	(pc) =	sbr.abs _section_cstart, $3  }
0xcf: {  	[dreg:$0x1] =	wrdreg $0xFFFFFFFF  }
0xd0: {  	_ =	task.clear_ibuf [dreg:s22], $0x2FFFF;
	_ =	strace $0x9FFFFFFF  }
0xd1: {  	(tm) =	ssettm $0x7FFFFFFF  }
tec
execute0_lowered:
.L_overlay_start_1:
0x0: {  	(tag) =	ssettag $0x1  }
0x1: {  	s0 =	srdreg.scid;
	s5 =	rddreg [dreg:$0x0]  }
0x2: {  	s2 =	rddreg [dreg:$0x1];
	s1 =	stileid.u32;
	s3 =	simm.s32 $0x0  }
0x3: {  	s6 =	sand.u32 $0x1, s0;
	s0 =	rddreg [dreg:$0x2];
	s9 =	smul.u32 $0x278, s1  }
0x4: {  	[smem:$0x7FF] =	sst s3;
	s28 =	smul.u32 $0x4F000, s1  }
0x5: {  	s21 =	smul.u32 $0x2780, s1;
	s4 =	sshll.u32 s6, $0x4;
	_ =	strace $0x8000004A  }
0x6: {  	s8 =	smul.u32 $0x27800, s6;
	s6 =	ssub.s32 $0x2, s6;
	s4 =	sor.u32 s1, s4  }
0x7: {  	s26 =	sshrl.u32 s6, $0x1;
	s16 =	sadd.s32 $0x78, s9;
	s17 =	sadd.s32 $0xF0, s9  }
0x8: {  	s18 =	sadd.s32 $0x168, s9;
	s19 =	sadd.s32 $0x1E0, s9;
	s20 =	sadd.s32 $0x258, s9  }
0x9: {  	s7 =	smul.u32 $0x2800, s4;
	s4 =	sadd.s32 $0x6F000, s5;
	s14 =	sadd.s32 s8, s5  }
0xa: {  	s15 =	ssub.s32 s6, s26;
	s6 =	sshrl.u32 s28, $0x2;
	s29 =	sshll.u32 s16, $0x7  }
0xb: {  	s30 =	sshll.u32 s17, $0x7;
	s31 =	sshll.u32 s18, $0x7;
	s10 =	sshll.u32 s19, $0x7  }
0xc: {  	s11 =	sshll.u32 s20, $0x7;
	s22 =	sshll.u32 s16, $0x4;
	s23 =	sshll.u32 s17, $0x4  }
0xd: {  	s25 =	sshll.u32 s18, $0x4;
	s26 =	sshll.u32 s19, $0x4;
	s28 =	sshll.u32 s20, $0x4  }
0xe: {  	s16 =	simm.s32 $0x1;
	s17 =	simm.s32 $0x3C00;
	s18 =	simm.s32 $0x7D  }
0xf: {  	s6 =	sadd.s32 s6, s2;
	s8 =	sadd.s32 s30, s2;
	s9 =	sadd.s32 s31, s2  }
0x10: {  	s10 =	sadd.s32 s10, s2;
	s11 =	sadd.s32 s11, s2;
	s24 =	sadd.s32 $0x96200, s14  }
0x11: {  	s14 =	smax.u32 s15, $0x1;
	s15 =	simm.s32 $0x1400;
	s7 =	sshrl.u32 s7, $0x3  }
0x12: {  	s19 =	sadd.s32 s21, s24;
	s20 =	sadd.s32 s22, s24;
	s21 =	sadd.s32 s23, s24  }
0x13: {  	s22 =	sadd.s32 s25, s24;
	s23 =	sadd.s32 s26, s24;
	s24 =	sadd.s32 s28, s24  }
0x14: {  	s25 =	simm.s32 $0x0;
	s13 =	sadd.s32 s7, s5;
	s7 =	sadd.s32 s29, s2  }
0x15: {  	v0 =	vimm.f32 $0.0e+00;
	s5 =	sadd.s32 $0x5B000, s13;
	s12 =	sadd.s32 $0x65000, s13;
	s13 =	sadd.s32 $0x65280, s13  }
.LBB2_1:
0x16: {  	[tilespmem:s15], [sflag:$0x1] =	stream.linear.gather [hbm4b:s5+s3], $0x2800, $0x38;
	[tilespmem:$0x1B800] =	vst v63  }
0x17: {  	_ =	swait.ge [sflag:s16], $0x2800  }
0x18: {  	[sflag:s16] =	ssyncset.done $0x0  }
0x19: {  	s26 =	simm.s32 $0x0;
	s28 =	simm.s32 $0x200;
	[sflag:s16] =	ssyncadd.s32 $0xFFFFD800  }
.LBB2_2:
0x1a: {  	p0 =	sne.s32 s28, $0xF800;
	[tilespmem:s26+$0x3C70] =	vst v0  }
0x1b: {  	[tilespmem:s26+$0x3C00] =	vst v0  }
0x1c: {  	[tilespmem:s26+$0x3C10] =	vst v0  }
.Ltmp0:
0x1d: {  	[tilespmem:s26+$0x3C20] =	vst v0;
	(pc) =	sbr.rel @p0 .LBB2_2-.Ltmp0, $4  }
0x1e: {  	[tilespmem:s26+$0x3C30] =	vst v0  }
0x1f: {  	[tilespmem:s26+$0x3C40] =	vst v0  }
0x20: {  	[tilespmem:s26+$0x3C50] =	vst v0  }
0x21: {  	[tilespmem:s26+$0x3C60] =	vst v0;
	s26 =	sshra.s32 s28, $0x2;
	s28 =	sadd.s32 $0x200, s28  }
0x22: {  	[tilespmem:s26+$0x3C70] =	vst v0  }
0x23: {  	[tilespmem:s26+$0x3C00] =	vst v0  }
0x24: {  	[tilespmem:s26+$0x3C10] =	vst v0  }
0x25: {  	[tilespmem:s26+$0x3C20] =	vst v0  }
0x26: {  	[tilespmem:s26+$0x3C30] =	vst v0  }
0x27: {  	[tilespmem:s26+$0x3C40] =	vst v0  }
0x28: {  	[tilespmem:s26+$0x3C50] =	vst v0  }
0x29: {  	[tilespmem:s26+$0x3C60] =	vst v0  }
0x2a: {  	[spmem:s6] =	stream.linear.scatter [tilespmem:s17], [sflag:$0x1], $0x3C00, $0x38;
	[tilespmem:$0x1B800] =	vst v63  }
0x2b: {  	_ =	swait.ge [sflag:s16], $0x3C00  }
0x2c: {  	[sflag:s16] =	ssyncset.done $0x0  }
0x2d: {  	[sflag:s16] =	ssyncadd.s32 $0xFFFFC400  }
0x2e: {  	[spmem:s7] =	stream.linear.scatter [tilespmem:s17], [sflag:$0x1], $0x3C00, $0x38;
	[tilespmem:$0x1B800] =	vst v63  }
0x2f: {  	_ =	swait.ge [sflag:s16], $0x3C00  }
0x30: {  	[sflag:s16] =	ssyncset.done $0x0  }
0x31: {  	[sflag:s16] =	ssyncadd.s32 $0xFFFFC400  }
0x32: {  	[spmem:s8] =	stream.linear.scatter [tilespmem:s17], [sflag:$0x1], $0x3C00, $0x38;
	[tilespmem:$0x1B800] =	vst v63  }
0x33: {  	_ =	swait.ge [sflag:s16], $0x3C00  }
0x34: {  	[sflag:s16] =	ssyncset.done $0x0  }
0x35: {  	[sflag:s16] =	ssyncadd.s32 $0xFFFFC400  }
0x36: {  	[spmem:s9] =	stream.linear.scatter [tilespmem:s17], [sflag:$0x1], $0x3C00, $0x38;
	[tilespmem:$0x1B800] =	vst v63  }
0x37: {  	_ =	swait.ge [sflag:s16], $0x3C00  }
0x38: {  	[sflag:s16] =	ssyncset.done $0x0  }
0x39: {  	[sflag:s16] =	ssyncadd.s32 $0xFFFFC400  }
0x3a: {  	[spmem:s10] =	stream.linear.scatter [tilespmem:s17], [sflag:$0x1], $0x3C00, $0x38;
	[tilespmem:$0x1B800] =	vst v63  }
0x3b: {  	_ =	swait.ge [sflag:s16], $0x3C00  }
0x3c: {  	[sflag:s16] =	ssyncset.done $0x0  }
0x3d: {  	[sflag:s16] =	ssyncadd.s32 $0xFFFFC400  }
0x3e: {  	[spmem:s11] =	stream.linear.scatter [tilespmem:s17], [sflag:$0x1], $0x1000, $0x38;
	[tilespmem:$0x1B800] =	vst v63  }
0x3f: {  	_ =	swait.ge [sflag:s16], $0x1000  }
0x40: {  	[sflag:s16] =	ssyncset.done $0x0  }
0x41: {  	[sflag:s16] =	ssyncadd.s32 $0xFFFFF000  }
0x42: {  	s29 =	simm.s32 $0x0;
	[bflag:$0x0] =	sbarrier.arrive $0xFFFF  }
0x43: {  	[tilespmem:s29], [sflag:$0x1] =	stream.linear.gather [hbm4b:s12+s29], $0x1400, $0x38;
	[tilespmem:$0x1B800] =	vst v63  }
0x44: {  	_ =	swait.ge [sflag:s16], $0x1400  }
0x45: {  	[sflag:s16] =	ssyncset.done $0x0  }
0x46: {  	s30 =	simm.s32 $0x0;
	[sflag:s16] =	ssyncadd.s32 $0xFFFFEC00  }
0x47: {  	[tilespmem:s17], [sflag:$0x1] =	stream.indirect.gather [hbm4b:s4+s18], $0x80, s30, s18, $0xb8;
	[tilespmem:$0x1B800] =	vst v63  }
0x48: {  	_ =	swait.ge [sflag:s16], $0x3E80  }
0x49: {  	[sflag:s16] =	ssyncset.done $0x0  }
0x4a: {  	s31 =	simm.s32 $0x1400;
	[sflag:s16] =	ssyncadd.s32 $0xFFFFC180  }
0x4b: {  	[spmem:s2] =	stream.indirect.scatter.add.f32 [tilespmem:s17], [sflag:$0x1], $0x80, s31, s18, $0xb8;
	[tilespmem:$0x1B800] =	vst v63  }
0x4c: {  	_ =	swait.ge [sflag:s16], $0x3E80  }
0x4d: {  	s26 =	simm.s32 $0x200;
	s28 =	simm.s32 $0x400;
	[sflag:s16] =	ssyncset.done $0x0  }
.LBB2_4:
0x4e: {  	s29 =	sshra.s32 s26, $0x2  }
0x4f: {  	[sflag:s16] =	ssyncadd.s32 $0xFFFFC180;
	s26 =	smov.u32 s28;
	s30 =	sadd.s32 $0x200, s28  }
0x50: {  	[tilespmem:s17], [sflag:$0x1] =	stream.indirect.gather [hbm4b:s4+s18], $0x80, s29, s18, $0xb8;
	[tilespmem:$0x1B800] =	vst v63  }
0x51: {  	p0 =	sne.s32 s28, $0x4E00;
	_ =	swait.ge [sflag:s16], $0x3E80  }
.Ltmp1:
0x52: {  	[sflag:s16] =	ssyncset.done $0x0;
	(pc) =	sbr.rel @p0 .LBB2_4-.Ltmp1, $4  }
0x53: {  	s28 =	sadd.s32 $0x1400, s29;
	[sflag:s16] =	ssyncadd.s32 $0xFFFFC180  }
0x54: {  	[spmem:s2] =	stream.indirect.scatter.add.f32 [tilespmem:s17], [sflag:$0x1], $0x80, s28, s18, $0xb8;
	[tilespmem:$0x1B800] =	vst v63  }
0x55: {  	_ =	swait.ge [sflag:s16], $0x3E80  }
0x56: {  	s28 =	smov.u32 s30;
	[sflag:s16] =	ssyncset.done $0x0  }
0x57: {  	s26 =	sshra.s32 s26, $0x2;
	[sflag:s16] =	ssyncadd.s32 $0xFFFFC180  }
0x58: {  	[tilespmem:s17], [sflag:$0x1] =	stream.indirect.gather [hbm4b:s4+s18], $0x80, s26, s18, $0xb8;
	[tilespmem:$0x1B800] =	vst v63  }
0x59: {  	_ =	swait.ge [sflag:s16], $0x3E80  }
0x5a: {  	[sflag:s16] =	ssyncset.done $0x0  }
0x5b: {  	s26 =	sadd.s32 $0x1400, s26;
	[sflag:s16] =	ssyncadd.s32 $0xFFFFC180  }
0x5c: {  	[spmem:s2] =	stream.indirect.scatter.add.f32 [tilespmem:s17], [sflag:$0x1], $0x80, s26, s18, $0xb8;
	[tilespmem:$0x1B800] =	vst v63  }
0x5d: {  	_ =	swait.ge [sflag:s16], $0x3E80  }
0x5e: {  	[sflag:s16] =	ssyncset.done $0x0  }
0x5f: {  	s29 =	simm.s32 $0x0;
	[sflag:s16] =	ssyncadd.s32 $0xFFFFC180  }
0x60: {  	[tilespmem:s29], [sflag:$0x1] =	stream.linear.gather [hbm4b:s13+s29], $0x1400, $0x38;
	[tilespmem:$0x1B800] =	vst v63  }
0x61: {  	_ =	swait.ge [sflag:s16], $0x1400  }
0x62: {  	[sflag:s16] =	ssyncset.done $0x0  }
0x63: {  	s30 =	simm.s32 $0x0;
	[sflag:s16] =	ssyncadd.s32 $0xFFFFEC00  }
0x64: {  	[tilespmem:s17], [sflag:$0x1] =	stream.indirect.gather [hbm4b:s4+s18], $0x80, s30, s18, $0xb8;
	[tilespmem:$0x1B800] =	vst v63  }
0x65: {  	_ =	swait.ge [sflag:s16], $0x3E80  }
0x66: {  	[sflag:s16] =	ssyncset.done $0x0  }
0x67: {  	s31 =	simm.s32 $0x2800;
	[sflag:s16] =	ssyncadd.s32 $0xFFFFC180  }
0x68: {  	[spmem:s2] =	stream.indirect.scatter.add.f32 [tilespmem:s17], [sflag:$0x1], $0x80, s31, s18, $0xb8;
	[tilespmem:$0x1B800] =	vst v63  }
0x69: {  	_ =	swait.ge [sflag:s16], $0x3E80  }
0x6a: {  	s28 =	simm.s32 $0x400;
	s26 =	simm.s32 $0x200;
	[sflag:s16] =	ssyncset.done $0x0  }
.LBB2_6:
0x6b: {  	s29 =	sshra.s32 s26, $0x2  }
0x6c: {  	[sflag:s16] =	ssyncadd.s32 $0xFFFFC180;
	s26 =	smov.u32 s28;
	s30 =	sadd.s32 $0x200, s28  }
0x6d: {  	[tilespmem:s17], [sflag:$0x1] =	stream.indirect.gather [hbm4b:s4+s18], $0x80, s29, s18, $0xb8;
	[tilespmem:$0x1B800] =	vst v63  }
0x6e: {  	p0 =	sne.s32 s28, $0x4E00;
	_ =	swait.ge [sflag:s16], $0x3E80  }
.Ltmp2:
0x6f: {  	[sflag:s16] =	ssyncset.done $0x0;
	(pc) =	sbr.rel @p0 .LBB2_6-.Ltmp2, $4  }
0x70: {  	s28 =	sadd.s32 $0x2800, s29;
	[sflag:s16] =	ssyncadd.s32 $0xFFFFC180  }
0x71: {  	[spmem:s2] =	stream.indirect.scatter.add.f32 [tilespmem:s17], [sflag:$0x1], $0x80, s28, s18, $0xb8;
	[tilespmem:$0x1B800] =	vst v63  }
0x72: {  	_ =	swait.ge [sflag:s16], $0x3E80  }
0x73: {  	s28 =	smov.u32 s30;
	[sflag:s16] =	ssyncset.done $0x0  }
0x74: {  	s26 =	sshra.s32 s26, $0x2;
	[sflag:s16] =	ssyncadd.s32 $0xFFFFC180  }
0x75: {  	[tilespmem:s17], [sflag:$0x1] =	stream.indirect.gather [hbm4b:s4+s18], $0x80, s26, s18, $0xb8;
	[tilespmem:$0x1B800] =	vst v63  }
0x76: {  	_ =	swait.ge [sflag:s16], $0x3E80  }
0x77: {  	[sflag:s16] =	ssyncset.done $0x0  }
0x78: {  	s26 =	sadd.s32 $0x2800, s26;
	[sflag:s16] =	ssyncadd.s32 $0xFFFFC180  }
0x79: {  	[spmem:s2] =	stream.indirect.scatter.add.f32 [tilespmem:s17], [sflag:$0x1], $0x80, s26, s18, $0xb8;
	[tilespmem:$0x1B800] =	vst v63  }
0x7a: {  	_ =	swait.ge [sflag:s16], $0x3E80  }
0x7b: {  	[sflag:s16] =	ssyncset.done $0x0  }
0x7c: {  	[sflag:s16] =	ssyncadd.s32 $0xFFFFC180  }
0x7d: {  	[bflag:$0x0] =	sbarrier.arrive $0xFFFF  }
0x7e: {  	[tilespmem:s17], [sflag:$0x1] =	stream.linear.gather [spmem:s6], $0x3C00, $0x38;
	[tilespmem:$0x1B800] =	vst v63  }
0x7f: {  	_ =	swait.ge [sflag:s16], $0x3C00  }
0x80: {  	[sflag:s16] =	ssyncset.done $0x0  }
0x81: {  	[sflag:s16] =	ssyncadd.s32 $0xFFFFC400  }
0x82: {  	[hbm4b:s19+s3] =	stream.linear.scatter [tilespmem:s17], [sflag:$0x1], $0x3C00, $0x38;
	[tilespmem:$0x1B800] =	vst v63  }
0x83: {  	_ =	swait.ge [sflag:s16], $0x3C00  }
0x84: {  	[sflag:s16] =	ssyncset.done $0x0  }
0x85: {  	[sflag:s16] =	ssyncadd.s32 $0xFFFFC400  }
0x86: {  	[tilespmem:s17], [sflag:$0x1] =	stream.linear.gather [spmem:s7], $0x3C00, $0x38;
	[tilespmem:$0x1B800] =	vst v63  }
0x87: {  	_ =	swait.ge [sflag:s16], $0x3C00  }
0x88: {  	[sflag:s16] =	ssyncset.done $0x0  }
0x89: {  	[sflag:s16] =	ssyncadd.s32 $0xFFFFC400  }
0x8a: {  	[hbm4b:s20+s3] =	stream.linear.scatter [tilespmem:s17], [sflag:$0x1], $0x3C00, $0x38;
	[tilespmem:$0x1B800] =	vst v63  }
0x8b: {  	_ =	swait.ge [sflag:s16], $0x3C00  }
0x8c: {  	[sflag:s16] =	ssyncset.done $0x0  }
0x8d: {  	[sflag:s16] =	ssyncadd.s32 $0xFFFFC400  }
0x8e: {  	[tilespmem:s17], [sflag:$0x1] =	stream.linear.gather [spmem:s8], $0x3C00, $0x38;
	[tilespmem:$0x1B800] =	vst v63  }
0x8f: {  	_ =	swait.ge [sflag:s16], $0x3C00  }
0x90: {  	[sflag:s16] =	ssyncset.done $0x0  }
0x91: {  	[sflag:s16] =	ssyncadd.s32 $0xFFFFC400  }
0x92: {  	[hbm4b:s21+s3] =	stream.linear.scatter [tilespmem:s17], [sflag:$0x1], $0x3C00, $0x38;
	[tilespmem:$0x1B800] =	vst v63  }
0x93: {  	_ =	swait.ge [sflag:s16], $0x3C00  }
0x94: {  	[sflag:s16] =	ssyncset.done $0x0  }
0x95: {  	[sflag:s16] =	ssyncadd.s32 $0xFFFFC400  }
0x96: {  	[tilespmem:s17], [sflag:$0x1] =	stream.linear.gather [spmem:s9], $0x3C00, $0x38;
	[tilespmem:$0x1B800] =	vst v63  }
0x97: {  	_ =	swait.ge [sflag:s16], $0x3C00  }
0x98: {  	[sflag:s16] =	ssyncset.done $0x0  }
0x99: {  	[sflag:s16] =	ssyncadd.s32 $0xFFFFC400  }
0x9a: {  	[hbm4b:s22+s3] =	stream.linear.scatter [tilespmem:s17], [sflag:$0x1], $0x3C00, $0x38;
	[tilespmem:$0x1B800] =	vst v63  }
0x9b: {  	_ =	swait.ge [sflag:s16], $0x3C00  }
0x9c: {  	[sflag:s16] =	ssyncset.done $0x0  }
0x9d: {  	[sflag:s16] =	ssyncadd.s32 $0xFFFFC400  }
0x9e: {  	[tilespmem:s17], [sflag:$0x1] =	stream.linear.gather [spmem:s10], $0x3C00, $0x38;
	[tilespmem:$0x1B800] =	vst v63  }
0x9f: {  	_ =	swait.ge [sflag:s16], $0x3C00  }
0xa0: {  	[sflag:s16] =	ssyncset.done $0x0  }
0xa1: {  	[sflag:s16] =	ssyncadd.s32 $0xFFFFC400  }
0xa2: {  	[hbm4b:s23+s3] =	stream.linear.scatter [tilespmem:s17], [sflag:$0x1], $0x3C00, $0x38;
	[tilespmem:$0x1B800] =	vst v63  }
0xa3: {  	_ =	swait.ge [sflag:s16], $0x3C00  }
0xa4: {  	[sflag:s16] =	ssyncset.done $0x0  }
0xa5: {  	[sflag:s16] =	ssyncadd.s32 $0xFFFFC400  }
0xa6: {  	[tilespmem:s17], [sflag:$0x1] =	stream.linear.gather [spmem:s11], $0x1000, $0x38;
	[tilespmem:$0x1B800] =	vst v63  }
0xa7: {  	s25 =	sadd.s32 $0x1, s25;
	_ =	swait.ge [sflag:s16], $0x1000  }
0xa8: {  	p0 =	sne.s32 s25, s14;
	[sflag:s16] =	ssyncset.done $0x0  }
.Ltmp3:
0xa9: {  	[sflag:s16] =	ssyncadd.s32 $0xFFFFF000;
	(pc) =	sbr.rel @p0 .LBB2_1-.Ltmp3, $4  }
0xaa: {  	[hbm4b:s24+s3] =	stream.linear.scatter [tilespmem:s17], [sflag:$0x1], $0x1000, $0x38;
	[tilespmem:$0x1B800] =	vst v63  }
0xab: {  	_ =	swait.ge [sflag:s16], $0x1000  }
0xac: {  	[sflag:s16] =	ssyncset.done $0x0  }
0xad: {  	[sflag:s16] =	ssyncadd.s32 $0xFFFFF000  }
0xae: {  	_ =	sfence.sel $0x180000  }
0xaf: {  	[bflag:$0x0] =	sbarrier.arrive $0xFFFF  }
0xb0: {  	p0 =	sne.s32 s1, $0x0;
	_ =	strace $0x9000004A  }
0xb1: {  	s0 =	sadd.s32 @!p0 $0x100000, s0;
	[bflag:$0x2] =	sbarrier.arrive $0xFFFF  }
0xb2: {  	[sflag:s0] =	ssyncadd.tile.s32 @!p0 $0x1;
	_ =	shalt  }
.Lfunc_end2:
_tile_overlayer_lowered:
.L_overlay_start_2:
0xb3: {  	(tag) =	ssettag $0x2  }
0xb4: {  	s0 =	rddreg [dreg:$0x0];
	s2 =	stileid.u32  }
0xb5: {  	s1 =	rddreg [dreg:$0x1];
	p0 =	sne.s32 s2, $0x0  }
0xb6: {  	s3 =	rddreg [dreg:$0x2];
	[bflag:$0x3] =	sbarrier.arrive $0xFFFF;
	s2 =	simm.s32 @!p0 $0x1C01  }
0xb7: {  	[timem:s3], [sflag:s2] =	dma.local @!p0 [hbm:s0], s1  }
0xb8: {  	s0 =	simm.s32 @!p0 $0x1  }
0xb9: {  	_ =	swait.ge @!p0 [sflag:s0], s1  }
0xba: {  	s1 =	ssub.s32 @!p0 $0x0, s1;
	[sflag:s0] =	ssyncset.done @!p0 $0x0  }
0xbb: {  	[sflag:s0] =	ssyncadd.s32 @!p0 s1  }
0xbc: {  	[bflag:$0x3] =	sbarrier.arrive $0xFFFF  }
0xbd: {  	_ =	shalt  }

// kernel: kernel.14.cloned.1.call-start
scs
__scs_entry_jumppad:
0x0: {  	(pc) =	sbr.rel $0x88, $3  }
0x1: {  	(tag) =	ssettag $0x0;
	lr =	simm.s32 $0x1  }
0x2: {  	[smem:$0x3F98] =	sst lr;
	_ =	strace $0xD0000000  }
0x3: {  	_ = 	snop  }
0x4: {  	_ = 	snop  }
0x5: {  	_ = 	snop  }
0x6: {  	_ = 	snop  }
0x7: {  	_ = 	snop  }
__scs_overlays_trampoline_lowered:
0x8: {  	[smem:$0x3FA7] =	sst s0  }
0x9: {  	[smem:$0x3FA8] =	sst s1  }
0xa: {  	[smem:$0x3FA9] =	sst s2  }
0xb: {  	[smem:$0x3FAA] =	sst s3  }
0xc: {  	[smem:$0x3FAB] =	sst s4  }
0xd: {  	[smem:$0x3FAC] =	sst s5  }
0xe: {  	[smem:$0x3FAD] =	sst s6  }
0xf: {  	[smem:$0x3FAE] =	sst s7  }
0x10: {  	[smem:$0x3FAF] =	sst s8  }
0x11: {  	[smem:$0x3FB0] =	sst s9;
	s0 =	simm.s32 @!p0 $0x0  }
0x12: {  	s1 =	sld [smem:$0x3F96];
	s0 =	simm.s32 @p0 $0x1  }
0x13: {  	[smem:$0x3FB1] =	sst s0;
	s0 =	simm.s32 @!p1 $0x0  }
0x14: {  	s2 =	sld [smem:$0x3F95];
	s0 =	simm.s32 @p1 $0x1  }
0x15: {  	[smem:$0x3FB2] =	sst s0;
	s0 =	simm.s32 @!p2 $0x0  }
0x16: {  	s3 =	sld [smem:$0x3FDB];
	s0 =	simm.s32 @p2 $0x1  }
0x17: {  	s4 =	simm.s32 $0x1BF5;
	[smem:$0x3FB4] =	sst s0  }
0x18: {  	s0 =	sld [smem:$0x3F97];
	_ =	swait.ge [sflag:s4], $0x0  }
0x19: {  	s7 =	sld [smem:$0x3F98]  }
0x1a: {  	s8 =	sadd.s32 $0xFFFFE003, lr  }
0x1b: {  	s9 =	sadd.s32 $0xFFFFFEF7, lr;
	s5 =	simm.s32 $0xFFFFFFFF;
	p2 =	slt.u32 s8, $0xFFFFF086  }
0x1c: {  	p1 =	slt.u32 s9, $0xF7A;
	s5 =	simm.s32 @!p2 $0x0  }
0x1d: {  	s5 =	simm.s32 @p1 $0x1;
	p0 =	seq.s32 s7, s2  }
0x1e: {  	s7 =	smul.u32 @!p0 $0xF7A, s2;
	p2 =	seq.s32 @!p0 s5, $0x0  }
0x1f: {  	s9 =	smul.u32 $0xF7A, s1;
	s8 =	simm.s32 @!p0 $0x1BF5;
	p2 =	por !p2, p0  }
0x20: {  	[sflag:s8] =	ssyncset.s32 @!p0 $0xFFFFF086;
	s6 =	sadd.s32 @!p0 s3, s7;
	s7 =	simm.s32 @!p0 $0x108  }
0x21: {  	s3 =	sadd.s32 s3, s9;
	s6 =	sadd.s32 @!p0 $0x88, s6;
	s7 =	simm.s32 @p2 $0x1082  }
0x22: {  	[simem:s7], [sflag:s8] =	dma.local @!p0 [hbm:s6], $0xF7A  }
0x23: {  	s9 =	sor.u32 $0xD0000000, s2;
	s6 =	simm.s32 $0x108;
	_ =	swait.ge @!p0 [sflag:s8], $0x0  }
0x24: {  	s3 =	sadd.s32 $0x88, s3;
	s6 =	simm.s32 @!p1 $0x1082;
	[sflag:s4] =	ssyncset.s32 $0xFFFFF086  }
0x25: {  	[simem:s6], [sflag:s4] =	dma.local [hbm:s3], $0xF7A  }
0x26: {  	[smem:$0x3F98] =	sst s1;
	(tag) =	ssettag s2;
	_ =	strace s9  }
0x27: {  	s1 =	sld [smem:$0x3FA8]  }
0x28: {  	s2 =	sld [smem:$0x3FA9]  }
0x29: {  	s4 =	sld [smem:$0x3FAB]  }
0x2a: {  	p0 =	seq.s32 s5, $0x0;
	s5 =	sld [smem:$0x3FAC]  }
0x2b: {  	s6 =	sld [smem:$0x3FAD]  }
0x2c: {  	s7 =	sld [smem:$0x3FAE]  }
0x2d: {  	s3 =	simm.s32 $0x108;
	s8 =	sld [smem:$0x3FAF]  }
0x2e: {  	s3 =	simm.s32 @!p0 $0x1082;
	s9 =	sld [smem:$0x3FB0]  }
0x2f: {  	lr =	sadd.s32 s0, s3;
	s0 =	sld [smem:$0x3FA7]  }
0x30: {  	s3 =	sld [smem:$0x3FAA]  }
0x31: {  	[smem:$0x3FB3] =	sst s10  }
0x32: {  	s10 =	sld [smem:$0x3FB1];
	_ =	sdelay $0x3  }
0x33: {  	p0 =	seq.s32 s10, $0x1;
	s10 =	sld [smem:$0x3FB3];
	_ =	sdelay $0x3  }
0x34: {  	[smem:$0x3FB3] =	sst s10  }
0x35: {  	s10 =	sld [smem:$0x3FB2];
	_ =	sdelay $0x3  }
0x36: {  	p1 =	seq.s32 s10, $0x1;
	s10 =	sld [smem:$0x3FB3];
	_ =	sdelay $0x3  }
0x37: {  	[smem:$0x3FB3] =	sst s10  }
0x38: {  	s10 =	sld [smem:$0x3FB4]  }
0x39: {  	_ = 	snop;
	(pc) =	sbr.ind lr, $3  }
0x3a: {  	_ = 	snop  }
0x3b: {  	_ = 	snop  }
0x3c: {  	p2 =	seq.s32 s10, $0x1;
	s10 =	sld [smem:$0x3FB3]  }
0x3d: {  	_ =	shalt  }
0x3e: {  	_ =	shalt  }
0x3f: {  	_ =	shalt  }
0x40: {  	_ =	shalt  }
0x41: {  	_ =	shalt  }
0x42: {  	_ =	shalt  }
0x43: {  	_ =	shalt  }
0x44: {  	_ =	shalt  }
0x45: {  	_ =	shalt  }
0x46: {  	_ =	shalt  }
0x47: {  	_ =	shalt  }
0x48: {  	_ =	shalt  }
0x49: {  	_ =	shalt  }
0x4a: {  	_ =	shalt  }
0x4b: {  	_ =	shalt  }
0x4c: {  	_ =	shalt  }
0x4d: {  	_ =	shalt  }
0x4e: {  	_ =	shalt  }
0x4f: {  	_ =	shalt  }
0x50: {  	_ =	shalt  }
0x51: {  	_ =	shalt  }
0x52: {  	_ =	shalt  }
0x53: {  	_ =	shalt  }
0x54: {  	_ =	shalt  }
0x55: {  	_ =	shalt  }
0x56: {  	_ =	shalt  }
0x57: {  	_ =	shalt  }
0x58: {  	_ =	shalt  }
0x59: {  	_ =	shalt  }
0x5a: {  	_ =	shalt  }
0x5b: {  	_ =	shalt  }
0x5c: {  	_ =	shalt  }
0x5d: {  	_ =	shalt  }
0x5e: {  	_ =	shalt  }
0x5f: {  	_ =	shalt  }
0x60: {  	_ =	shalt  }
0x61: {  	_ =	shalt  }
0x62: {  	_ =	shalt  }
0x63: {  	_ =	shalt  }
0x64: {  	_ =	shalt  }
0x65: {  	_ =	shalt  }
0x66: {  	_ =	shalt  }
0x67: {  	_ =	shalt  }
0x68: {  	_ =	shalt  }
0x69: {  	_ =	shalt  }
0x6a: {  	_ =	shalt  }
0x6b: {  	_ =	shalt  }
0x6c: {  	_ =	shalt  }
0x6d: {  	_ =	shalt  }
0x6e: {  	_ =	shalt  }
0x6f: {  	_ =	shalt  }
0x70: {  	_ =	shalt  }
0x71: {  	_ =	shalt  }
0x72: {  	_ =	shalt  }
0x73: {  	_ =	shalt  }
0x74: {  	_ =	shalt  }
0x75: {  	_ =	shalt  }
0x76: {  	_ =	shalt  }
0x77: {  	_ =	shalt  }
0x78: {  	_ =	shalt  }
0x79: {  	_ =	shalt  }
0x7a: {  	_ =	shalt  }
0x7b: {  	_ =	shalt  }
0x7c: {  	_ =	shalt  }
0x7d: {  	_ =	shalt  }
0x7e: {  	_ =	shalt  }
0x7f: {  	_ =	shalt  }
0x80: {  	_ =	shalt  }
0x81: {  	_ =	shalt  }
0x82: {  	_ =	shalt  }
0x83: {  	_ =	shalt  }
0x84: {  	_ =	shalt  }
0x85: {  	_ =	shalt  }
0x86: {  	_ =	shalt  }
0x87: {  	_ =	shalt  }
.Lfunc_end0:
.L_simem_size_0:
called_computation.2_lowered:
.L_overlay_start_0:
0x88: {  	s2 =	sld [smem:$0x3FD9]  }
0x89: {  	s3 =	sld [smem:$0x3FFE];
	_ =	sdelay $0x1  }
0x8a: {  	s1 =	srdreg.scid  }
0x8b: {  	s0 =	sand.u32 $0x1, s1  }
0x8c: {  	s16 =	sshll.u32 s0, $0xA;
	s2 =	sadd.s32 s3, s2  }
0x8d: {  	s2 =	sadd.s32 s2, s16  }
0x8e: {  	[smem:$0x3FBF] =	sst s2  }
0x8f: {  	_ = 	snop  }
0x90: {  	(tm) =	ssettm $0x1  }
0x91: {  	s17 =	sld [smem:$0x3FFB];
	_ =	sdelay $0x3  }
0x92: {  	_ =	strace s17  }
0x93: {  	s2 =	sld [smem:$0x3FFC];
	_ =	sdelay $0x3  }
0x94: {  	_ =	strace s2  }
0x95: {  	s2 =	sld [smem:$0x3FFD];
	_ =	sdelay $0x3  }
0x96: {  	_ =	strace s2  }
0x97: {  	_ =	strace $0x8FFFFFFF  }
0x98: {  	s18 =	sld [smem:$0x3FDB];
	_ =	sdelay $0x1  }
0x99: {  	s19 =	simm.s32 $_scs_section_size  }
0x9a: {  	s4 =	simm.s32 $_size__tile_overlayer_lowered;
	s5 =	simm.s32 $_tile_overlayer_lowered  }
0x9b: {  	s22 =	simm.s32 $0x1BFF;
	s21 =	sshll.u32 s5, $0x1;
	s2 =	sadd.s32 s19, s18  }
0x9c: {  	s6 =	simm.s32 $0x0;
	s20 =	sshll.u32 s4, $0x1;
	s4 =	sadd.s32 s21, s2  }
0x9d: {  	[timem:s6], [sflag:s22] =	dma.local [hbm:s4], s20  }
0x9e: {  	_ =	swait.ge [sflag:s22], s20  }
0x9f: {  	s3 =	ssub.s32 $0x0, s20;
	[sflag:s22] =	ssyncset.done $0x0  }
0xa0: {  	[sflag:s22] =	ssyncadd.s32 s3;
	_ =	sdelay $0x1  }
0xa1: {  	s23 =	simm.s32 $0x1B8B  }
0xa2: {  	_ =	swait.ge [sflag:s23], $0x1  }
0xa3: {  	[sflag:s23] =	ssyncset.done $0x0  }
0xa4: {  	s25 =	simm.s32 $0x1B8E;
	s24 =	sld [smem:$0x3FFE];
	[sflag:s23] =	ssyncadd.s32 $0xFFFFFFFF  }
0xa5: {  	s26 =	simm.s32 $execute0_lowered;
	[smem:$0x3FD2] =	sst s25  }
0xa6: {  	s4 =	sshll.u32 s26, $0x1;
	_ =	strace $0x8000004C;
	[dreg:$0x1] =	wrdreg $0xFFFFFFFF  }
0xa7: {  	s28 =	simm.s32 $_size_execute0_lowered;
	s2 =	sadd.s32 s2, s4;
	[dreg:$0x0] =	wrdreg $0x0  }
0xa8: {  	s4 =	sshll.u32 s28, $0x1;
	[dreg:$0x2] =	wrdreg s2  }
0xa9: {  	[dreg:$0x3] =	wrdreg s4  }
0xaa: {  	[dreg:$0x4] =	wrdreg $0xC0  }
0xab: {  	_ =	task [dreg:s6], $0x5FFFF  }
0xac: {  	[dreg:$0x1] =	wrdreg $0xFFFFFFFF  }
0xad: {  	[dreg:$0x0] =	wrdreg $0x60  }
0xae: {  	[dreg:$0x2] =	wrdreg s24  }
0xaf: {  	[dreg:$0x3] =	wrdreg $0x7C000  }
0xb0: {  	[dreg:$0x4] =	wrdreg $0x9  }
0xb1: {  	_ =	task.clear_ibuf [dreg:s6], $0x5FFFF;
	_ =	strace $0x9000004C  }
0xb2: {  	s29 =	simm.s32 $0x9;
	_ =	strace $0x8000004E  }
0xb3: {  	_ =	swait.ge [sflag:s29], $0x1  }
0xb4: {  	[sflag:s29] =	ssyncadd.s32 $0xFFFFFFFF  }
0xb5: {  	_ =	strace $0x9000004E  }
0xb6: {  	_ =	sfence  }
0xb7: {  	s30 =	sld [smem:$0x0];
	_ =	sdelay $0x2  }
0xb8: {  	s31 =	sshll.u32 s1, $0xD;
	s1 =	sshrl.u32 s1, $0x2  }
0xb9: {  	s3 =	sand.u32 $0x4000, s31;
	s1 =	sadd.s32 s1, s30  }
0xba: {  	s0 =	sor.u32 s3, s0;
	s1 =	sshll.u32 s1, $0x11  }
0xbb: {  	s0 =	sor.u32 s1, s0  }
0xbc: {  	s0 =	sadd.s32 $0x8F2B, s0  }
0xbd: {  	[sflag:s0] =	ssyncadd.remote.s32 $0x1  }
0xbe: {  	_ =	sfence.sel $0xFFFF  }
0xbf: {  	[dreg:$0x0] =	wrdreg $0xFFFFFFFF;
	(pc) =	sbr.abs _section_cstart, $3  }
0xc0: {  	[dreg:$0x1] =	wrdreg $0xFFFFFFFF  }
0xc1: {  	_ =	task.clear_ibuf [dreg:s6], $0x2FFFF;
	_ =	strace $0x9FFFFFFF  }
0xc2: {  	(tm) =	ssettm $0x7FFFFFFF  }
0xc3: {  	_ =	shalt  }
tec
execute0_lowered:
.L_overlay_start_1:
0x0: {  	(tag) =	ssettag $0x1  }
0x1: {  	s0 =	srdreg.scid;
	s5 =	rddreg [dreg:$0x0]  }
0x2: {  	s2 =	rddreg [dreg:$0x1];
	s1 =	stileid.u32;
	s3 =	simm.s32 $0x0  }
0x3: {  	s6 =	sand.u32 $0x1, s0;
	s0 =	rddreg [dreg:$0x2];
	s9 =	smul.u32 $0x278, s1  }
0x4: {  	[smem:$0x7FF] =	sst s3;
	s28 =	smul.u32 $0x4F000, s1  }
0x5: {  	s21 =	smul.u32 $0x2780, s1;
	s4 =	sshll.u32 s6, $0x4;
	_ =	strace $0x8000004D  }
0x6: {  	s8 =	smul.u32 $0x27800, s6;
	s6 =	ssub.s32 $0x2, s6;
	s4 =	sor.u32 s1, s4  }
0x7: {  	s26 =	sshrl.u32 s6, $0x1;
	s16 =	sadd.s32 $0x78, s9;
	s17 =	sadd.s32 $0xF0, s9  }
0x8: {  	s18 =	sadd.s32 $0x168, s9;
	s19 =	sadd.s32 $0x1E0, s9;
	s20 =	sadd.s32 $0x258, s9  }
0x9: {  	s7 =	smul.u32 $0x2800, s4;
	s4 =	sadd.s32 $0x2200, s5;
	s14 =	sadd.s32 s8, s5  }
0xa: {  	s15 =	ssub.s32 s6, s26;
	s6 =	sshrl.u32 s28, $0x2;
	s29 =	sshll.u32 s16, $0x7  }
0xb: {  	s30 =	sshll.u32 s17, $0x7;
	s31 =	sshll.u32 s18, $0x7;
	s10 =	sshll.u32 s19, $0x7  }
0xc: {  	s11 =	sshll.u32 s20, $0x7;
	s22 =	sshll.u32 s16, $0x4;
	s23 =	sshll.u32 s17, $0x4  }
0xd: {  	s25 =	sshll.u32 s18, $0x4;
	s26 =	sshll.u32 s19, $0x4;
	s28 =	sshll.u32 s20, $0x4  }
0xe: {  	s16 =	simm.s32 $0x1;
	s17 =	simm.s32 $0x3C00;
	s18 =	simm.s32 $0x7D  }
0xf: {  	s6 =	sadd.s32 s6, s2;
	s8 =	sadd.s32 s30, s2;
	s9 =	sadd.s32 s31, s2  }
0x10: {  	s10 =	sadd.s32 s10, s2;
	s11 =	sadd.s32 s11, s2;
	s24 =	sadd.s32 $0x6F000, s14  }
0x11: {  	s14 =	smax.u32 s15, $0x1;
	s15 =	simm.s32 $0x1400;
	s7 =	sshrl.u32 s7, $0x3  }
0x12: {  	s19 =	sadd.s32 s21, s24;
	s20 =	sadd.s32 s22, s24;
	s21 =	sadd.s32 s23, s24  }
0x13: {  	s22 =	sadd.s32 s25, s24;
	s23 =	sadd.s32 s26, s24;
	s24 =	sadd.s32 s28, s24  }
0x14: {  	s25 =	simm.s32 $0x0;
	s13 =	sadd.s32 s7, s5;
	s7 =	sadd.s32 s29, s2  }
0x15: {  	v0 =	vimm.f32 $0.0e+00;
	s5 =	sadd.s32 $0x5B000, s13;
	s12 =	sadd.s32 $0x65000, s13;
	s13 =	sadd.s32 $0x65280, s13  }
.LBB2_1:
0x16: {  	[tilespmem:s15], [sflag:$0x1] =	stream.linear.gather [hbm4b:s5+s3], $0x2800, $0x38;
	[tilespmem:$0x1B800] =	vst v63  }
0x17: {  	_ =	swait.ge [sflag:s16], $0x2800  }
0x18: {  	[sflag:s16] =	ssyncset.done $0x0  }
0x19: {  	s26 =	simm.s32 $0x0;
	s28 =	simm.s32 $0x200;
	[sflag:s16] =	ssyncadd.s32 $0xFFFFD800  }
.LBB2_2:
0x1a: {  	p0 =	sne.s32 s28, $0xF800;
	[tilespmem:s26+$0x3C70] =	vst v0  }
0x1b: {  	[tilespmem:s26+$0x3C00] =	vst v0  }
0x1c: {  	[tilespmem:s26+$0x3C10] =	vst v0  }
.Ltmp0:
0x1d: {  	[tilespmem:s26+$0x3C20] =	vst v0;
	(pc) =	sbr.rel @p0 .LBB2_2-.Ltmp0, $4  }
0x1e: {  	[tilespmem:s26+$0x3C30] =	vst v0  }
0x1f: {  	[tilespmem:s26+$0x3C40] =	vst v0  }
0x20: {  	[tilespmem:s26+$0x3C50] =	vst v0  }
0x21: {  	[tilespmem:s26+$0x3C60] =	vst v0;
	s26 =	sshra.s32 s28, $0x2;
	s28 =	sadd.s32 $0x200, s28  }
0x22: {  	[tilespmem:s26+$0x3C70] =	vst v0  }
0x23: {  	[tilespmem:s26+$0x3C00] =	vst v0  }
0x24: {  	[tilespmem:s26+$0x3C10] =	vst v0  }
0x25: {  	[tilespmem:s26+$0x3C20] =	vst v0  }
0x26: {  	[tilespmem:s26+$0x3C30] =	vst v0  }
0x27: {  	[tilespmem:s26+$0x3C40] =	vst v0  }
0x28: {  	[tilespmem:s26+$0x3C50] =	vst v0  }
0x29: {  	[tilespmem:s26+$0x3C60] =	vst v0  }
0x2a: {  	[spmem:s6] =	stream.linear.scatter [tilespmem:s17], [sflag:$0x1], $0x3C00, $0x38;
	[tilespmem:$0x1B800] =	vst v63  }
0x2b: {  	_ =	swait.ge [sflag:s16], $0x3C00  }
0x2c: {  	[sflag:s16] =	ssyncset.done $0x0  }
0x2d: {  	[sflag:s16] =	ssyncadd.s32 $0xFFFFC400  }
0x2e: {  	[spmem:s7] =	stream.linear.scatter [tilespmem:s17], [sflag:$0x1], $0x3C00, $0x38;
	[tilespmem:$0x1B800] =	vst v63  }
0x2f: {  	_ =	swait.ge [sflag:s16], $0x3C00  }
0x30: {  	[sflag:s16] =	ssyncset.done $0x0  }
0x31: {  	[sflag:s16] =	ssyncadd.s32 $0xFFFFC400  }
0x32: {  	[spmem:s8] =	stream.linear.scatter [tilespmem:s17], [sflag:$0x1], $0x3C00, $0x38;
	[tilespmem:$0x1B800] =	vst v63  }
0x33: {  	_ =	swait.ge [sflag:s16], $0x3C00  }
0x34: {  	[sflag:s16] =	ssyncset.done $0x0  }
0x35: {  	[sflag:s16] =	ssyncadd.s32 $0xFFFFC400  }
0x36: {  	[spmem:s9] =	stream.linear.scatter [tilespmem:s17], [sflag:$0x1], $0x3C00, $0x38;
	[tilespmem:$0x1B800] =	vst v63  }
0x37: {  	_ =	swait.ge [sflag:s16], $0x3C00  }
0x38: {  	[sflag:s16] =	ssyncset.done $0x0  }
0x39: {  	[sflag:s16] =	ssyncadd.s32 $0xFFFFC400  }
0x3a: {  	[spmem:s10] =	stream.linear.scatter [tilespmem:s17], [sflag:$0x1], $0x3C00, $0x38;
	[tilespmem:$0x1B800] =	vst v63  }
0x3b: {  	_ =	swait.ge [sflag:s16], $0x3C00  }
0x3c: {  	[sflag:s16] =	ssyncset.done $0x0  }
0x3d: {  	[sflag:s16] =	ssyncadd.s32 $0xFFFFC400  }
0x3e: {  	[spmem:s11] =	stream.linear.scatter [tilespmem:s17], [sflag:$0x1], $0x1000, $0x38;
	[tilespmem:$0x1B800] =	vst v63  }
0x3f: {  	_ =	swait.ge [sflag:s16], $0x1000  }
0x40: {  	[sflag:s16] =	ssyncset.done $0x0  }
0x41: {  	[sflag:s16] =	ssyncadd.s32 $0xFFFFF000  }
0x42: {  	s29 =	simm.s32 $0x0;
	[bflag:$0x0] =	sbarrier.arrive $0xFFFF  }
0x43: {  	[tilespmem:s29], [sflag:$0x1] =	stream.linear.gather [hbm4b:s12+s29], $0x1400, $0x38;
	[tilespmem:$0x1B800] =	vst v63  }
0x44: {  	_ =	swait.ge [sflag:s16], $0x1400  }
0x45: {  	[sflag:s16] =	ssyncset.done $0x0  }
0x46: {  	s30 =	simm.s32 $0x0;
	[sflag:s16] =	ssyncadd.s32 $0xFFFFEC00  }
0x47: {  	[tilespmem:s17], [sflag:$0x1] =	stream.indirect.gather [hbm4b:s4+s18], $0x80, s30, s18, $0xb8;
	[tilespmem:$0x1B800] =	vst v63  }
0x48: {  	_ =	swait.ge [sflag:s16], $0x3E80  }
0x49: {  	[sflag:s16] =	ssyncset.done $0x0  }
0x4a: {  	s31 =	simm.s32 $0x1400;
	[sflag:s16] =	ssyncadd.s32 $0xFFFFC180  }
0x4b: {  	[spmem:s2] =	stream.indirect.scatter.add.f32 [tilespmem:s17], [sflag:$0x1], $0x80, s31, s18, $0xb8;
	[tilespmem:$0x1B800] =	vst v63  }
0x4c: {  	_ =	swait.ge [sflag:s16], $0x3E80  }
0x4d: {  	s26 =	simm.s32 $0x200;
	s28 =	simm.s32 $0x400;
	[sflag:s16] =	ssyncset.done $0x0  }
.LBB2_4:
0x4e: {  	s29 =	sshra.s32 s26, $0x2  }
0x4f: {  	[sflag:s16] =	ssyncadd.s32 $0xFFFFC180;
	s26 =	smov.u32 s28;
	s30 =	sadd.s32 $0x200, s28  }
0x50: {  	[tilespmem:s17], [sflag:$0x1] =	stream.indirect.gather [hbm4b:s4+s18], $0x80, s29, s18, $0xb8;
	[tilespmem:$0x1B800] =	vst v63  }
0x51: {  	p0 =	sne.s32 s28, $0x4E00;
	_ =	swait.ge [sflag:s16], $0x3E80  }
.Ltmp1:
0x52: {  	[sflag:s16] =	ssyncset.done $0x0;
	(pc) =	sbr.rel @p0 .LBB2_4-.Ltmp1, $4  }
0x53: {  	s28 =	sadd.s32 $0x1400, s29;
	[sflag:s16] =	ssyncadd.s32 $0xFFFFC180  }
0x54: {  	[spmem:s2] =	stream.indirect.scatter.add.f32 [tilespmem:s17], [sflag:$0x1], $0x80, s28, s18, $0xb8;
	[tilespmem:$0x1B800] =	vst v63  }
0x55: {  	_ =	swait.ge [sflag:s16], $0x3E80  }
0x56: {  	s28 =	smov.u32 s30;
	[sflag:s16] =	ssyncset.done $0x0  }
0x57: {  	s26 =	sshra.s32 s26, $0x2;
	[sflag:s16] =	ssyncadd.s32 $0xFFFFC180  }
0x58: {  	[tilespmem:s17], [sflag:$0x1] =	stream.indirect.gather [hbm4b:s4+s18], $0x80, s26, s18, $0xb8;
	[tilespmem:$0x1B800] =	vst v63  }
0x59: {  	_ =	swait.ge [sflag:s16], $0x3E80  }
0x5a: {  	[sflag:s16] =	ssyncset.done $0x0  }
0x5b: {  	s26 =	sadd.s32 $0x1400, s26;
	[sflag:s16] =	ssyncadd.s32 $0xFFFFC180  }
0x5c: {  	[spmem:s2] =	stream.indirect.scatter.add.f32 [tilespmem:s17], [sflag:$0x1], $0x80, s26, s18, $0xb8;
	[tilespmem:$0x1B800] =	vst v63  }
0x5d: {  	_ =	swait.ge [sflag:s16], $0x3E80  }
0x5e: {  	[sflag:s16] =	ssyncset.done $0x0  }
0x5f: {  	s29 =	simm.s32 $0x0;
	[sflag:s16] =	ssyncadd.s32 $0xFFFFC180  }
0x60: {  	[tilespmem:s29], [sflag:$0x1] =	stream.linear.gather [hbm4b:s13+s29], $0x1400, $0x38;
	[tilespmem:$0x1B800] =	vst v63  }
0x61: {  	_ =	swait.ge [sflag:s16], $0x1400  }
0x62: {  	[sflag:s16] =	ssyncset.done $0x0  }
0x63: {  	s30 =	simm.s32 $0x0;
	[sflag:s16] =	ssyncadd.s32 $0xFFFFEC00  }
0x64: {  	[tilespmem:s17], [sflag:$0x1] =	stream.indirect.gather [hbm4b:s4+s18], $0x80, s30, s18, $0xb8;
	[tilespmem:$0x1B800] =	vst v63  }
0x65: {  	_ =	swait.ge [sflag:s16], $0x3E80  }
0x66: {  	[sflag:s16] =	ssyncset.done $0x0  }
0x67: {  	s31 =	simm.s32 $0x2800;
	[sflag:s16] =	ssyncadd.s32 $0xFFFFC180  }
0x68: {  	[spmem:s2] =	stream.indirect.scatter.add.f32 [tilespmem:s17], [sflag:$0x1], $0x80, s31, s18, $0xb8;
	[tilespmem:$0x1B800] =	vst v63  }
0x69: {  	_ =	swait.ge [sflag:s16], $0x3E80  }
0x6a: {  	s28 =	simm.s32 $0x400;
	s26 =	simm.s32 $0x200;
	[sflag:s16] =	ssyncset.done $0x0  }
.LBB2_6:
0x6b: {  	s29 =	sshra.s32 s26, $0x2  }
0x6c: {  	[sflag:s16] =	ssyncadd.s32 $0xFFFFC180;
	s26 =	smov.u32 s28;
	s30 =	sadd.s32 $0x200, s28  }
0x6d: {  	[tilespmem:s17], [sflag:$0x1] =	stream.indirect.gather [hbm4b:s4+s18], $0x80, s29, s18, $0xb8;
	[tilespmem:$0x1B800] =	vst v63  }
0x6e: {  	p0 =	sne.s32 s28, $0x4E00;
	_ =	swait.ge [sflag:s16], $0x3E80  }
.Ltmp2:
0x6f: {  	[sflag:s16] =	ssyncset.done $0x0;
	(pc) =	sbr.rel @p0 .LBB2_6-.Ltmp2, $4  }
0x70: {  	s28 =	sadd.s32 $0x2800, s29;
	[sflag:s16] =	ssyncadd.s32 $0xFFFFC180  }
0x71: {  	[spmem:s2] =	stream.indirect.scatter.add.f32 [tilespmem:s17], [sflag:$0x1], $0x80, s28, s18, $0xb8;
	[tilespmem:$0x1B800] =	vst v63  }
0x72: {  	_ =	swait.ge [sflag:s16], $0x3E80  }
0x73: {  	s28 =	smov.u32 s30;
	[sflag:s16] =	ssyncset.done $0x0  }
0x74: {  	s26 =	sshra.s32 s26, $0x2;
	[sflag:s16] =	ssyncadd.s32 $0xFFFFC180  }
0x75: {  	[tilespmem:s17], [sflag:$0x1] =	stream.indirect.gather [hbm4b:s4+s18], $0x80, s26, s18, $0xb8;
	[tilespmem:$0x1B800] =	vst v63  }
0x76: {  	_ =	swait.ge [sflag:s16], $0x3E80  }
0x77: {  	[sflag:s16] =	ssyncset.done $0x0  }
0x78: {  	s26 =	sadd.s32 $0x2800, s26;
	[sflag:s16] =	ssyncadd.s32 $0xFFFFC180  }
0x79: {  	[spmem:s2] =	stream.indirect.scatter.add.f32 [tilespmem:s17], [sflag:$0x1], $0x80, s26, s18, $0xb8;
	[tilespmem:$0x1B800] =	vst v63  }
0x7a: {  	_ =	swait.ge [sflag:s16], $0x3E80  }
0x7b: {  	[sflag:s16] =	ssyncset.done $0x0  }
0x7c: {  	[sflag:s16] =	ssyncadd.s32 $0xFFFFC180  }
0x7d: {  	[bflag:$0x0] =	sbarrier.arrive $0xFFFF  }
0x7e: {  	[tilespmem:s17], [sflag:$0x1] =	stream.linear.gather [spmem:s6], $0x3C00, $0x38;
	[tilespmem:$0x1B800] =	vst v63  }
0x7f: {  	_ =	swait.ge [sflag:s16], $0x3C00  }
0x80: {  	[sflag:s16] =	ssyncset.done $0x0  }
0x81: {  	[sflag:s16] =	ssyncadd.s32 $0xFFFFC400  }
0x82: {  	[hbm4b:s19+s3] =	stream.linear.scatter [tilespmem:s17], [sflag:$0x1], $0x3C00, $0x38;
	[tilespmem:$0x1B800] =	vst v63  }
0x83: {  	_ =	swait.ge [sflag:s16], $0x3C00  }
0x84: {  	[sflag:s16] =	ssyncset.done $0x0  }
0x85: {  	[sflag:s16] =	ssyncadd.s32 $0xFFFFC400  }
0x86: {  	[tilespmem:s17], [sflag:$0x1] =	stream.linear.gather [spmem:s7], $0x3C00, $0x38;
	[tilespmem:$0x1B800] =	vst v63  }
0x87: {  	_ =	swait.ge [sflag:s16], $0x3C00  }
0x88: {  	[sflag:s16] =	ssyncset.done $0x0  }
0x89: {  	[sflag:s16] =	ssyncadd.s32 $0xFFFFC400  }
0x8a: {  	[hbm4b:s20+s3] =	stream.linear.scatter [tilespmem:s17], [sflag:$0x1], $0x3C00, $0x38;
	[tilespmem:$0x1B800] =	vst v63  }
0x8b: {  	_ =	swait.ge [sflag:s16], $0x3C00  }
0x8c: {  	[sflag:s16] =	ssyncset.done $0x0  }
0x8d: {  	[sflag:s16] =	ssyncadd.s32 $0xFFFFC400  }
0x8e: {  	[tilespmem:s17], [sflag:$0x1] =	stream.linear.gather [spmem:s8], $0x3C00, $0x38;
	[tilespmem:$0x1B800] =	vst v63  }
0x8f: {  	_ =	swait.ge [sflag:s16], $0x3C00  }
0x90: {  	[sflag:s16] =	ssyncset.done $0x0  }
0x91: {  	[sflag:s16] =	ssyncadd.s32 $0xFFFFC400  }
0x92: {  	[hbm4b:s21+s3] =	stream.linear.scatter [tilespmem:s17], [sflag:$0x1], $0x3C00, $0x38;
	[tilespmem:$0x1B800] =	vst v63  }
0x93: {  	_ =	swait.ge [sflag:s16], $0x3C00  }
0x94: {  	[sflag:s16] =	ssyncset.done $0x0  }
0x95: {  	[sflag:s16] =	ssyncadd.s32 $0xFFFFC400  }
0x96: {  	[tilespmem:s17], [sflag:$0x1] =	stream.linear.gather [spmem:s9], $0x3C00, $0x38;
	[tilespmem:$0x1B800] =	vst v63  }
0x97: {  	_ =	swait.ge [sflag:s16], $0x3C00  }
0x98: {  	[sflag:s16] =	ssyncset.done $0x0  }
0x99: {  	[sflag:s16] =	ssyncadd.s32 $0xFFFFC400  }
0x9a: {  	[hbm4b:s22+s3] =	stream.linear.scatter [tilespmem:s17], [sflag:$0x1], $0x3C00, $0x38;
	[tilespmem:$0x1B800] =	vst v63  }
0x9b: {  	_ =	swait.ge [sflag:s16], $0x3C00  }
0x9c: {  	[sflag:s16] =	ssyncset.done $0x0  }
0x9d: {  	[sflag:s16] =	ssyncadd.s32 $0xFFFFC400  }
0x9e: {  	[tilespmem:s17], [sflag:$0x1] =	stream.linear.gather [spmem:s10], $0x3C00, $0x38;
	[tilespmem:$0x1B800] =	vst v63  }
0x9f: {  	_ =	swait.ge [sflag:s16], $0x3C00  }
0xa0: {  	[sflag:s16] =	ssyncset.done $0x0  }
0xa1: {  	[sflag:s16] =	ssyncadd.s32 $0xFFFFC400  }
0xa2: {  	[hbm4b:s23+s3] =	stream.linear.scatter [tilespmem:s17], [sflag:$0x1], $0x3C00, $0x38;
	[tilespmem:$0x1B800] =	vst v63  }
0xa3: {  	_ =	swait.ge [sflag:s16], $0x3C00  }
0xa4: {  	[sflag:s16] =	ssyncset.done $0x0  }
0xa5: {  	[sflag:s16] =	ssyncadd.s32 $0xFFFFC400  }
0xa6: {  	[tilespmem:s17], [sflag:$0x1] =	stream.linear.gather [spmem:s11], $0x1000, $0x38;
	[tilespmem:$0x1B800] =	vst v63  }
0xa7: {  	s25 =	sadd.s32 $0x1, s25;
	_ =	swait.ge [sflag:s16], $0x1000  }
0xa8: {  	p0 =	sne.s32 s25, s14;
	[sflag:s16] =	ssyncset.done $0x0  }
.Ltmp3:
0xa9: {  	[sflag:s16] =	ssyncadd.s32 $0xFFFFF000;
	(pc) =	sbr.rel @p0 .LBB2_1-.Ltmp3, $4  }
0xaa: {  	[hbm4b:s24+s3] =	stream.linear.scatter [tilespmem:s17], [sflag:$0x1], $0x1000, $0x38;
	[tilespmem:$0x1B800] =	vst v63  }
0xab: {  	_ =	swait.ge [sflag:s16], $0x1000  }
0xac: {  	[sflag:s16] =	ssyncset.done $0x0  }
0xad: {  	[sflag:s16] =	ssyncadd.s32 $0xFFFFF000  }
0xae: {  	_ =	sfence.sel $0x180000  }
0xaf: {  	[bflag:$0x0] =	sbarrier.arrive $0xFFFF  }
0xb0: {  	p0 =	sne.s32 s1, $0x0;
	_ =	strace $0x9000004D  }
0xb1: {  	s0 =	sadd.s32 @!p0 $0x100000, s0;
	[bflag:$0x2] =	sbarrier.arrive $0xFFFF  }
0xb2: {  	[sflag:s0] =	ssyncadd.tile.s32 @!p0 $0x1;
	_ =	shalt  }
.Lfunc_end2:
_tile_overlayer_lowered:
.L_overlay_start_2:
0xb3: {  	(tag) =	ssettag $0x2  }
0xb4: {  	s0 =	rddreg [dreg:$0x0];
	s2 =	stileid.u32  }
0xb5: {  	s1 =	rddreg [dreg:$0x1];
	p0 =	sne.s32 s2, $0x0  }
0xb6: {  	s3 =	rddreg [dreg:$0x2];
	[bflag:$0x3] =	sbarrier.arrive $0xFFFF;
	s2 =	simm.s32 @!p0 $0x1C01  }
0xb7: {  	[timem:s3], [sflag:s2] =	dma.local @!p0 [hbm:s0], s1  }
0xb8: {  	s0 =	simm.s32 @!p0 $0x1  }
0xb9: {  	_ =	swait.ge @!p0 [sflag:s0], s1  }
0xba: {  	s1 =	ssub.s32 @!p0 $0x0, s1;
	[sflag:s0] =	ssyncset.done @!p0 $0x0  }
0xbb: {  	[sflag:s0] =	ssyncadd.s32 @!p0 s1  }
0xbc: {  	[bflag:$0x3] =	sbarrier.arrive $0xFFFF  }
0xbd: {  	_ =	shalt  }

// kernel: kernel.8.cloned.1.call-start
scs
__scs_entry_jumppad:
0x0: {  	(pc) =	sbr.rel $0x88, $3  }
0x1: {  	(tag) =	ssettag $0x0;
	lr =	simm.s32 $0x1  }
0x2: {  	[smem:$0x3F98] =	sst lr;
	_ =	strace $0xD0000000  }
0x3: {  	_ = 	snop  }
0x4: {  	_ = 	snop  }
0x5: {  	_ = 	snop  }
0x6: {  	_ = 	snop  }
0x7: {  	_ = 	snop  }
__scs_overlays_trampoline_lowered:
0x8: {  	[smem:$0x3FA7] =	sst s0  }
0x9: {  	[smem:$0x3FA8] =	sst s1  }
0xa: {  	[smem:$0x3FA9] =	sst s2  }
0xb: {  	[smem:$0x3FAA] =	sst s3  }
0xc: {  	[smem:$0x3FAB] =	sst s4  }
0xd: {  	[smem:$0x3FAC] =	sst s5  }
0xe: {  	[smem:$0x3FAD] =	sst s6  }
0xf: {  	[smem:$0x3FAE] =	sst s7  }
0x10: {  	[smem:$0x3FAF] =	sst s8  }
0x11: {  	[smem:$0x3FB0] =	sst s9;
	s0 =	simm.s32 @!p0 $0x0  }
0x12: {  	s1 =	sld [smem:$0x3F96];
	s0 =	simm.s32 @p0 $0x1  }
0x13: {  	[smem:$0x3FB1] =	sst s0;
	s0 =	simm.s32 @!p1 $0x0  }
0x14: {  	s2 =	sld [smem:$0x3F95];
	s0 =	simm.s32 @p1 $0x1  }
0x15: {  	[smem:$0x3FB2] =	sst s0;
	s0 =	simm.s32 @!p2 $0x0  }
0x16: {  	s3 =	sld [smem:$0x3FDB];
	s0 =	simm.s32 @p2 $0x1  }
0x17: {  	s4 =	simm.s32 $0x1BF5;
	[smem:$0x3FB4] =	sst s0  }
0x18: {  	s0 =	sld [smem:$0x3F97];
	_ =	swait.ge [sflag:s4], $0x0  }
0x19: {  	s7 =	sld [smem:$0x3F98]  }
0x1a: {  	s8 =	sadd.s32 $0xFFFFE003, lr  }
0x1b: {  	s9 =	sadd.s32 $0xFFFFFEF7, lr;
	s5 =	simm.s32 $0xFFFFFFFF;
	p2 =	slt.u32 s8, $0xFFFFF086  }
0x1c: {  	p1 =	slt.u32 s9, $0xF7A;
	s5 =	simm.s32 @!p2 $0x0  }
0x1d: {  	s5 =	simm.s32 @p1 $0x1;
	p0 =	seq.s32 s7, s2  }
0x1e: {  	s7 =	smul.u32 @!p0 $0xF7A, s2;
	p2 =	seq.s32 @!p0 s5, $0x0  }
0x1f: {  	s9 =	smul.u32 $0xF7A, s1;
	s8 =	simm.s32 @!p0 $0x1BF5;
	p2 =	por !p2, p0  }
0x20: {  	[sflag:s8] =	ssyncset.s32 @!p0 $0xFFFFF086;
	s6 =	sadd.s32 @!p0 s3, s7;
	s7 =	simm.s32 @!p0 $0x108  }
0x21: {  	s3 =	sadd.s32 s3, s9;
	s6 =	sadd.s32 @!p0 $0x88, s6;
	s7 =	simm.s32 @p2 $0x1082  }
0x22: {  	[simem:s7], [sflag:s8] =	dma.local @!p0 [hbm:s6], $0xF7A  }
0x23: {  	s9 =	sor.u32 $0xD0000000, s2;
	s6 =	simm.s32 $0x108;
	_ =	swait.ge @!p0 [sflag:s8], $0x0  }
0x24: {  	s3 =	sadd.s32 $0x88, s3;
	s6 =	simm.s32 @!p1 $0x1082;
	[sflag:s4] =	ssyncset.s32 $0xFFFFF086  }
0x25: {  	[simem:s6], [sflag:s4] =	dma.local [hbm:s3], $0xF7A  }
0x26: {  	[smem:$0x3F98] =	sst s1;
	(tag) =	ssettag s2;
	_ =	strace s9  }
0x27: {  	s1 =	sld [smem:$0x3FA8]  }
0x28: {  	s2 =	sld [smem:$0x3FA9]  }
0x29: {  	s4 =	sld [smem:$0x3FAB]  }
0x2a: {  	p0 =	seq.s32 s5, $0x0;
	s5 =	sld [smem:$0x3FAC]  }
0x2b: {  	s6 =	sld [smem:$0x3FAD]  }
0x2c: {  	s7 =	sld [smem:$0x3FAE]  }
0x2d: {  	s3 =	simm.s32 $0x108;
	s8 =	sld [smem:$0x3FAF]  }
0x2e: {  	s3 =	simm.s32 @!p0 $0x1082;
	s9 =	sld [smem:$0x3FB0]  }
0x2f: {  	lr =	sadd.s32 s0, s3;
	s0 =	sld [smem:$0x3FA7]  }
0x30: {  	s3 =	sld [smem:$0x3FAA]  }
0x31: {  	[smem:$0x3FB3] =	sst s10  }
0x32: {  	s10 =	sld [smem:$0x3FB1];
	_ =	sdelay $0x3  }
0x33: {  	p0 =	seq.s32 s10, $0x1;
	s10 =	sld [smem:$0x3FB3];
	_ =	sdelay $0x3  }
0x34: {  	[smem:$0x3FB3] =	sst s10  }
0x35: {  	s10 =	sld [smem:$0x3FB2];
	_ =	sdelay $0x3  }
0x36: {  	p1 =	seq.s32 s10, $0x1;
	s10 =	sld [smem:$0x3FB3];
	_ =	sdelay $0x3  }
0x37: {  	[smem:$0x3FB3] =	sst s10  }
0x38: {  	s10 =	sld [smem:$0x3FB4]  }
0x39: {  	_ = 	snop;
	(pc) =	sbr.ind lr, $3  }
0x3a: {  	_ = 	snop  }
0x3b: {  	_ = 	snop  }
0x3c: {  	p2 =	seq.s32 s10, $0x1;
	s10 =	sld [smem:$0x3FB3]  }
0x3d: {  	_ =	shalt  }
0x3e: {  	_ =	shalt  }
0x3f: {  	_ =	shalt  }
0x40: {  	_ =	shalt  }
0x41: {  	_ =	shalt  }
0x42: {  	_ =	shalt  }
0x43: {  	_ =	shalt  }
0x44: {  	_ =	shalt  }
0x45: {  	_ =	shalt  }
0x46: {  	_ =	shalt  }
0x47: {  	_ =	shalt  }
0x48: {  	_ =	shalt  }
0x49: {  	_ =	shalt  }
0x4a: {  	_ =	shalt  }
0x4b: {  	_ =	shalt  }
0x4c: {  	_ =	shalt  }
0x4d: {  	_ =	shalt  }
0x4e: {  	_ =	shalt  }
0x4f: {  	_ =	shalt  }
0x50: {  	_ =	shalt  }
0x51: {  	_ =	shalt  }
0x52: {  	_ =	shalt  }
0x53: {  	_ =	shalt  }
0x54: {  	_ =	shalt  }
0x55: {  	_ =	shalt  }
0x56: {  	_ =	shalt  }
0x57: {  	_ =	shalt  }
0x58: {  	_ =	shalt  }
0x59: {  	_ =	shalt  }
0x5a: {  	_ =	shalt  }
0x5b: {  	_ =	shalt  }
0x5c: {  	_ =	shalt  }
0x5d: {  	_ =	shalt  }
0x5e: {  	_ =	shalt  }
0x5f: {  	_ =	shalt  }
0x60: {  	_ =	shalt  }
0x61: {  	_ =	shalt  }
0x62: {  	_ =	shalt  }
0x63: {  	_ =	shalt  }
0x64: {  	_ =	shalt  }
0x65: {  	_ =	shalt  }
0x66: {  	_ =	shalt  }
0x67: {  	_ =	shalt  }
0x68: {  	_ =	shalt  }
0x69: {  	_ =	shalt  }
0x6a: {  	_ =	shalt  }
0x6b: {  	_ =	shalt  }
0x6c: {  	_ =	shalt  }
0x6d: {  	_ =	shalt  }
0x6e: {  	_ =	shalt  }
0x6f: {  	_ =	shalt  }
0x70: {  	_ =	shalt  }
0x71: {  	_ =	shalt  }
0x72: {  	_ =	shalt  }
0x73: {  	_ =	shalt  }
0x74: {  	_ =	shalt  }
0x75: {  	_ =	shalt  }
0x76: {  	_ =	shalt  }
0x77: {  	_ =	shalt  }
0x78: {  	_ =	shalt  }
0x79: {  	_ =	shalt  }
0x7a: {  	_ =	shalt  }
0x7b: {  	_ =	shalt  }
0x7c: {  	_ =	shalt  }
0x7d: {  	_ =	shalt  }
0x7e: {  	_ =	shalt  }
0x7f: {  	_ =	shalt  }
0x80: {  	_ =	shalt  }
0x81: {  	_ =	shalt  }
0x82: {  	_ =	shalt  }
0x83: {  	_ =	shalt  }
0x84: {  	_ =	shalt  }
0x85: {  	_ =	shalt  }
0x86: {  	_ =	shalt  }
0x87: {  	_ =	shalt  }
.Lfunc_end0:
.L_simem_size_0:
called_computation_lowered:
.L_overlay_start_0:
0x88: {  	s2 =	sld [smem:$0x3FD9]  }
0x89: {  	s3 =	sld [smem:$0x3FFE];
	_ =	sdelay $0x1  }
0x8a: {  	s1 =	srdreg.scid  }
0x8b: {  	s0 =	sand.u32 $0x1, s1  }
0x8c: {  	s16 =	sshll.u32 s0, $0xA;
	s2 =	sadd.s32 s3, s2  }
0x8d: {  	s2 =	sadd.s32 s2, s16  }
0x8e: {  	[smem:$0x3FBF] =	sst s2  }
0x8f: {  	_ = 	snop  }
0x90: {  	(tm) =	ssettm $0x1  }
0x91: {  	s17 =	sld [smem:$0x3FFB];
	_ =	sdelay $0x3  }
0x92: {  	_ =	strace s17  }
0x93: {  	s2 =	sld [smem:$0x3FFC];
	_ =	sdelay $0x3  }
0x94: {  	_ =	strace s2  }
0x95: {  	s2 =	sld [smem:$0x3FFD];
	_ =	sdelay $0x3  }
0x96: {  	_ =	strace s2  }
0x97: {  	_ =	strace $0x8FFFFFFF  }
0x98: {  	s18 =	sld [smem:$0x3FDB];
	_ =	sdelay $0x1  }
0x99: {  	s19 =	simm.s32 $_scs_section_size  }
0x9a: {  	s4 =	simm.s32 $_size__tile_overlayer_lowered;
	s5 =	simm.s32 $_tile_overlayer_lowered  }
0x9b: {  	s22 =	simm.s32 $0x1BFF;
	s21 =	sshll.u32 s5, $0x1;
	s2 =	sadd.s32 s19, s18  }
0x9c: {  	s6 =	simm.s32 $0x0;
	s20 =	sshll.u32 s4, $0x1;
	s4 =	sadd.s32 s21, s2  }
0x9d: {  	[timem:s6], [sflag:s22] =	dma.local [hbm:s4], s20  }
0x9e: {  	_ =	swait.ge [sflag:s22], s20  }
0x9f: {  	s3 =	ssub.s32 $0x0, s20;
	[sflag:s22] =	ssyncset.done $0x0  }
0xa0: {  	[sflag:s22] =	ssyncadd.s32 s3;
	_ =	sdelay $0x1  }
0xa1: {  	s23 =	simm.s32 $0x1B8B  }
0xa2: {  	_ =	swait.ge [sflag:s23], $0x1  }
0xa3: {  	[sflag:s23] =	ssyncset.done $0x0  }
0xa4: {  	s25 =	simm.s32 $0x1B8E;
	s24 =	sld [smem:$0x3FFE];
	[sflag:s23] =	ssyncadd.s32 $0xFFFFFFFF  }
0xa5: {  	s26 =	simm.s32 $execute0_lowered;
	[smem:$0x3FD2] =	sst s25  }
0xa6: {  	s4 =	sshll.u32 s26, $0x1;
	_ =	strace $0x80000046;
	[dreg:$0x1] =	wrdreg $0xFFFFFFFF  }
0xa7: {  	s28 =	simm.s32 $_size_execute0_lowered;
	s2 =	sadd.s32 s2, s4;
	[dreg:$0x0] =	wrdreg $0x0  }
0xa8: {  	s4 =	sshll.u32 s28, $0x1;
	[dreg:$0x2] =	wrdreg s2  }
0xa9: {  	[dreg:$0x3] =	wrdreg s4  }
0xaa: {  	[dreg:$0x4] =	wrdreg $0xC0  }
0xab: {  	_ =	task [dreg:s6], $0x5FFFF  }
0xac: {  	[dreg:$0x1] =	wrdreg $0xFFFFFFFF  }
0xad: {  	[dreg:$0x0] =	wrdreg $0x60  }
0xae: {  	[dreg:$0x2] =	wrdreg s24  }
0xaf: {  	[dreg:$0x3] =	wrdreg $0x9  }
0xb0: {  	_ =	task.clear_ibuf [dreg:s6], $0x4FFFF;
	_ =	strace $0x90000046  }
0xb1: {  	s29 =	simm.s32 $0x9;
	_ =	strace $0x80000048  }
0xb2: {  	_ =	swait.ge [sflag:s29], $0x1  }
0xb3: {  	[sflag:s29] =	ssyncadd.s32 $0xFFFFFFFF  }
0xb4: {  	_ =	strace $0x90000048  }
0xb5: {  	_ =	sfence  }
0xb6: {  	s30 =	sld [smem:$0x0];
	_ =	sdelay $0x2  }
0xb7: {  	s31 =	sshll.u32 s1, $0xD;
	s1 =	sshrl.u32 s1, $0x2  }
0xb8: {  	s3 =	sand.u32 $0x4000, s31;
	s1 =	sadd.s32 s1, s30  }
0xb9: {  	s0 =	sor.u32 s3, s0;
	s1 =	sshll.u32 s1, $0x11  }
0xba: {  	s0 =	sor.u32 s1, s0  }
0xbb: {  	s0 =	sadd.s32 $0x8F2B, s0  }
0xbc: {  	[sflag:s0] =	ssyncadd.remote.s32 $0x1  }
0xbd: {  	_ =	sfence.sel $0xFFFF  }
0xbe: {  	[dreg:$0x0] =	wrdreg $0xFFFFFFFF;
	(pc) =	sbr.abs _section_cstart, $3  }
0xbf: {  	[dreg:$0x1] =	wrdreg $0xFFFFFFFF  }
0xc0: {  	_ =	task.clear_ibuf [dreg:s6], $0x2FFFF;
	_ =	strace $0x9FFFFFFF  }
0xc1: {  	(tm) =	ssettm $0x7FFFFFFF  }
tec
execute0_lowered:
.L_overlay_start_1:
0x0: {  	(tag) =	ssettag $0x1  }
0x1: {  	s0 =	srdreg.scid  }
0x2: {  	s3 =	sand.u32 $0x1, s0  }
0x3: {  	s4 =	rddreg [dreg:$0x0];
	s0 =	stileid.u32;
	s1 =	sshll.u32 s3, $0x4  }
0x4: {  	s2 =	simm.s32 $0x0;
	s8 =	simm.s32 $0x0;
	s5 =	sor.u32 s0, s1  }
0x5: {  	[smem:$0x7FF] =	sst s2;
	s3 =	ssub.s32 $0x2, s3;
	s6 =	smul.u32 $0x2780, s5  }
0x6: {  	s1 =	rddreg [dreg:$0x1];
	s7 =	sshrl.u32 s3, $0x1;
	s5 =	smul.u32 $0x4F0, s5  }
0x7: {  	_ =	strace $0x80000047;
	s31 =	ssub.s32 s3, s7;
	s7 =	simm.s32 $0x13C00  }
0x8: {  	s6 =	sadd.s32 s6, s4;
	s4 =	sadd.s32 s5, s4;
	s5 =	smax.u32 s31, $0x1  }
0x9: {  	v0 =	vimm.f32 $0.0e+00;
	v1 =	vimm.f32 $1.000000000e+00;
	s3 =	sadd.s32 $0x2200, s6;
	s4 =	sadd.s32 $0x51200, s4;
	s6 =	simm.s32 $0x1  }
.LBB2_1:
0xa: {  	[tilespmem:s2], [sflag:$0x1] =	stream.linear.gather [hbm4b:s3+s2], $0x13880, $0x38;
	[tilespmem:$0x16380] =	vst v63  }
0xb: {  	_ =	swait.ge [sflag:s6], $0x13880  }
0xc: {  	[sflag:s6] =	ssyncset.done $0x0  }
0xd: {  	s9 =	simm.s32 $0x0;
	[sflag:s6] =	ssyncadd.s32 $0xFFFEC780  }
.LBB2_2:
0xe: {  	p0 =	sne.s32 s9, $0x9DC0  }
.Ltmp0:
0xf: {  	_ = 	snop;
	(pc) =	sbr.rel @p0 .LBB2_2-.Ltmp0, $3  }
0x10: {  	_ =	sdelay $0x1  }
0x11: {  	s10 =	sshra.s32 s9, $0x2  }
0x12: {  	s9 =	sadd.s32 $0x40, s9;
	[tilespmem:s10+$0x13C00] =	vst v0  }
0x13: {  	s10 =	simm.s32 $0x0;
	s9 =	simm.s32 $0x200  }
.LBB2_4:
0x14: {  	p0 =	sne.s32 s9, $0x4E000;
	v2 =	vld [tilespmem:s10+$0x0];
	_ =	sdelay $0x3  }
.Ltmp1:
0x15: {  	(pc) =	sbr.rel @p0 .LBB2_4-.Ltmp1, $2  }
0x16: {  	_ =	sdelay $0x2  }
0x17: {  	s10 =	sshra.s32 s9, $0x2;
	s9 =	sadd.s32 $0x200, s9;
	[tilespmem:v2+s7+$0x0] =	vst.idx.add.f32.msk $0xffff, v1  }
0x18: {  	v2 =	vld [tilespmem:s10+$0x0];
	_ =	sdelay $0x5  }
0x19: {  	s8 =	sadd.s32 $0x1, s8  }
0x1a: {  	p0 =	sne.s32 s8, s5  }
.Ltmp2:
0x1b: {  	[tilespmem:v2+s7+$0x0] =	vst.idx.add.f32.msk $0xffff, v1;
	(pc) =	sbr.rel @p0 .LBB2_1-.Ltmp2, $4  }
0x1c: {  	[hbm4b:s4+s2] =	stream.linear.scatter [tilespmem:s7], [sflag:$0x1], $0x2780, $0x38;
	[tilespmem:$0x16380] =	vst v63  }
0x1d: {  	_ =	swait.ge [sflag:s6], $0x2780  }
0x1e: {  	[sflag:s6] =	ssyncset.done $0x0  }
0x1f: {  	[sflag:s6] =	ssyncadd.s32 $0xFFFFD880  }
0x20: {  	_ =	sfence.sel $0x180000  }
0x21: {  	[bflag:$0x0] =	sbarrier.arrive $0xFFFF  }
0x22: {  	p0 =	sne.s32 s0, $0x0;
	_ =	strace $0x90000047  }
0x23: {  	s0 =	sadd.s32 @!p0 $0x100000, s1;
	[bflag:$0x2] =	sbarrier.arrive $0xFFFF  }
0x24: {  	[sflag:s0] =	ssyncadd.tile.s32 @!p0 $0x1;
	_ =	shalt  }
.Lfunc_end2:
_tile_overlayer_lowered:
.L_overlay_start_2:
0x25: {  	(tag) =	ssettag $0x2  }
0x26: {  	s0 =	rddreg [dreg:$0x0];
	s2 =	stileid.u32  }
0x27: {  	s1 =	rddreg [dreg:$0x1];
	p0 =	sne.s32 s2, $0x0  }
0x28: {  	s3 =	rddreg [dreg:$0x2];
	[bflag:$0x3] =	sbarrier.arrive $0xFFFF;
	s2 =	simm.s32 @!p0 $0x1C01  }
0x29: {  	[timem:s3], [sflag:s2] =	dma.local @!p0 [hbm:s0], s1  }
0x2a: {  	s0 =	simm.s32 @!p0 $0x1  }
0x2b: {  	_ =	swait.ge @!p0 [sflag:s0], s1  }
0x2c: {  	s1 =	ssub.s32 @!p0 $0x0, s1;
	[sflag:s0] =	ssyncset.done @!p0 $0x0  }
0x2d: {  	[sflag:s0] =	ssyncadd.s32 @!p0 s1  }
0x2e: {  	[bflag:$0x3] =	sbarrier.arrive $0xFFFF  }
0x2f: {  	_ =	shalt  }

</sc_bundles>
